<compile_context>
chip_gen: v7x
topology: tpu7x:2x2x1
jax: 0.10.2.dev20260603
libtpu: 0.0.44.dev20260713+nightly
codegen_flags: <defaults>
</compile_context>

<pallas_src>
import functools

import jax
import jax.numpy as jnp
from jax import lax
from jax.experimental import pallas as pl
from jax.experimental.pallas import tpu as pltpu
from jax.experimental.pallas import tpu_sc as plsc

L = 16
GFg = 4
GE = 8
W_PER = 4
CHUNK = 2000


def _front_body(x_ref, wp_ref, bp_ref, w1e_ref, w1o_ref, b1e_ref, b1o_ref,
                h_ref, tp_ref):
    xb = x_ref[...]
    hb = jnp.dot(xb, wp_ref[...], preferred_element_type=jnp.float32) + bp_ref[...]
    h_ref[...] = hb
    ze = lax.dot_general(w1e_ref[...], hb, (((0,), (1,)), ((), ())),
                         preferred_element_type=jnp.float32) + b1e_ref[...]
    zo = lax.dot_general(w1o_ref[...], hb, (((0,), (1,)), ((), ())),
                         preferred_element_type=jnp.float32) + b1o_ref[...]
    se = 1.0 / (1.0 + jnp.exp(-ze))
    so = 1.0 / (1.0 + jnp.exp(-zo))
    ue = lax.bitcast_convert_type(se.astype(jnp.bfloat16), jnp.uint16)
    uo = lax.bitcast_convert_type(so.astype(jnp.bfloat16), jnp.uint16)
    word = ue.astype(jnp.uint32) | (uo.astype(jnp.uint32) << 16)
    tp_ref[...] = lax.bitcast_convert_type(word, jnp.int32)


def _back_body(h_ref, agg_ref, cnt_ref, wt_ref, wbe_ref, wbo_ref, bf_ref,
               o_ref):
    w = lax.bitcast_convert_type(agg_ref[...], jnp.uint32)
    lo = lax.bitcast_convert_type(w << 16, jnp.float32)
    hi = lax.bitcast_convert_type(w & jnp.uint32(0xFFFF0000), jnp.float32)
    alo = jnp.max(lo, axis=0)
    ahi = jnp.max(hi, axis=0)
    c = jnp.sum(cnt_ref[...], axis=0, dtype=jnp.int32)
    msk = (c > 1)[None, :]
    alo = jnp.where(msk, alo, 0.0)
    ahi = jnp.where(msk, ahi, 0.0)
    o_ref[...] = (
        jnp.dot(h_ref[...], wt_ref[...], preferred_element_type=jnp.float32)
        + lax.dot_general(alo, wbe_ref[...], (((0,), (0,)), ((), ())),
                          preferred_element_type=jnp.float32)
        + lax.dot_general(ahi, wbo_ref[...], (((0,), (0,)), ((), ())),
                          preferred_element_type=jnp.float32)
        + bf_ref[...]
    )


def _sc_body(N, E, tp_hbm, src_hbm, dst_hbm, agg_out, cnt_out,
             t0, t1, t2, t3, a0, a1, a2, a3,
             own_a, own_b, cnt_v, sb0, db0, sb1, db1, sem):
    i32 = jnp.int32
    cid = lax.axis_index("c").astype(i32)
    sid = lax.axis_index("s").astype(i32)
    wid = sid * i32(2) + cid
    gf = wid // i32(GE)
    ge = wid % i32(GE)
    epg = E // GE
    base = ge * i32(epg)
    nchunk = epg // CHUNK

    lane = lax.iota(jnp.int32, L)
    ones_i = jnp.ones((L,), jnp.int32)
    t_w = [t0, t1, t2, t3]
    agg_w = [a0, a1, a2, a3]

    for w in range(W_PER):
        pltpu.sync_copy(tp_hbm.at[gf * i32(W_PER) + i32(w)], t_w[w])

    def _z(i, carry):
        o = i * i32(L)
        z16i = jnp.zeros((L,), jnp.int32)
        for w in range(W_PER):
            agg_w[w][pl.ds(o, L)] = z16i
        cnt_v[pl.ds(o, L)] = z16i
        return carry
    lax.fori_loop(i32(0), i32(N // L), _z, i32(0))

    def _rmw(w, avec, bvec, mask):
        val = plsc.load_gather(t_w[w], [bvec])
        cur = plsc.load_gather(agg_w[w], [avec])
        mx = jnp.maximum(plsc.bitcast(val, jnp.bfloat16),
                         plsc.bitcast(cur, jnp.bfloat16))
        plsc.store_scatter(agg_w[w], [avec], plsc.bitcast(mx, jnp.int32),
                           mask=mask)

    def _direction(avec, bvec, own_v):
        @pl.when(gf == i32(0))
        def _():
            plsc.addupdate_scatter(cnt_v, [avec], ones_i)
        plsc.store_scatter(own_v, [avec], lane)
        rb = plsc.load_gather(own_v, [avec])
        win = rb == lane
        for w in range(W_PER):
            _rmw(w, avec, bvec, win)
        rem = jnp.where(win, jnp.zeros((L,), jnp.int32), ones_i)

        def _wcond(r):
            return jnp.max(r) > i32(0)

        def _wbody(r):
            m = r > 0
            plsc.store_scatter(own_v, [avec], lane, mask=m)
            rb2 = plsc.load_gather(own_v, [avec])
            win2 = m & (rb2 == lane)
            for w in range(W_PER):
                _rmw(w, avec, bvec, win2)
            return jnp.where(win2, jnp.zeros((L,), jnp.int32), r)

        lax.while_loop(_wcond, _wbody, rem)

    bufs = ((sb0, db0), (sb1, db1))

    def _process(b):
        sb, db = bufs[b]

        def _grp(k, carry):
            o = k * i32(L)
            svec = sb[pl.ds(o, L)]
            dvec = db[pl.ds(o, L)]
            _direction(dvec, svec, own_a)
            _direction(svec, dvec, own_b)
            return carry
        lax.fori_loop(i32(0), i32(CHUNK // L), _grp, i32(0))

    def _start(ci, b):
        off = base + ci * i32(CHUNK)
        sb, db = bufs[b]
        pltpu.async_copy(src_hbm.at[pl.ds(off, CHUNK)], sb, sem.at[i32(b), i32(0)])
        pltpu.async_copy(dst_hbm.at[pl.ds(off, CHUNK)], db, sem.at[i32(b), i32(1)])

    def _wait(b):
        sb, db = bufs[b]
        pltpu.make_async_copy(src_hbm.at[pl.ds(base, CHUNK)], sb,
                              sem.at[i32(b), i32(0)]).wait()
        pltpu.make_async_copy(dst_hbm.at[pl.ds(base, CHUNK)], db,
                              sem.at[i32(b), i32(1)]).wait()

    _start(i32(0), 0)
    _start(i32(1), 1)

    def _outer(ci2, carry):
        for b in range(2):
            ci = ci2 * i32(2) + i32(b)
            _wait(b)
            _process(b)
            nxt = ci + i32(2)

            @pl.when(nxt < i32(nchunk))
            def _():
                _start(nxt, b)
        return carry
    lax.fori_loop(i32(0), i32(nchunk // 2), _outer, i32(0))

    for w in range(W_PER):
        pltpu.sync_copy(agg_w[w], agg_out.at[ge, gf * i32(W_PER) + i32(w)])

    @pl.when(gf == i32(0))
    def _():
        pltpu.sync_copy(cnt_v, cnt_out.at[ge])


def kernel(x, edge_index, W_proj, b_proj, W1, b1, b_n1, W_ffnn, b_ffnn):
    N, D = x.shape
    H = W_proj.shape[1]
    E = edge_index.shape[1]
    NP = H // 2
    x = x.astype(jnp.float32)
    edges = edge_index.astype(jnp.int32)
    W1f = W1.astype(jnp.float32)
    b1f = (b1 + b_n1).astype(jnp.float32)
    Wb = W_ffnn[H:].astype(jnp.float32)

    h, t_pack = pl.pallas_call(
        _front_body,
        out_shape=[
            jax.ShapeDtypeStruct((N, H), jnp.float32),
            jax.ShapeDtypeStruct((NP, N), jnp.int32),
        ],
    )(x, W_proj.astype(jnp.float32), b_proj.astype(jnp.float32)[None, :],
      W1f[:, 0::2], W1f[:, 1::2], b1f[0::2][:, None], b1f[1::2][:, None])

    mesh = plsc.VectorSubcoreMesh(core_axis_name="c", subcore_axis_name="s",
                                  num_cores=2, num_subcores=16)
    sc = pl.kernel(
        functools.partial(_sc_body, N, E),
        out_type=[
            jax.ShapeDtypeStruct((GE, NP, N), jnp.int32),
            jax.ShapeDtypeStruct((GE, N), jnp.int32),
        ],
        mesh=mesh,
        compiler_params=pltpu.CompilerParams(needs_layout_passes=False),
        scratch_types=[
            pltpu.VMEM((N,), jnp.int32),
            pltpu.VMEM((N,), jnp.int32),
            pltpu.VMEM((N,), jnp.int32),
            pltpu.VMEM((N,), jnp.int32),
            pltpu.VMEM((N,), jnp.int32),
            pltpu.VMEM((N,), jnp.int32),
            pltpu.VMEM((N,), jnp.int32),
            pltpu.VMEM((N,), jnp.int32),
            pltpu.VMEM((N,), jnp.int32),
            pltpu.VMEM((N,), jnp.int32),
            pltpu.VMEM((N,), jnp.int32),
            pltpu.VMEM((CHUNK,), jnp.int32),
            pltpu.VMEM((CHUNK,), jnp.int32),
            pltpu.VMEM((CHUNK,), jnp.int32),
            pltpu.VMEM((CHUNK,), jnp.int32),
            pltpu.SemaphoreType.DMA((2, 2)),
        ],
    )
    agg_parts, counts = sc(t_pack, edges[0], edges[1])

    out = pl.pallas_call(
        _back_body,
        out_shape=jax.ShapeDtypeStruct((N, H), jnp.float32),
    )(h, agg_parts, counts,
      W_ffnn[:H].astype(jnp.float32), Wb[0::2], Wb[1::2],
      b_ffnn.astype(jnp.float32)[None, :])
    return out

# --- scband reference (transcript-rebuilt; emitter-appended) ---
"""Pipeline reference for scband-graph-sageencoder-59030030516960 (READ-ONLY COPY).

The authoritative reference and input builder live on the scoring server;
editing this copy changes nothing except your own understanding.
"""

import jax, jax.numpy as jnp
import numpy as np
jax.config.update("jax_enable_x64", True)

N = 10000
E = 320000
D = 128
H = 32

def setup_inputs(seed: int = 0) -> dict:
    key = jax.random.key(seed)
    ks = jax.random.split(key, 6)
    x = jax.random.normal(ks[0], (N, D), dtype=jnp.float32)
    edge_index = jax.random.randint(ks[1], (2, E), 0, N, dtype=jnp.int64)
    s = 0.05
    W_proj = jax.random.normal(ks[2], (D, H), dtype=jnp.float32) * s
    b_proj = jnp.zeros((H,), dtype=jnp.float32)
    W1 = jax.random.normal(ks[3], (H, H), dtype=jnp.float32) * s
    b1 = jnp.zeros((H,), dtype=jnp.float32)
    b_n1 = jnp.zeros((H,), dtype=jnp.float32)
    W_ffnn = jax.random.normal(ks[4], (2 * H, H), dtype=jnp.float32) * s
    b_ffnn = jnp.zeros((H,), dtype=jnp.float32)
    return {"x": x, "edge_index": edge_index, "W_proj": W_proj, "b_proj": b_proj,
            "W1": W1, "b1": b1, "b_n1": b_n1, "W_ffnn": W_ffnn, "b_ffnn": b_ffnn}

def reference(x, edge_index, W_proj, b_proj, W1, b1, b_n1, W_ffnn, b_ffnn):
    # input projection (input_dim != hidden_dim)
    h = x @ W_proj + b_proj
    # per-node neighbor transform: sigmoid(W_neighbor1 h + linear_bias + b_neighbor1)
    t = jax.nn.sigmoid(h @ W1 + b1 + b_n1)
    src = edge_index[0]
    dst = edge_index[1]
    # neighbors(v) = predecessors(v) U successors(v): edge (s,d) contributes
    # t[s] to node d and t[d] to node s; max-aggregate per node
    seg_ids = jnp.concatenate([dst, src])
    vals = t[jnp.concatenate([src, dst])]
    agg = jax.ops.segment_max(vals, seg_ids, num_segments=N)
    count = jnp.bincount(seg_ids, length=N)
    # original code: only aggregate if len(neighbors) > 1, else zeros
    agg = jnp.where((count > 1)[:, None], agg, jnp.zeros_like(agg))
    combined = jnp.concatenate([h, agg], axis=1)
    return combined @ W_ffnn + b_ffnn

if __name__ == "__main__":
    import jax
    _d = setup_inputs()
    print(jax.jit(kernel)(*tuple(_d.values())))

</pallas_src>

<mosaic_0001>
#map = affine_map<(d0, d1) -> (0, 0)>
#map1 = affine_map<(d0, d1) -> (0)>
#map2 = affine_map<(d0, d1) -> (0, 0, 0)>
module attributes {stable_mosaic.version = 14 : i64} {
  func.func @_sc_body(%arg0: i32, %arg1: i32, %arg2: memref<16x10000xi32, #tpu.memory_space<hbm>>, %arg3: memref<320000xi32, #tpu.memory_space<hbm>>, %arg4: memref<320000xi32, #tpu.memory_space<hbm>>, %arg5: memref<8x16x10000xi32, #tpu.memory_space<hbm>>, %arg6: memref<8x10000xi32, #tpu.memory_space<hbm>>, %arg7: memref<10000xi32, #tpu.memory_space<vmem>>, %arg8: memref<10000xi32, #tpu.memory_space<vmem>>, %arg9: memref<10000xi32, #tpu.memory_space<vmem>>, %arg10: memref<10000xi32, #tpu.memory_space<vmem>>, %arg11: memref<10000xi32, #tpu.memory_space<vmem>>, %arg12: memref<10000xi32, #tpu.memory_space<vmem>>, %arg13: memref<10000xi32, #tpu.memory_space<vmem>>, %arg14: memref<10000xi32, #tpu.memory_space<vmem>>, %arg15: memref<10000xi32, #tpu.memory_space<vmem>>, %arg16: memref<10000xi32, #tpu.memory_space<vmem>>, %arg17: memref<10000xi32, #tpu.memory_space<vmem>>, %arg18: memref<2000xi32, #tpu.memory_space<vmem>>, %arg19: memref<2000xi32, #tpu.memory_space<vmem>>, %arg20: memref<2000xi32, #tpu.memory_space<vmem>>, %arg21: memref<2000xi32, #tpu.memory_space<vmem>>, %arg22: memref<2x2x!tpu.dma_semaphore, #tpu.memory_space<semaphore_mem>>) attributes {dimension_semantics = [#tpu.dimension_semantics<core_parallel>, #tpu.dimension_semantics<subcore_parallel>], iteration_bounds = array<i64: 2, 16>, scalar_prefetch = 0 : i64, scratch_operands = 16 : i64, tpu.core_type = #tpu.core_type<sc_vector_subcore>, window_params = [{transform_indices = #map}, {transform_indices = #map1}, {transform_indices = #map1}, {transform_indices = #map2}, {transform_indices = #map}]} {
    %mul3A = arith.constant 2 : i32
    %mul3A_0 = arith.muli %arg1, %mul3A : i32
    %add3A = arith.addi %mul3A_0, %arg0 : i32
    %jit3A = arith.constant 8 : i32
    %div3A = arith.divsi %add3A, %jit3A : i32
    %sign3A = arith.constant 0 : i32
    %sign3A_1 = arith.cmpi sgt, %add3A, %sign3A : i32
    %sign3A_2 = arith.extui %sign3A_1 : i1 to i32
    %sign3A_3 = arith.constant 0 : i32
    %sign3A_4 = arith.cmpi slt, %add3A, %sign3A_3 : i32
    %sign3A_5 = arith.extui %sign3A_4 : i1 to i32
    %sign3A_6 = arith.subi %sign3A_2, %sign3A_5 : i32
    %sign3A_7 = arith.constant 0 : i32
    %sign3A_8 = arith.cmpi sgt, %jit3A, %sign3A_7 : i32
    %sign3A_9 = arith.extui %sign3A_8 : i1 to i32
    %sign3A_10 = arith.constant 0 : i32
    %sign3A_11 = arith.cmpi slt, %jit3A, %sign3A_10 : i32
    %sign3A_12 = arith.extui %sign3A_11 : i1 to i32
    %sign3A_13 = arith.subi %sign3A_9, %sign3A_12 : i32
    %ne3A = arith.cmpi ne, %sign3A_6, %sign3A_13 : i32
    %rem3A = arith.remsi %add3A, %jit3A : i32
    %ne3A_14 = arith.constant 0 : i32
    %ne3A_15 = arith.cmpi ne, %rem3A, %ne3A_14 : i32
    %and3A = arith.andi %ne3A, %ne3A_15 : i1
    %sub3A = arith.constant 1 : i32
    %sub3A_16 = arith.subi %div3A, %sub3A : i32
    %select_n3A = arith.select %and3A, %sub3A_16, %div3A : i32
    %jit3A_17 = arith.constant 8 : i32
    %eq3A = arith.constant 0 : i32
    %eq3A_18 = arith.cmpi eq, %jit3A_17, %eq3A : i32
    %jit3A_19 = arith.constant 1 : i32
    %select_n3A_20 = arith.select %eq3A_18, %jit3A_19, %jit3A_17 : i32
    %rem3A_21 = arith.remsi %add3A, %select_n3A_20 : i32
    %ne3A_22 = arith.constant 0 : i32
    %ne3A_23 = arith.cmpi ne, %rem3A_21, %ne3A_22 : i32
    %lt3A = arith.constant 0 : i32
    %lt3A_24 = arith.cmpi slt, %rem3A_21, %lt3A : i32
    %lt3A_25 = arith.constant 0 : i32
    %lt3A_26 = arith.cmpi slt, %select_n3A_20, %lt3A_25 : i32
    %ne3A_27 = arith.xori %lt3A_24, %lt3A_26 : i1
    %and3A_28 = arith.andi %ne3A_27, %ne3A_23 : i1
    %add3A_29 = arith.addi %rem3A_21, %select_n3A_20 : i32
    %select_n3A_30 = arith.select %and3A_28, %add3A_29, %rem3A_21 : i32
    %mul3A_31 = arith.constant 40000 : i32
    %mul3A_32 = arith.muli %select_n3A_30, %mul3A_31 : i32
    %iota3A = tpu.iota {dimensions = array<i32: 0>} : vector<16xi32>
    %broadcast_in_dim3A = arith.constant 1 : i32
    %broadcast_in_dim3A_33 = vector.broadcast %broadcast_in_dim3A : i32 to vector<16xi32>
    %mul3A_34 = arith.constant 4 : i32
    %mul3A_35 = arith.muli %select_n3A, %mul3A_34 : i32
    %add3A_36 = arith.constant 0 : i32
    %add3A_37 = arith.addi %mul3A_35, %add3A_36 : i32
    "tpu.region"() ({
      %run_scoped3A = tpu.sem_alloc : memref<!tpu.dma_semaphore, #tpu.memory_space<semaphore_mem>>
      %dma_start3A_121 = arith.constant 0 : i32
      %dma_start3A_122 = tpu.memref_slice %arg2[%add3A_37, %dma_start3A_121] : memref<16x10000xi32, #tpu.memory_space<hbm>> -> memref<1x10000xi32, #tpu.memory_space<hbm>>
      %dma_start3A_123 = tpu.memref_squeeze %dma_start3A_122 : memref<1x10000xi32, #tpu.memory_space<hbm>> -> memref<10000xi32, #tpu.memory_space<hbm>>
      %dma_start3A_124 = arith.constant 0 : i32
      %dma_start3A_125 = tpu.memref_slice %arg2[%add3A_37, %dma_start3A_124] : memref<16x10000xi32, #tpu.memory_space<hbm>> -> memref<1x10000xi32, #tpu.memory_space<hbm>>
      %dma_start3A_126 = tpu.memref_squeeze %dma_start3A_125 : memref<1x10000xi32, #tpu.memory_space<hbm>> -> memref<10000xi32, #tpu.memory_space<hbm>>
      tpu.enqueue_dma source(%dma_start3A_126 : memref<10000xi32, #tpu.memory_space<hbm>>) target(%arg7 : memref<10000xi32, #tpu.memory_space<vmem>>) target_semaphore(%run_scoped3A : memref<!tpu.dma_semaphore, #tpu.memory_space<semaphore_mem>>)
      %dma_wait3A = arith.constant 0 : i32
      %dma_wait3A_127 = tpu.memref_slice %arg2[%add3A_37, %dma_wait3A] : memref<16x10000xi32, #tpu.memory_space<hbm>> -> memref<1x10000xi32, #tpu.memory_space<hbm>>
      %dma_wait3A_128 = tpu.memref_squeeze %dma_wait3A_127 : memref<1x10000xi32, #tpu.memory_space<hbm>> -> memref<10000xi32, #tpu.memory_space<hbm>>
      %dma_wait3A_129 = arith.constant 0 : i32
      %dma_wait3A_130 = tpu.memref_slice %arg2[%add3A_37, %dma_wait3A_129] : memref<16x10000xi32, #tpu.memory_space<hbm>> -> memref<1x10000xi32, #tpu.memory_space<hbm>>
      %dma_wait3A_131 = tpu.memref_squeeze %dma_wait3A_130 : memref<1x10000xi32, #tpu.memory_space<hbm>> -> memref<10000xi32, #tpu.memory_space<hbm>>
      tpu.wait_dma2 semaphore(%run_scoped3A : memref<!tpu.dma_semaphore, #tpu.memory_space<semaphore_mem>>) src(%dma_wait3A_131 : memref<10000xi32, #tpu.memory_space<hbm>>) dst(%arg7 : memref<10000xi32, #tpu.memory_space<vmem>>)
      tpu.yield
    }) : () -> ()
    %mul3A_38 = arith.constant 4 : i32
    %mul3A_39 = arith.muli %select_n3A, %mul3A_38 : i32
    %add3A_40 = arith.constant 1 : i32
    %add3A_41 = arith.addi %mul3A_39, %add3A_40 : i32
    "tpu.region"() ({
      %run_scoped3A = tpu.sem_alloc : memref<!tpu.dma_semaphore, #tpu.memory_space<semaphore_mem>>
      %dma_start3A_121 = arith.constant 0 : i32
      %dma_start3A_122 = tpu.memref_slice %arg2[%add3A_41, %dma_start3A_121] : memref<16x10000xi32, #tpu.memory_space<hbm>> -> memref<1x10000xi32, #tpu.memory_space<hbm>>
      %dma_start3A_123 = tpu.memref_squeeze %dma_start3A_122 : memref<1x10000xi32, #tpu.memory_space<hbm>> -> memref<10000xi32, #tpu.memory_space<hbm>>
      %dma_start3A_124 = arith.constant 0 : i32
      %dma_start3A_125 = tpu.memref_slice %arg2[%add3A_41, %dma_start3A_124] : memref<16x10000xi32, #tpu.memory_space<hbm>> -> memref<1x10000xi32, #tpu.memory_space<hbm>>
      %dma_start3A_126 = tpu.memref_squeeze %dma_start3A_125 : memref<1x10000xi32, #tpu.memory_space<hbm>> -> memref<10000xi32, #tpu.memory_space<hbm>>
      tpu.enqueue_dma source(%dma_start3A_126 : memref<10000xi32, #tpu.memory_space<hbm>>) target(%arg8 : memref<10000xi32, #tpu.memory_space<vmem>>) target_semaphore(%run_scoped3A : memref<!tpu.dma_semaphore, #tpu.memory_space<semaphore_mem>>)
      %dma_wait3A = arith.constant 0 : i32
      %dma_wait3A_127 = tpu.memref_slice %arg2[%add3A_41, %dma_wait3A] : memref<16x10000xi32, #tpu.memory_space<hbm>> -> memref<1x10000xi32, #tpu.memory_space<hbm>>
      %dma_wait3A_128 = tpu.memref_squeeze %dma_wait3A_127 : memref<1x10000xi32, #tpu.memory_space<hbm>> -> memref<10000xi32, #tpu.memory_space<hbm>>
      %dma_wait3A_129 = arith.constant 0 : i32
      %dma_wait3A_130 = tpu.memref_slice %arg2[%add3A_41, %dma_wait3A_129] : memref<16x10000xi32, #tpu.memory_space<hbm>> -> memref<1x10000xi32, #tpu.memory_space<hbm>>
      %dma_wait3A_131 = tpu.memref_squeeze %dma_wait3A_130 : memref<1x10000xi32, #tpu.memory_space<hbm>> -> memref<10000xi32, #tpu.memory_space<hbm>>
      tpu.wait_dma2 semaphore(%run_scoped3A : memref<!tpu.dma_semaphore, #tpu.memory_space<semaphore_mem>>) src(%dma_wait3A_131 : memref<10000xi32, #tpu.memory_space<hbm>>) dst(%arg8 : memref<10000xi32, #tpu.memory_space<vmem>>)
      tpu.yield
    }) : () -> ()
    %mul3A_42 = arith.constant 4 : i32
    %mul3A_43 = arith.muli %select_n3A, %mul3A_42 : i32
    %add3A_44 = arith.constant 2 : i32
    %add3A_45 = arith.addi %mul3A_43, %add3A_44 : i32
    "tpu.region"() ({
      %run_scoped3A = tpu.sem_alloc : memref<!tpu.dma_semaphore, #tpu.memory_space<semaphore_mem>>
      %dma_start3A_121 = arith.constant 0 : i32
      %dma_start3A_122 = tpu.memref_slice %arg2[%add3A_45, %dma_start3A_121] : memref<16x10000xi32, #tpu.memory_space<hbm>> -> memref<1x10000xi32, #tpu.memory_space<hbm>>
      %dma_start3A_123 = tpu.memref_squeeze %dma_start3A_122 : memref<1x10000xi32, #tpu.memory_space<hbm>> -> memref<10000xi32, #tpu.memory_space<hbm>>
      %dma_start3A_124 = arith.constant 0 : i32
      %dma_start3A_125 = tpu.memref_slice %arg2[%add3A_45, %dma_start3A_124] : memref<16x10000xi32, #tpu.memory_space<hbm>> -> memref<1x10000xi32, #tpu.memory_space<hbm>>
      %dma_start3A_126 = tpu.memref_squeeze %dma_start3A_125 : memref<1x10000xi32, #tpu.memory_space<hbm>> -> memref<10000xi32, #tpu.memory_space<hbm>>
      tpu.enqueue_dma source(%dma_start3A_126 : memref<10000xi32, #tpu.memory_space<hbm>>) target(%arg9 : memref<10000xi32, #tpu.memory_space<vmem>>) target_semaphore(%run_scoped3A : memref<!tpu.dma_semaphore, #tpu.memory_space<semaphore_mem>>)
      %dma_wait3A = arith.constant 0 : i32
      %dma_wait3A_127 = tpu.memref_slice %arg2[%add3A_45, %dma_wait3A] : memref<16x10000xi32, #tpu.memory_space<hbm>> -> memref<1x10000xi32, #tpu.memory_space<hbm>>
      %dma_wait3A_128 = tpu.memref_squeeze %dma_wait3A_127 : memref<1x10000xi32, #tpu.memory_space<hbm>> -> memref<10000xi32, #tpu.memory_space<hbm>>
      %dma_wait3A_129 = arith.constant 0 : i32
      %dma_wait3A_130 = tpu.memref_slice %arg2[%add3A_45, %dma_wait3A_129] : memref<16x10000xi32, #tpu.memory_space<hbm>> -> memref<1x10000xi32, #tpu.memory_space<hbm>>
      %dma_wait3A_131 = tpu.memref_squeeze %dma_wait3A_130 : memref<1x10000xi32, #tpu.memory_space<hbm>> -> memref<10000xi32, #tpu.memory_space<hbm>>
      tpu.wait_dma2 semaphore(%run_scoped3A : memref<!tpu.dma_semaphore, #tpu.memory_space<semaphore_mem>>) src(%dma_wait3A_131 : memref<10000xi32, #tpu.memory_space<hbm>>) dst(%arg9 : memref<10000xi32, #tpu.memory_space<vmem>>)
      tpu.yield
    }) : () -> ()
    %mul3A_46 = arith.constant 4 : i32
    %mul3A_47 = arith.muli %select_n3A, %mul3A_46 : i32
    %add3A_48 = arith.constant 3 : i32
    %add3A_49 = arith.addi %mul3A_47, %add3A_48 : i32
    "tpu.region"() ({
      %run_scoped3A = tpu.sem_alloc : memref<!tpu.dma_semaphore, #tpu.memory_space<semaphore_mem>>
      %dma_start3A_121 = arith.constant 0 : i32
      %dma_start3A_122 = tpu.memref_slice %arg2[%add3A_49, %dma_start3A_121] : memref<16x10000xi32, #tpu.memory_space<hbm>> -> memref<1x10000xi32, #tpu.memory_space<hbm>>
      %dma_start3A_123 = tpu.memref_squeeze %dma_start3A_122 : memref<1x10000xi32, #tpu.memory_space<hbm>> -> memref<10000xi32, #tpu.memory_space<hbm>>
      %dma_start3A_124 = arith.constant 0 : i32
      %dma_start3A_125 = tpu.memref_slice %arg2[%add3A_49, %dma_start3A_124] : memref<16x10000xi32, #tpu.memory_space<hbm>> -> memref<1x10000xi32, #tpu.memory_space<hbm>>
      %dma_start3A_126 = tpu.memref_squeeze %dma_start3A_125 : memref<1x10000xi32, #tpu.memory_space<hbm>> -> memref<10000xi32, #tpu.memory_space<hbm>>
      tpu.enqueue_dma source(%dma_start3A_126 : memref<10000xi32, #tpu.memory_space<hbm>>) target(%arg10 : memref<10000xi32, #tpu.memory_space<vmem>>) target_semaphore(%run_scoped3A : memref<!tpu.dma_semaphore, #tpu.memory_space<semaphore_mem>>)
      %dma_wait3A = arith.constant 0 : i32
      %dma_wait3A_127 = tpu.memref_slice %arg2[%add3A_49, %dma_wait3A] : memref<16x10000xi32, #tpu.memory_space<hbm>> -> memref<1x10000xi32, #tpu.memory_space<hbm>>
      %dma_wait3A_128 = tpu.memref_squeeze %dma_wait3A_127 : memref<1x10000xi32, #tpu.memory_space<hbm>> -> memref<10000xi32, #tpu.memory_space<hbm>>
      %dma_wait3A_129 = arith.constant 0 : i32
      %dma_wait3A_130 = tpu.memref_slice %arg2[%add3A_49, %dma_wait3A_129] : memref<16x10000xi32, #tpu.memory_space<hbm>> -> memref<1x10000xi32, #tpu.memory_space<hbm>>
      %dma_wait3A_131 = tpu.memref_squeeze %dma_wait3A_130 : memref<1x10000xi32, #tpu.memory_space<hbm>> -> memref<10000xi32, #tpu.memory_space<hbm>>
      tpu.wait_dma2 semaphore(%run_scoped3A : memref<!tpu.dma_semaphore, #tpu.memory_space<semaphore_mem>>) src(%dma_wait3A_131 : memref<10000xi32, #tpu.memory_space<hbm>>) dst(%arg10 : memref<10000xi32, #tpu.memory_space<vmem>>)
      tpu.yield
    }) : () -> ()
    %while3A = arith.constant 0 : i32
    %while3A_50 = arith.constant 0 : i32
    %while3A_51 = arith.constant 625 : i32
    %while3A_52 = arith.subi %while3A_51, %while3A_50 : i32
    %while3A_53 = arith.addi %while3A_50, %while3A_52 : i32
    %while3A_54 = arith.constant 1 : i32
    %while3A_55 = arith.divsi %while3A_52, %while3A_54 : i32
    %while3A_56 = arith.muli %while3A_55, %while3A_54 : i32
    %while3A_57 = arith.addi %while3A_50, %while3A_56 : i32
    %while3A_58 = arith.constant 1 : i32
    scf.for %while3A_121 = %while3A_50 to %while3A_57 step %while3A_58  : i32 {
      %mul3A_122 = arith.constant 16 : i32
      %mul3A_123 = arith.muli %while3A_121, %mul3A_122 : i32
      %broadcast_in_dim3A_124 = arith.constant 0 : i32
      %broadcast_in_dim3A_125 = vector.broadcast %broadcast_in_dim3A_124 : i32 to vector<16xi32>
      %swap3A = arith.index_cast %mul3A_123 : i32 to index
      %swap3A_126 = tpu.vector_load %arg11[%swap3A] {strides = array<i32>} : memref<10000xi32, #tpu.memory_space<vmem>>, vector<16xi32>,
      tpu.vector_store %arg11[%swap3A], %broadcast_in_dim3A_125 {strides = array<i32>} : memref<10000xi32, #tpu.memory_space<vmem>>, vector<16xi32>,
      %swap3A_127 = arith.index_cast %mul3A_123 : i32 to index
      %swap3A_128 = tpu.vector_load %arg12[%swap3A_127] {strides = array<i32>} : memref<10000xi32, #tpu.memory_space<vmem>>, vector<16xi32>,
      tpu.vector_store %arg12[%swap3A_127], %broadcast_in_dim3A_125 {strides = array<i32>} : memref<10000xi32, #tpu.memory_space<vmem>>, vector<16xi32>,
      %swap3A_129 = arith.index_cast %mul3A_123 : i32 to index
      %swap3A_130 = tpu.vector_load %arg13[%swap3A_129] {strides = array<i32>} : memref<10000xi32, #tpu.memory_space<vmem>>, vector<16xi32>,
      tpu.vector_store %arg13[%swap3A_129], %broadcast_in_dim3A_125 {strides = array<i32>} : memref<10000xi32, #tpu.memory_space<vmem>>, vector<16xi32>,
      %swap3A_131 = arith.index_cast %mul3A_123 : i32 to index
      %swap3A_132 = tpu.vector_load %arg14[%swap3A_131] {strides = array<i32>} : memref<10000xi32, #tpu.memory_space<vmem>>, vector<16xi32>,
      tpu.vector_store %arg14[%swap3A_131], %broadcast_in_dim3A_125 {strides = array<i32>} : memref<10000xi32, #tpu.memory_space<vmem>>, vector<16xi32>,
      %swap3A_133 = arith.index_cast %mul3A_123 : i32 to index
      %swap3A_134 = tpu.vector_load %arg17[%swap3A_133] {strides = array<i32>} : memref<10000xi32, #tpu.memory_space<vmem>>, vector<16xi32>,
      tpu.vector_store %arg17[%swap3A_133], %broadcast_in_dim3A_125 {strides = array<i32>} : memref<10000xi32, #tpu.memory_space<vmem>>, vector<16xi32>,
    }
    %while3A_59 = arith.constant 1 : i32
    scf.for %while3A_121 = %while3A_57 to %while3A_53 step %while3A_59  : i32 {
      %mul3A_122 = arith.constant 16 : i32
      %mul3A_123 = arith.muli %while3A_121, %mul3A_122 : i32
      %broadcast_in_dim3A_124 = arith.constant 0 : i32
      %broadcast_in_dim3A_125 = vector.broadcast %broadcast_in_dim3A_124 : i32 to vector<16xi32>
      %swap3A = arith.index_cast %mul3A_123 : i32 to index
      %swap3A_126 = tpu.vector_load %arg11[%swap3A] {strides = array<i32>} : memref<10000xi32, #tpu.memory_space<vmem>>, vector<16xi32>,
      tpu.vector_store %arg11[%swap3A], %broadcast_in_dim3A_125 {strides = array<i32>} : memref<10000xi32, #tpu.memory_space<vmem>>, vector<16xi32>,
      %swap3A_127 = arith.index_cast %mul3A_123 : i32 to index
      %swap3A_128 = tpu.vector_load %arg12[%swap3A_127] {strides = array<i32>} : memref<10000xi32, #tpu.memory_space<vmem>>, vector<16xi32>,
      tpu.vector_store %arg12[%swap3A_127], %broadcast_in_dim3A_125 {strides = array<i32>} : memref<10000xi32, #tpu.memory_space<vmem>>, vector<16xi32>,
      %swap3A_129 = arith.index_cast %mul3A_123 : i32 to index
      %swap3A_130 = tpu.vector_load %arg13[%swap3A_129] {strides = array<i32>} : memref<10000xi32, #tpu.memory_space<vmem>>, vector<16xi32>,
      tpu.vector_store %arg13[%swap3A_129], %broadcast_in_dim3A_125 {strides = array<i32>} : memref<10000xi32, #tpu.memory_space<vmem>>, vector<16xi32>,
      %swap3A_131 = arith.index_cast %mul3A_123 : i32 to index
      %swap3A_132 = tpu.vector_load %arg14[%swap3A_131] {strides = array<i32>} : memref<10000xi32, #tpu.memory_space<vmem>>, vector<16xi32>,
      tpu.vector_store %arg14[%swap3A_131], %broadcast_in_dim3A_125 {strides = array<i32>} : memref<10000xi32, #tpu.memory_space<vmem>>, vector<16xi32>,
      %swap3A_133 = arith.index_cast %mul3A_123 : i32 to index
      %swap3A_134 = tpu.vector_load %arg17[%swap3A_133] {strides = array<i32>} : memref<10000xi32, #tpu.memory_space<vmem>>, vector<16xi32>,
      tpu.vector_store %arg17[%swap3A_133], %broadcast_in_dim3A_125 {strides = array<i32>} : memref<10000xi32, #tpu.memory_space<vmem>>, vector<16xi32>,
    }
    %mul3A_60 = arith.constant 0 : i32
    %mul3A_61 = arith.constant 2000 : i32
    %mul3A_62 = arith.muli %mul3A_60, %mul3A_61 : i32
    %add3A_63 = arith.addi %mul3A_32, %mul3A_62 : i32
    %dma_start3A = arith.constant 0 : i32
    %dma_start3A_64 = arith.constant 0 : i32
    %dma_start3A_65 = tpu.memref_slice %arg3[%add3A_63] : memref<320000xi32, #tpu.memory_space<hbm>> -> memref<2000xi32, #tpu.memory_space<hbm>>
    %dma_start3A_66 = tpu.memref_slice %arg22[%dma_start3A, %dma_start3A_64] : memref<2x2x!tpu.dma_semaphore, #tpu.memory_space<semaphore_mem>> -> memref<1x1x!tpu.dma_semaphore, #tpu.memory_space<semaphore_mem>>
    %dma_start3A_67 = tpu.memref_squeeze %dma_start3A_66 : memref<1x1x!tpu.dma_semaphore, #tpu.memory_space<semaphore_mem>> -> memref<!tpu.dma_semaphore, #tpu.memory_space<semaphore_mem>>
    %dma_start3A_68 = tpu.memref_slice %arg3[%add3A_63] : memref<320000xi32, #tpu.memory_space<hbm>> -> memref<2000xi32, #tpu.memory_space<hbm>>
    tpu.enqueue_dma source(%dma_start3A_68 : memref<2000xi32, #tpu.memory_space<hbm>>) target(%arg18 : memref<2000xi32, #tpu.memory_space<vmem>>) target_semaphore(%dma_start3A_67 : memref<!tpu.dma_semaphore, #tpu.memory_space<semaphore_mem>>)
    %dma_start3A_69 = arith.constant 0 : i32
    %dma_start3A_70 = arith.constant 1 : i32
    %dma_start3A_71 = tpu.memref_slice %arg4[%add3A_63] : memref<320000xi32, #tpu.memory_space<hbm>> -> memref<2000xi32, #tpu.memory_space<hbm>>
    %dma_start3A_72 = tpu.memref_slice %arg22[%dma_start3A_69, %dma_start3A_70] : memref<2x2x!tpu.dma_semaphore, #tpu.memory_space<semaphore_mem>> -> memref<1x1x!tpu.dma_semaphore, #tpu.memory_space<semaphore_mem>>
    %dma_start3A_73 = tpu.memref_squeeze %dma_start3A_72 : memref<1x1x!tpu.dma_semaphore, #tpu.memory_space<semaphore_mem>> -> memref<!tpu.dma_semaphore, #tpu.memory_space<semaphore_mem>>
    %dma_start3A_74 = tpu.memref_slice %arg4[%add3A_63] : memref<320000xi32, #tpu.memory_space<hbm>> -> memref<2000xi32, #tpu.memory_space<hbm>>
    tpu.enqueue_dma source(%dma_start3A_74 : memref<2000xi32, #tpu.memory_space<hbm>>) target(%arg19 : memref<2000xi32, #tpu.memory_space<vmem>>) target_semaphore(%dma_start3A_73 : memref<!tpu.dma_semaphore, #tpu.memory_space<semaphore_mem>>)
    %mul3A_75 = arith.constant 1 : i32
    %mul3A_76 = arith.constant 2000 : i32
    %mul3A_77 = arith.muli %mul3A_75, %mul3A_76 : i32
    %add3A_78 = arith.addi %mul3A_32, %mul3A_77 : i32
    %dma_start3A_79 = arith.constant 1 : i32
    %dma_start3A_80 = arith.constant 0 : i32
    %dma_start3A_81 = tpu.memref_slice %arg3[%add3A_78] : memref<320000xi32, #tpu.memory_space<hbm>> -> memref<2000xi32, #tpu.memory_space<hbm>>
    %dma_start3A_82 = tpu.memref_slice %arg22[%dma_start3A_79, %dma_start3A_80] : memref<2x2x!tpu.dma_semaphore, #tpu.memory_space<semaphore_mem>> -> memref<1x1x!tpu.dma_semaphore, #tpu.memory_space<semaphore_mem>>
    %dma_start3A_83 = tpu.memref_squeeze %dma_start3A_82 : memref<1x1x!tpu.dma_semaphore, #tpu.memory_space<semaphore_mem>> -> memref<!tpu.dma_semaphore, #tpu.memory_space<semaphore_mem>>
    %dma_start3A_84 = tpu.memref_slice %arg3[%add3A_78] : memref<320000xi32, #tpu.memory_space<hbm>> -> memref<2000xi32, #tpu.memory_space<hbm>>
    tpu.enqueue_dma source(%dma_start3A_84 : memref<2000xi32, #tpu.memory_space<hbm>>) target(%arg20 : memref<2000xi32, #tpu.memory_space<vmem>>) target_semaphore(%dma_start3A_83 : memref<!tpu.dma_semaphore, #tpu.memory_space<semaphore_mem>>)
    %dma_start3A_85 = arith.constant 1 : i32
    %dma_start3A_86 = arith.constant 1 : i32
    %dma_start3A_87 = tpu.memref_slice %arg4[%add3A_78] : memref<320000xi32, #tpu.memory_space<hbm>> -> memref<2000xi32, #tpu.memory_space<hbm>>
    %dma_start3A_88 = tpu.memref_slice %arg22[%dma_start3A_85, %dma_start3A_86] : memref<2x2x!tpu.dma_semaphore, #tpu.memory_space<semaphore_mem>> -> memref<1x1x!tpu.dma_semaphore, #tpu.memory_space<semaphore_mem>>
    %dma_start3A_89 = tpu.memref_squeeze %dma_start3A_88 : memref<1x1x!tpu.dma_semaphore, #tpu.memory_space<semaphore_mem>> -> memref<!tpu.dma_semaphore, #tpu.memory_space<semaphore_mem>>
    %dma_start3A_90 = tpu.memref_slice %arg4[%add3A_78] : memref<320000xi32, #tpu.memory_space<hbm>> -> memref<2000xi32, #tpu.memory_space<hbm>>
    tpu.enqueue_dma source(%dma_start3A_90 : memref<2000xi32, #tpu.memory_space<hbm>>) target(%arg21 : memref<2000xi32, #tpu.memory_space<vmem>>) target_semaphore(%dma_start3A_89 : memref<!tpu.dma_semaphore, #tpu.memory_space<semaphore_mem>>)
    %while3A_91 = arith.constant 0 : i32
    %while3A_92 = arith.constant 0 : i32
    %while3A_93 = arith.constant 10 : i32
    %while3A_94 = arith.subi %while3A_93, %while3A_92 : i32
    %while3A_95 = arith.addi %while3A_92, %while3A_94 : i32
    %while3A_96 = arith.constant 1 : i32
    %while3A_97 = arith.divsi %while3A_94, %while3A_96 : i32
    %while3A_98 = arith.muli %while3A_97, %while3A_96 : i32
    %while3A_99 = arith.addi %while3A_92, %while3A_98 : i32
    %while3A_100 = arith.constant 1 : i32
    scf.for %while3A_121 = %while3A_92 to %while3A_99 step %while3A_100  : i32 {
      %mul3A_122 = arith.constant 2 : i32
      %mul3A_123 = arith.muli %while3A_121, %mul3A_122 : i32
      %add3A_124 = arith.constant 0 : i32
      %add3A_125 = arith.addi %mul3A_123, %add3A_124 : i32
      %dma_wait3A = arith.constant 0 : i32
      %dma_wait3A_126 = arith.constant 0 : i32
      %dma_wait3A_127 = tpu.memref_slice %arg3[%mul3A_32] : memref<320000xi32, #tpu.memory_space<hbm>> -> memref<2000xi32, #tpu.memory_space<hbm>>
      %dma_wait3A_128 = tpu.memref_slice %arg22[%dma_wait3A, %dma_wait3A_126] : memref<2x2x!tpu.dma_semaphore, #tpu.memory_space<semaphore_mem>> -> memref<1x1x!tpu.dma_semaphore, #tpu.memory_space<semaphore_mem>>
      %dma_wait3A_129 = tpu.memref_squeeze %dma_wait3A_128 : memref<1x1x!tpu.dma_semaphore, #tpu.memory_space<semaphore_mem>> -> memref<!tpu.dma_semaphore, #tpu.memory_space<semaphore_mem>>
      %dma_wait3A_130 = tpu.memref_slice %arg3[%mul3A_32] : memref<320000xi32, #tpu.memory_space<hbm>> -> memref<2000xi32, #tpu.memory_space<hbm>>
      tpu.wait_dma2 semaphore(%dma_wait3A_129 : memref<!tpu.dma_semaphore, #tpu.memory_space<semaphore_mem>>) src(%dma_wait3A_130 : memref<2000xi32, #tpu.memory_space<hbm>>) dst(%arg18 : memref<2000xi32, #tpu.memory_space<vmem>>)
      %dma_wait3A_131 = arith.constant 0 : i32
      %dma_wait3A_132 = arith.constant 1 : i32
      %dma_wait3A_133 = tpu.memref_slice %arg4[%mul3A_32] : memref<320000xi32, #tpu.memory_space<hbm>> -> memref<2000xi32, #tpu.memory_space<hbm>>
      %dma_wait3A_134 = tpu.memref_slice %arg22[%dma_wait3A_131, %dma_wait3A_132] : memref<2x2x!tpu.dma_semaphore, #tpu.memory_space<semaphore_mem>> -> memref<1x1x!tpu.dma_semaphore, #tpu.memory_space<semaphore_mem>>
      %dma_wait3A_135 = tpu.memref_squeeze %dma_wait3A_134 : memref<1x1x!tpu.dma_semaphore, #tpu.memory_space<semaphore_mem>> -> memref<!tpu.dma_semaphore, #tpu.memory_space<semaphore_mem>>
      %dma_wait3A_136 = tpu.memref_slice %arg4[%mul3A_32] : memref<320000xi32, #tpu.memory_space<hbm>> -> memref<2000xi32, #tpu.memory_space<hbm>>
      tpu.wait_dma2 semaphore(%dma_wait3A_135 : memref<!tpu.dma_semaphore, #tpu.memory_space<semaphore_mem>>) src(%dma_wait3A_136 : memref<2000xi32, #tpu.memory_space<hbm>>) dst(%arg19 : memref<2000xi32, #tpu.memory_space<vmem>>)
      %while3A_137 = arith.constant 0 : i32
      %while3A_138 = arith.constant 0 : i32
      %while3A_139 = arith.constant 125 : i32
      %while3A_140 = arith.subi %while3A_139, %while3A_138 : i32
      %while3A_141 = arith.addi %while3A_138, %while3A_140 : i32
      %while3A_142 = arith.constant 1 : i32
      %while3A_143 = arith.divsi %while3A_140, %while3A_142 : i32
      %while3A_144 = arith.muli %while3A_143, %while3A_142 : i32
      %while3A_145 = arith.addi %while3A_138, %while3A_144 : i32
      %while3A_146 = arith.constant 1 : i32
      scf.for %while3A_189 = %while3A_138 to %while3A_145 step %while3A_146  : i32 {
        %mul3A_190 = arith.constant 16 : i32
        %mul3A_191 = arith.muli %while3A_189, %mul3A_190 : i32
        %get3A = arith.index_cast %mul3A_191 : i32 to index
        %get3A_192 = tpu.vector_load %arg18[%get3A] {strides = array<i32>} : memref<2000xi32, #tpu.memory_space<vmem>>, vector<16xi32>,
        %get3A_193 = arith.index_cast %mul3A_191 : i32 to index
        %get3A_194 = tpu.vector_load %arg19[%get3A_193] {strides = array<i32>} : memref<2000xi32, #tpu.memory_space<vmem>>, vector<16xi32>,
        %eq3A_195 = arith.constant 0 : i32
        %eq3A_196 = arith.cmpi eq, %select_n3A, %eq3A_195 : i32
        %convert_element_type3A_197 = arith.extui %eq3A_196 : i1 to i32
        %cond3A_198 = arith.constant 0 : i32
        %cond3A_199 = arith.cmpi ne, %convert_element_type3A_197, %cond3A_198 : i32
        scf.if %cond3A_199 {
          tpu.vector_store_idx %arg17[%get3A_194], %broadcast_in_dim3A_33 {add = true} : memref<10000xi32, #tpu.memory_space<vmem>>[vector<16xi32>], vector<16xi32>,
        } else {
        }
        tpu.vector_store_idx %arg15[%get3A_194], %iota3A : memref<10000xi32, #tpu.memory_space<vmem>>[vector<16xi32>], vector<16xi32>,
        %gather3A = tpu.vector_load_idx %arg15[%get3A_194] : memref<10000xi32, #tpu.memory_space<vmem>>[vector<16xi32>], vector<16xi32>,
        %eq3A_200 = arith.cmpi eq, %gather3A, %iota3A : vector<16xi32>
        %gather3A_201 = tpu.vector_load_idx %arg7[%get3A_192] : memref<10000xi32, #tpu.memory_space<vmem>>[vector<16xi32>], vector<16xi32>,
        %gather3A_202 = tpu.vector_load_idx %arg11[%get3A_194] : memref<10000xi32, #tpu.memory_space<vmem>>[vector<16xi32>], vector<16xi32>,
        %bitcast3A = vector.bitcast %gather3A_201 : vector<16xi32> to vector<32xbf16>
        %bitcast3A_203 = vector.bitcast %gather3A_202 : vector<16xi32> to vector<32xbf16>
        %max3A = arith.maximumf %bitcast3A, %bitcast3A_203 : vector<32xbf16>
        %bitcast3A_204 = vector.bitcast %max3A : vector<32xbf16> to vector<16xi32>
        tpu.vector_store_idx %arg11[%get3A_194], %bitcast3A_204 masked %eq3A_200 : memref<10000xi32, #tpu.memory_space<vmem>>[vector<16xi32>], vector<16xi32>, vector<16xi1>
        %gather3A_205 = tpu.vector_load_idx %arg8[%get3A_192] : memref<10000xi32, #tpu.memory_space<vmem>>[vector<16xi32>], vector<16xi32>,
        %gather3A_206 = tpu.vector_load_idx %arg12[%get3A_194] : memref<10000xi32, #tpu.memory_space<vmem>>[vector<16xi32>], vector<16xi32>,
        %bitcast3A_207 = vector.bitcast %gather3A_205 : vector<16xi32> to vector<32xbf16>
        %bitcast3A_208 = vector.bitcast %gather3A_206 : vector<16xi32> to vector<32xbf16>
        %max3A_209 = arith.maximumf %bitcast3A_207, %bitcast3A_208 : vector<32xbf16>
        %bitcast3A_210 = vector.bitcast %max3A_209 : vector<32xbf16> to vector<16xi32>
        tpu.vector_store_idx %arg12[%get3A_194], %bitcast3A_210 masked %eq3A_200 : memref<10000xi32, #tpu.memory_space<vmem>>[vector<16xi32>], vector<16xi32>, vector<16xi1>
        %gather3A_211 = tpu.vector_load_idx %arg9[%get3A_192] : memref<10000xi32, #tpu.memory_space<vmem>>[vector<16xi32>], vector<16xi32>,
        %gather3A_212 = tpu.vector_load_idx %arg13[%get3A_194] : memref<10000xi32, #tpu.memory_space<vmem>>[vector<16xi32>], vector<16xi32>,
        %bitcast3A_213 = vector.bitcast %gather3A_211 : vector<16xi32> to vector<32xbf16>
        %bitcast3A_214 = vector.bitcast %gather3A_212 : vector<16xi32> to vector<32xbf16>
        %max3A_215 = arith.maximumf %bitcast3A_213, %bitcast3A_214 : vector<32xbf16>
        %bitcast3A_216 = vector.bitcast %max3A_215 : vector<32xbf16> to vector<16xi32>
        tpu.vector_store_idx %arg13[%get3A_194], %bitcast3A_216 masked %eq3A_200 : memref<10000xi32, #tpu.memory_space<vmem>>[vector<16xi32>], vector<16xi32>, vector<16xi1>
        %gather3A_217 = tpu.vector_load_idx %arg10[%get3A_192] : memref<10000xi32, #tpu.memory_space<vmem>>[vector<16xi32>], vector<16xi32>,
        %gather3A_218 = tpu.vector_load_idx %arg14[%get3A_194] : memref<10000xi32, #tpu.memory_space<vmem>>[vector<16xi32>], vector<16xi32>,
        %bitcast3A_219 = vector.bitcast %gather3A_217 : vector<16xi32> to vector<32xbf16>
        %bitcast3A_220 = vector.bitcast %gather3A_218 : vector<16xi32> to vector<32xbf16>
        %max3A_221 = arith.maximumf %bitcast3A_219, %bitcast3A_220 : vector<32xbf16>
        %bitcast3A_222 = vector.bitcast %max3A_221 : vector<32xbf16> to vector<16xi32>
        tpu.vector_store_idx %arg14[%get3A_194], %bitcast3A_222 masked %eq3A_200 : memref<10000xi32, #tpu.memory_space<vmem>>[vector<16xi32>], vector<16xi32>, vector<16xi1>
        %broadcast_in_dim3A_223 = arith.constant 0 : i32
        %broadcast_in_dim3A_224 = vector.broadcast %broadcast_in_dim3A_223 : i32 to vector<16xi32>
        %select_n3A_225 = arith.select %eq3A_200, %broadcast_in_dim3A_224, %broadcast_in_dim3A_33 : vector<16xi1>, vector<16xi32>
        %while3A_226 = scf.while (%while3A_262 = %select_n3A_225) : (vector<16xi32>) -> vector<16xi32> {
          %reduce_max3A = arith.constant true
          %reduce_max3A_263 = vector.broadcast %reduce_max3A : i1 to vector<16xi1>
          %reduce_max3A_264 = arith.constant -2147483648 : i32
          %reduce_max3A_265 = vector.broadcast %reduce_max3A_264 : i32 to vector<16xi32>
          %reduce_max3A_266 = arith.xori %while3A_262, %reduce_max3A_265 : vector<16xi32>
          %reduce_max3A_267 = tpu.scan <max>, %reduce_max3A_266 masked %reduce_max3A_263 : vector<16xi32>, vector<16xi1> -> vector<16xi32>
          %reduce_max3A_268 = arith.xori %reduce_max3A_267, %reduce_max3A_265 : vector<16xi32>
          %reduce_max3A_269 = vector.extract %reduce_max3A_268[15] : i32 from vector<16xi32>
          %gt3A = arith.constant 0 : i32
          %gt3A_270 = arith.cmpi sgt, %reduce_max3A_269, %gt3A : i32
          scf.condition(%gt3A_270) %while3A_262 : vector<16xi32>
        } do {
        ^bb0(%while3A_262: vector<16xi32>):
          %gt3A = arith.constant 0 : i32
          %gt3A_263 = vector.broadcast %gt3A : i32 to vector<16xi32>
          %gt3A_264 = arith.cmpi sgt, %while3A_262, %gt3A_263 : vector<16xi32>
          tpu.vector_store_idx %arg15[%get3A_194], %iota3A masked %gt3A_264 : memref<10000xi32, #tpu.memory_space<vmem>>[vector<16xi32>], vector<16xi32>, vector<16xi1>
          %gather3A_265 = tpu.vector_load_idx %arg15[%get3A_194] : memref<10000xi32, #tpu.memory_space<vmem>>[vector<16xi32>], vector<16xi32>,
          %eq3A_266 = arith.cmpi eq, %gather3A_265, %iota3A : vector<16xi32>
          %and3A_267 = arith.andi %gt3A_264, %eq3A_266 : vector<16xi1>
          %gather3A_268 = tpu.vector_load_idx %arg7[%get3A_192] : memref<10000xi32, #tpu.memory_space<vmem>>[vector<16xi32>], vector<16xi32>,
          %gather3A_269 = tpu.vector_load_idx %arg11[%get3A_194] : memref<10000xi32, #tpu.memory_space<vmem>>[vector<16xi32>], vector<16xi32>,
          %bitcast3A_270 = vector.bitcast %gather3A_268 : vector<16xi32> to vector<32xbf16>
          %bitcast3A_271 = vector.bitcast %gather3A_269 : vector<16xi32> to vector<32xbf16>
          %max3A_272 = arith.maximumf %bitcast3A_270, %bitcast3A_271 : vector<32xbf16>
          %bitcast3A_273 = vector.bitcast %max3A_272 : vector<32xbf16> to vector<16xi32>
          tpu.vector_store_idx %arg11[%get3A_194], %bitcast3A_273 masked %and3A_267 : memref<10000xi32, #tpu.memory_space<vmem>>[vector<16xi32>], vector<16xi32>, vector<16xi1>
          %gather3A_274 = tpu.vector_load_idx %arg8[%get3A_192] : memref<10000xi32, #tpu.memory_space<vmem>>[vector<16xi32>], vector<16xi32>,
          %gather3A_275 = tpu.vector_load_idx %arg12[%get3A_194] : memref<10000xi32, #tpu.memory_space<vmem>>[vector<16xi32>], vector<16xi32>,
          %bitcast3A_276 = vector.bitcast %gather3A_274 : vector<16xi32> to vector<32xbf16>
          %bitcast3A_277 = vector.bitcast %gather3A_275 : vector<16xi32> to vector<32xbf16>
          %max3A_278 = arith.maximumf %bitcast3A_276, %bitcast3A_277 : vector<32xbf16>
          %bitcast3A_279 = vector.bitcast %max3A_278 : vector<32xbf16> to vector<16xi32>
          tpu.vector_store_idx %arg12[%get3A_194], %bitcast3A_279 masked %and3A_267 : memref<10000xi32, #tpu.memory_space<vmem>>[vector<16xi32>], vector<16xi32>, vector<16xi1>
          %gather3A_280 = tpu.vector_load_idx %arg9[%get3A_192] : memref<10000xi32, #tpu.memory_space<vmem>>[vector<16xi32>], vector<16xi32>,
          %gather3A_281 = tpu.vector_load_idx %arg13[%get3A_194] : memref<10000xi32, #tpu.memory_space<vmem>>[vector<16xi32>], vector<16xi32>,
          %bitcast3A_282 = vector.bitcast %gather3A_280 : vector<16xi32> to vector<32xbf16>
          %bitcast3A_283 = vector.bitcast %gather3A_281 : vector<16xi32> to vector<32xbf16>
          %max3A_284 = arith.maximumf %bitcast3A_282, %bitcast3A_283 : vector<32xbf16>
          %bitcast3A_285 = vector.bitcast %max3A_284 : vector<32xbf16> to vector<16xi32>
          tpu.vector_store_idx %arg13[%get3A_194], %bitcast3A_285 masked %and3A_267 : memref<10000xi32, #tpu.memory_space<vmem>>[vector<16xi32>], vector<16xi32>, vector<16xi1>
          %gather3A_286 = tpu.vector_load_idx %arg10[%get3A_192] : memref<10000xi32, #tpu.memory_space<vmem>>[vector<16xi32>], vector<16xi32>,
          %gather3A_287 = tpu.vector_load_idx %arg14[%get3A_194] : memref<10000xi32, #tpu.memory_space<vmem>>[vector<16xi32>], vector<16xi32>,
          %bitcast3A_288 = vector.bitcast %gather3A_286 : vector<16xi32> to vector<32xbf16>
          %bitcast3A_289 = vector.bitcast %gather3A_287 : vector<16xi32> to vector<32xbf16>
          %max3A_290 = arith.maximumf %bitcast3A_288, %bitcast3A_289 : vector<32xbf16>
          %bitcast3A_291 = vector.bitcast %max3A_290 : vector<32xbf16> to vector<16xi32>
          tpu.vector_store_idx %arg14[%get3A_194], %bitcast3A_291 masked %and3A_267 : memref<10000xi32, #tpu.memory_space<vmem>>[vector<16xi32>], vector<16xi32>, vector<16xi1>
          %broadcast_in_dim3A_292 = arith.constant 0 : i32
          %broadcast_in_dim3A_293 = vector.broadcast %broadcast_in_dim3A_292 : i32 to vector<16xi32>
          %select_n3A_294 = arith.select %and3A_267, %broadcast_in_dim3A_293, %while3A_262 : vector<16xi1>, vector<16xi32>
          scf.yield %select_n3A_294 : vector<16xi32>
        }
        %eq3A_227 = arith.constant 0 : i32
        %eq3A_228 = arith.cmpi eq, %select_n3A, %eq3A_227 : i32
        %convert_element_type3A_229 = arith.extui %eq3A_228 : i1 to i32
        %cond3A_230 = arith.constant 0 : i32
        %cond3A_231 = arith.cmpi ne, %convert_element_type3A_229, %cond3A_230 : i32
        scf.if %cond3A_231 {
          tpu.vector_store_idx %arg17[%get3A_192], %broadcast_in_dim3A_33 {add = true} : memref<10000xi32, #tpu.memory_space<vmem>>[vector<16xi32>], vector<16xi32>,
        } else {
        }
        tpu.vector_store_idx %arg16[%get3A_192], %iota3A : memref<10000xi32, #tpu.memory_space<vmem>>[vector<16xi32>], vector<16xi32>,
        %gather3A_232 = tpu.vector_load_idx %arg16[%get3A_192] : memref<10000xi32, #tpu.memory_space<vmem>>[vector<16xi32>], vector<16xi32>,
        %eq3A_233 = arith.cmpi eq, %gather3A_232, %iota3A : vector<16xi32>
        %gather3A_234 = tpu.vector_load_idx %arg7[%get3A_194] : memref<10000xi32, #tpu.memory_space<vmem>>[vector<16xi32>], vector<16xi32>,
        %gather3A_235 = tpu.vector_load_idx %arg11[%get3A_192] : memref<10000xi32, #tpu.memory_space<vmem>>[vector<16xi32>], vector<16xi32>,
        %bitcast3A_236 = vector.bitcast %gather3A_234 : vector<16xi32> to vector<32xbf16>
        %bitcast3A_237 = vector.bitcast %gather3A_235 : vector<16xi32> to vector<32xbf16>
        %max3A_238 = arith.maximumf %bitcast3A_236, %bitcast3A_237 : vector<32xbf16>
        %bitcast3A_239 = vector.bitcast %max3A_238 : vector<32xbf16> to vector<16xi32>
        tpu.vector_store_idx %arg11[%get3A_192], %bitcast3A_239 masked %eq3A_233 : memref<10000xi32, #tpu.memory_space<vmem>>[vector<16xi32>], vector<16xi32>, vector<16xi1>
        %gather3A_240 = tpu.vector_load_idx %arg8[%get3A_194] : memref<10000xi32, #tpu.memory_space<vmem>>[vector<16xi32>], vector<16xi32>,
        %gather3A_241 = tpu.vector_load_idx %arg12[%get3A_192] : memref<10000xi32, #tpu.memory_space<vmem>>[vector<16xi32>], vector<16xi32>,
        %bitcast3A_242 = vector.bitcast %gather3A_240 : vector<16xi32> to vector<32xbf16>
        %bitcast3A_243 = vector.bitcast %gather3A_241 : vector<16xi32> to vector<32xbf16>
        %max3A_244 = arith.maximumf %bitcast3A_242, %bitcast3A_243 : vector<32xbf16>
        %bitcast3A_245 = vector.bitcast %max3A_244 : vector<32xbf16> to vector<16xi32>
        tpu.vector_store_idx %arg12[%get3A_192], %bitcast3A_245 masked %eq3A_233 : memref<10000xi32, #tpu.memory_space<vmem>>[vector<16xi32>], vector<16xi32>, vector<16xi1>
        %gather3A_246 = tpu.vector_load_idx %arg9[%get3A_194] : memref<10000xi32, #tpu.memory_space<vmem>>[vector<16xi32>], vector<16xi32>,
        %gather3A_247 = tpu.vector_load_idx %arg13[%get3A_192] : memref<10000xi32, #tpu.memory_space<vmem>>[vector<16xi32>], vector<16xi32>,
        %bitcast3A_248 = vector.bitcast %gather3A_246 : vector<16xi32> to vector<32xbf16>
        %bitcast3A_249 = vector.bitcast %gather3A_247 : vector<16xi32> to vector<32xbf16>
        %max3A_250 = arith.maximumf %bitcast3A_248, %bitcast3A_249 : vector<32xbf16>
        %bitcast3A_251 = vector.bitcast %max3A_250 : vector<32xbf16> to vector<16xi32>
        tpu.vector_store_idx %arg13[%get3A_192], %bitcast3A_251 masked %eq3A_233 : memref<10000xi32, #tpu.memory_space<vmem>>[vector<16xi32>], vector<16xi32>, vector<16xi1>
        %gather3A_252 = tpu.vector_load_idx %arg10[%get3A_194] : memref<10000xi32, #tpu.memory_space<vmem>>[vector<16xi32>], vector<16xi32>,
        %gather3A_253 = tpu.vector_load_idx %arg14[%get3A_192] : memref<10000xi32, #tpu.memory_space<vmem>>[vector<16xi32>], vector<16xi32>,
        %bitcast3A_254 = vector.bitcast %gather3A_252 : vector<16xi32> to vector<32xbf16>
        %bitcast3A_255 = vector.bitcast %gather3A_253 : vector<16xi32> to vector<32xbf16>
        %max3A_256 = arith.maximumf %bitcast3A_254, %bitcast3A_255 : vector<32xbf16>
        %bitcast3A_257 = vector.bitcast %max3A_256 : vector<32xbf16> to vector<16xi32>
        tpu.vector_store_idx %arg14[%get3A_192], %bitcast3A_257 masked %eq3A_233 : memref<10000xi32, #tpu.memory_space<vmem>>[vector<16xi32>], vector<16xi32>, vector<16xi1>
        %broadcast_in_dim3A_258 = arith.constant 0 : i32
        %broadcast_in_dim3A_259 = vector.broadcast %broadcast_in_dim3A_258 : i32 to vector<16xi32>
        %select_n3A_260 = arith.select %eq3A_233, %broadcast_in_dim3A_259, %broadcast_in_dim3A_33 : vector<16xi1>, vector<16xi32>
        %while3A_261 = scf.while (%while3A_262 = %select_n3A_260) : (vector<16xi32>) -> vector<16xi32> {
          %reduce_max3A = arith.constant true
          %reduce_max3A_263 = vector.broadcast %reduce_max3A : i1 to vector<16xi1>
          %reduce_max3A_264 = arith.constant -2147483648 : i32
          %reduce_max3A_265 = vector.broadcast %reduce_max3A_264 : i32 to vector<16xi32>
          %reduce_max3A_266 = arith.xori %while3A_262, %reduce_max3A_265 : vector<16xi32>
          %reduce_max3A_267 = tpu.scan <max>, %reduce_max3A_266 masked %reduce_max3A_263 : vector<16xi32>, vector<16xi1> -> vector<16xi32>
          %reduce_max3A_268 = arith.xori %reduce_max3A_267, %reduce_max3A_265 : vector<16xi32>
          %reduce_max3A_269 = vector.extract %reduce_max3A_268[15] : i32 from vector<16xi32>
          %gt3A = arith.constant 0 : i32
          %gt3A_270 = arith.cmpi sgt, %reduce_max3A_269, %gt3A : i32
          scf.condition(%gt3A_270) %while3A_262 : vector<16xi32>
        } do {
        ^bb0(%while3A_262: vector<16xi32>):
          %gt3A = arith.constant 0 : i32
          %gt3A_263 = vector.broadcast %gt3A : i32 to vector<16xi32>
          %gt3A_264 = arith.cmpi sgt, %while3A_262, %gt3A_263 : vector<16xi32>
          tpu.vector_store_idx %arg16[%get3A_192], %iota3A masked %gt3A_264 : memref<10000xi32, #tpu.memory_space<vmem>>[vector<16xi32>], vector<16xi32>, vector<16xi1>
          %gather3A_265 = tpu.vector_load_idx %arg16[%get3A_192] : memref<10000xi32, #tpu.memory_space<vmem>>[vector<16xi32>], vector<16xi32>,
          %eq3A_266 = arith.cmpi eq, %gather3A_265, %iota3A : vector<16xi32>
          %and3A_267 = arith.andi %gt3A_264, %eq3A_266 : vector<16xi1>
          %gather3A_268 = tpu.vector_load_idx %arg7[%get3A_194] : memref<10000xi32, #tpu.memory_space<vmem>>[vector<16xi32>], vector<16xi32>,
          %gather3A_269 = tpu.vector_load_idx %arg11[%get3A_192] : memref<10000xi32, #tpu.memory_space<vmem>>[vector<16xi32>], vector<16xi32>,
          %bitcast3A_270 = vector.bitcast %gather3A_268 : vector<16xi32> to vector<32xbf16>
          %bitcast3A_271 = vector.bitcast %gather3A_269 : vector<16xi32> to vector<32xbf16>
          %max3A_272 = arith.maximumf %bitcast3A_270, %bitcast3A_271 : vector<32xbf16>
          %bitcast3A_273 = vector.bitcast %max3A_272 : vector<32xbf16> to vector<16xi32>
          tpu.vector_store_idx %arg11[%get3A_192], %bitcast3A_273 masked %and3A_267 : memref<10000xi32, #tpu.memory_space<vmem>>[vector<16xi32>], vector<16xi32>, vector<16xi1>
          %gather3A_274 = tpu.vector_load_idx %arg8[%get3A_194] : memref<10000xi32, #tpu.memory_space<vmem>>[vector<16xi32>], vector<16xi32>,
          %gather3A_275 = tpu.vector_load_idx %arg12[%get3A_192] : memref<10000xi32, #tpu.memory_space<vmem>>[vector<16xi32>], vector<16xi32>,
          %bitcast3A_276 = vector.bitcast %gather3A_274 : vector<16xi32> to vector<32xbf16>
          %bitcast3A_277 = vector.bitcast %gather3A_275 : vector<16xi32> to vector<32xbf16>
          %max3A_278 = arith.maximumf %bitcast3A_276, %bitcast3A_277 : vector<32xbf16>
          %bitcast3A_279 = vector.bitcast %max3A_278 : vector<32xbf16> to vector<16xi32>
          tpu.vector_store_idx %arg12[%get3A_192], %bitcast3A_279 masked %and3A_267 : memref<10000xi32, #tpu.memory_space<vmem>>[vector<16xi32>], vector<16xi32>, vector<16xi1>
          %gather3A_280 = tpu.vector_load_idx %arg9[%get3A_194] : memref<10000xi32, #tpu.memory_space<vmem>>[vector<16xi32>], vector<16xi32>,
          %gather3A_281 = tpu.vector_load_idx %arg13[%get3A_192] : memref<10000xi32, #tpu.memory_space<vmem>>[vector<16xi32>], vector<16xi32>,
          %bitcast3A_282 = vector.bitcast %gather3A_280 : vector<16xi32> to vector<32xbf16>
          %bitcast3A_283 = vector.bitcast %gather3A_281 : vector<16xi32> to vector<32xbf16>
          %max3A_284 = arith.maximumf %bitcast3A_282, %bitcast3A_283 : vector<32xbf16>
          %bitcast3A_285 = vector.bitcast %max3A_284 : vector<32xbf16> to vector<16xi32>
          tpu.vector_store_idx %arg13[%get3A_192], %bitcast3A_285 masked %and3A_267 : memref<10000xi32, #tpu.memory_space<vmem>>[vector<16xi32>], vector<16xi32>, vector<16xi1>
          %gather3A_286 = tpu.vector_load_idx %arg10[%get3A_194] : memref<10000xi32, #tpu.memory_space<vmem>>[vector<16xi32>], vector<16xi32>,
          %gather3A_287 = tpu.vector_load_idx %arg14[%get3A_192] : memref<10000xi32, #tpu.memory_space<vmem>>[vector<16xi32>], vector<16xi32>,
          %bitcast3A_288 = vector.bitcast %gather3A_286 : vector<16xi32> to vector<32xbf16>
          %bitcast3A_289 = vector.bitcast %gather3A_287 : vector<16xi32> to vector<32xbf16>
          %max3A_290 = arith.maximumf %bitcast3A_288, %bitcast3A_289 : vector<32xbf16>
          %bitcast3A_291 = vector.bitcast %max3A_290 : vector<32xbf16> to vector<16xi32>
          tpu.vector_store_idx %arg14[%get3A_192], %bitcast3A_291 masked %and3A_267 : memref<10000xi32, #tpu.memory_space<vmem>>[vector<16xi32>], vector<16xi32>, vector<16xi1>
          %broadcast_in_dim3A_292 = arith.constant 0 : i32
          %broadcast_in_dim3A_293 = vector.broadcast %broadcast_in_dim3A_292 : i32 to vector<16xi32>
          %select_n3A_294 = arith.select %and3A_267, %broadcast_in_dim3A_293, %while3A_262 : vector<16xi1>, vector<16xi32>
          scf.yield %select_n3A_294 : vector<16xi32>
        }
      }
      %while3A_147 = arith.constant 1 : i32
      scf.for %while3A_189 = %while3A_145 to %while3A_141 step %while3A_147  : i32 {
        %mul3A_190 = arith.constant 16 : i32
        %mul3A_191 = arith.muli %while3A_189, %mul3A_190 : i32
        %get3A = arith.index_cast %mul3A_191 : i32 to index
        %get3A_192 = tpu.vector_load %arg18[%get3A] {strides = array<i32>} : memref<2000xi32, #tpu.memory_space<vmem>>, vector<16xi32>,
        %get3A_193 = arith.index_cast %mul3A_191 : i32 to index
        %get3A_194 = tpu.vector_load %arg19[%get3A_193] {strides = array<i32>} : memref<2000xi32, #tpu.memory_space<vmem>>, vector<16xi32>,
        %eq3A_195 = arith.constant 0 : i32
        %eq3A_196 = arith.cmpi eq, %select_n3A, %eq3A_195 : i32
        %convert_element_type3A_197 = arith.extui %eq3A_196 : i1 to i32
        %cond3A_198 = arith.constant 0 : i32
        %cond3A_199 = arith.cmpi ne, %convert_element_type3A_197, %cond3A_198 : i32
        scf.if %cond3A_199 {
          tpu.vector_store_idx %arg17[%get3A_194], %broadcast_in_dim3A_33 {add = true} : memref<10000xi32, #tpu.memory_space<vmem>>[vector<16xi32>], vector<16xi32>,
        } else {
        }
        tpu.vector_store_idx %arg15[%get3A_194], %iota3A : memref<10000xi32, #tpu.memory_space<vmem>>[vector<16xi32>], vector<16xi32>,
        %gather3A = tpu.vector_load_idx %arg15[%get3A_194] : memref<10000xi32, #tpu.memory_space<vmem>>[vector<16xi32>], vector<16xi32>,
        %eq3A_200 = arith.cmpi eq, %gather3A, %iota3A : vector<16xi32>
        %gather3A_201 = tpu.vector_load_idx %arg7[%get3A_192] : memref<10000xi32, #tpu.memory_space<vmem>>[vector<16xi32>], vector<16xi32>,
        %gather3A_202 = tpu.vector_load_idx %arg11[%get3A_194] : memref<10000xi32, #tpu.memory_space<vmem>>[vector<16xi32>], vector<16xi32>,
        %bitcast3A = vector.bitcast %gather3A_201 : vector<16xi32> to vector<32xbf16>
        %bitcast3A_203 = vector.bitcast %gather3A_202 : vector<16xi32> to vector<32xbf16>
        %max3A = arith.maximumf %bitcast3A, %bitcast3A_203 : vector<32xbf16>
        %bitcast3A_204 = vector.bitcast %max3A : vector<32xbf16> to vector<16xi32>
        tpu.vector_store_idx %arg11[%get3A_194], %bitcast3A_204 masked %eq3A_200 : memref<10000xi32, #tpu.memory_space<vmem>>[vector<16xi32>], vector<16xi32>, vector<16xi1>
        %gather3A_205 = tpu.vector_load_idx %arg8[%get3A_192] : memref<10000xi32, #tpu.memory_space<vmem>>[vector<16xi32>], vector<16xi32>,
        %gather3A_206 = tpu.vector_load_idx %arg12[%get3A_194] : memref<10000xi32, #tpu.memory_space<vmem>>[vector<16xi32>], vector<16xi32>,
        %bitcast3A_207 = vector.bitcast %gather3A_205 : vector<16xi32> to vector<32xbf16>
        %bitcast3A_208 = vector.bitcast %gather3A_206 : vector<16xi32> to vector<32xbf16>
        %max3A_209 = arith.maximumf %bitcast3A_207, %bitcast3A_208 : vector<32xbf16>
        %bitcast3A_210 = vector.bitcast %max3A_209 : vector<32xbf16> to vector<16xi32>
        tpu.vector_store_idx %arg12[%get3A_194], %bitcast3A_210 masked %eq3A_200 : memref<10000xi32, #tpu.memory_space<vmem>>[vector<16xi32>], vector<16xi32>, vector<16xi1>
        %gather3A_211 = tpu.vector_load_idx %arg9[%get3A_192] : memref<10000xi32, #tpu.memory_space<vmem>>[vector<16xi32>], vector<16xi32>,
        %gather3A_212 = tpu.vector_load_idx %arg13[%get3A_194] : memref<10000xi32, #tpu.memory_space<vmem>>[vector<16xi32>], vector<16xi32>,
        %bitcast3A_213 = vector.bitcast %gather3A_211 : vector<16xi32> to vector<32xbf16>
        %bitcast3A_214 = vector.bitcast %gather3A_212 : vector<16xi32> to vector<32xbf16>
        %max3A_215 = arith.maximumf %bitcast3A_213, %bitcast3A_214 : vector<32xbf16>
        %bitcast3A_216 = vector.bitcast %max3A_215 : vector<32xbf16> to vector<16xi32>
        tpu.vector_store_idx %arg13[%get3A_194], %bitcast3A_216 masked %eq3A_200 : memref<10000xi32, #tpu.memory_space<vmem>>[vector<16xi32>], vector<16xi32>, vector<16xi1>
        %gather3A_217 = tpu.vector_load_idx %arg10[%get3A_192] : memref<10000xi32, #tpu.memory_space<vmem>>[vector<16xi32>], vector<16xi32>,
        %gather3A_218 = tpu.vector_load_idx %arg14[%get3A_194] : memref<10000xi32, #tpu.memory_space<vmem>>[vector<16xi32>], vector<16xi32>,
        %bitcast3A_219 = vector.bitcast %gather3A_217 : vector<16xi32> to vector<32xbf16>
        %bitcast3A_220 = vector.bitcast %gather3A_218 : vector<16xi32> to vector<32xbf16>
        %max3A_221 = arith.maximumf %bitcast3A_219, %bitcast3A_220 : vector<32xbf16>
        %bitcast3A_222 = vector.bitcast %max3A_221 : vector<32xbf16> to vector<16xi32>
        tpu.vector_store_idx %arg14[%get3A_194], %bitcast3A_222 masked %eq3A_200 : memref<10000xi32, #tpu.memory_space<vmem>>[vector<16xi32>], vector<16xi32>, vector<16xi1>
        %broadcast_in_dim3A_223 = arith.constant 0 : i32
        %broadcast_in_dim3A_224 = vector.broadcast %broadcast_in_dim3A_223 : i32 to vector<16xi32>
        %select_n3A_225 = arith.select %eq3A_200, %broadcast_in_dim3A_224, %broadcast_in_dim3A_33 : vector<16xi1>, vector<16xi32>
        %while3A_226 = scf.while (%while3A_262 = %select_n3A_225) : (vector<16xi32>) -> vector<16xi32> {
          %reduce_max3A = arith.constant true
          %reduce_max3A_263 = vector.broadcast %reduce_max3A : i1 to vector<16xi1>
          %reduce_max3A_264 = arith.constant -2147483648 : i32
          %reduce_max3A_265 = vector.broadcast %reduce_max3A_264 : i32 to vector<16xi32>
          %reduce_max3A_266 = arith.xori %while3A_262, %reduce_max3A_265 : vector<16xi32>
          %reduce_max3A_267 = tpu.scan <max>, %reduce_max3A_266 masked %reduce_max3A_263 : vector<16xi32>, vector<16xi1> -> vector<16xi32>
          %reduce_max3A_268 = arith.xori %reduce_max3A_267, %reduce_max3A_265 : vector<16xi32>
          %reduce_max3A_269 = vector.extract %reduce_max3A_268[15] : i32 from vector<16xi32>
          %gt3A = arith.constant 0 : i32
          %gt3A_270 = arith.cmpi sgt, %reduce_max3A_269, %gt3A : i32
          scf.condition(%gt3A_270) %while3A_262 : vector<16xi32>
        } do {
        ^bb0(%while3A_262: vector<16xi32>):
          %gt3A = arith.constant 0 : i32
          %gt3A_263 = vector.broadcast %gt3A : i32 to vector<16xi32>
          %gt3A_264 = arith.cmpi sgt, %while3A_262, %gt3A_263 : vector<16xi32>
          tpu.vector_store_idx %arg15[%get3A_194], %iota3A masked %gt3A_264 : memref<10000xi32, #tpu.memory_space<vmem>>[vector<16xi32>], vector<16xi32>, vector<16xi1>
          %gather3A_265 = tpu.vector_load_idx %arg15[%get3A_194] : memref<10000xi32, #tpu.memory_space<vmem>>[vector<16xi32>], vector<16xi32>,
          %eq3A_266 = arith.cmpi eq, %gather3A_265, %iota3A : vector<16xi32>
          %and3A_267 = arith.andi %gt3A_264, %eq3A_266 : vector<16xi1>
          %gather3A_268 = tpu.vector_load_idx %arg7[%get3A_192] : memref<10000xi32, #tpu.memory_space<vmem>>[vector<16xi32>], vector<16xi32>,
          %gather3A_269 = tpu.vector_load_idx %arg11[%get3A_194] : memref<10000xi32, #tpu.memory_space<vmem>>[vector<16xi32>], vector<16xi32>,
          %bitcast3A_270 = vector.bitcast %gather3A_268 : vector<16xi32> to vector<32xbf16>
          %bitcast3A_271 = vector.bitcast %gather3A_269 : vector<16xi32> to vector<32xbf16>
          %max3A_272 = arith.maximumf %bitcast3A_270, %bitcast3A_271 : vector<32xbf16>
          %bitcast3A_273 = vector.bitcast %max3A_272 : vector<32xbf16> to vector<16xi32>
          tpu.vector_store_idx %arg11[%get3A_194], %bitcast3A_273 masked %and3A_267 : memref<10000xi32, #tpu.memory_space<vmem>>[vector<16xi32>], vector<16xi32>, vector<16xi1>
          %gather3A_274 = tpu.vector_load_idx %arg8[%get3A_192] : memref<10000xi32, #tpu.memory_space<vmem>>[vector<16xi32>], vector<16xi32>,
          %gather3A_275 = tpu.vector_load_idx %arg12[%get3A_194] : memref<10000xi32, #tpu.memory_space<vmem>>[vector<16xi32>], vector<16xi32>,
          %bitcast3A_276 = vector.bitcast %gather3A_274 : vector<16xi32> to vector<32xbf16>
          %bitcast3A_277 = vector.bitcast %gather3A_275 : vector<16xi32> to vector<32xbf16>
          %max3A_278 = arith.maximumf %bitcast3A_276, %bitcast3A_277 : vector<32xbf16>
          %bitcast3A_279 = vector.bitcast %max3A_278 : vector<32xbf16> to vector<16xi32>
          tpu.vector_store_idx %arg12[%get3A_194], %bitcast3A_279 masked %and3A_267 : memref<10000xi32, #tpu.memory_space<vmem>>[vector<16xi32>], vector<16xi32>, vector<16xi1>
          %gather3A_280 = tpu.vector_load_idx %arg9[%get3A_192] : memref<10000xi32, #tpu.memory_space<vmem>>[vector<16xi32>], vector<16xi32>,
          %gather3A_281 = tpu.vector_load_idx %arg13[%get3A_194] : memref<10000xi32, #tpu.memory_space<vmem>>[vector<16xi32>], vector<16xi32>,
          %bitcast3A_282 = vector.bitcast %gather3A_280 : vector<16xi32> to vector<32xbf16>
          %bitcast3A_283 = vector.bitcast %gather3A_281 : vector<16xi32> to vector<32xbf16>
          %max3A_284 = arith.maximumf %bitcast3A_282, %bitcast3A_283 : vector<32xbf16>
          %bitcast3A_285 = vector.bitcast %max3A_284 : vector<32xbf16> to vector<16xi32>
          tpu.vector_store_idx %arg13[%get3A_194], %bitcast3A_285 masked %and3A_267 : memref<10000xi32, #tpu.memory_space<vmem>>[vector<16xi32>], vector<16xi32>, vector<16xi1>
          %gather3A_286 = tpu.vector_load_idx %arg10[%get3A_192] : memref<10000xi32, #tpu.memory_space<vmem>>[vector<16xi32>], vector<16xi32>,
          %gather3A_287 = tpu.vector_load_idx %arg14[%get3A_194] : memref<10000xi32, #tpu.memory_space<vmem>>[vector<16xi32>], vector<16xi32>,
          %bitcast3A_288 = vector.bitcast %gather3A_286 : vector<16xi32> to vector<32xbf16>
          %bitcast3A_289 = vector.bitcast %gather3A_287 : vector<16xi32> to vector<32xbf16>
          %max3A_290 = arith.maximumf %bitcast3A_288, %bitcast3A_289 : vector<32xbf16>
          %bitcast3A_291 = vector.bitcast %max3A_290 : vector<32xbf16> to vector<16xi32>
          tpu.vector_store_idx %arg14[%get3A_194], %bitcast3A_291 masked %and3A_267 : memref<10000xi32, #tpu.memory_space<vmem>>[vector<16xi32>], vector<16xi32>, vector<16xi1>
          %broadcast_in_dim3A_292 = arith.constant 0 : i32
          %broadcast_in_dim3A_293 = vector.broadcast %broadcast_in_dim3A_292 : i32 to vector<16xi32>
          %select_n3A_294 = arith.select %and3A_267, %broadcast_in_dim3A_293, %while3A_262 : vector<16xi1>, vector<16xi32>
          scf.yield %select_n3A_294 : vector<16xi32>
        }
        %eq3A_227 = arith.constant 0 : i32
        %eq3A_228 = arith.cmpi eq, %select_n3A, %eq3A_227 : i32
        %convert_element_type3A_229 = arith.extui %eq3A_228 : i1 to i32
        %cond3A_230 = arith.constant 0 : i32
        %cond3A_231 = arith.cmpi ne, %convert_element_type3A_229, %cond3A_230 : i32
        scf.if %cond3A_231 {
          tpu.vector_store_idx %arg17[%get3A_192], %broadcast_in_dim3A_33 {add = true} : memref<10000xi32, #tpu.memory_space<vmem>>[vector<16xi32>], vector<16xi32>,
        } else {
        }
        tpu.vector_store_idx %arg16[%get3A_192], %iota3A : memref<10000xi32, #tpu.memory_space<vmem>>[vector<16xi32>], vector<16xi32>,
        %gather3A_232 = tpu.vector_load_idx %arg16[%get3A_192] : memref<10000xi32, #tpu.memory_space<vmem>>[vector<16xi32>], vector<16xi32>,
        %eq3A_233 = arith.cmpi eq, %gather3A_232, %iota3A : vector<16xi32>
        %gather3A_234 = tpu.vector_load_idx %arg7[%get3A_194] : memref<10000xi32, #tpu.memory_space<vmem>>[vector<16xi32>], vector<16xi32>,
        %gather3A_235 = tpu.vector_load_idx %arg11[%get3A_192] : memref<10000xi32, #tpu.memory_space<vmem>>[vector<16xi32>], vector<16xi32>,
        %bitcast3A_236 = vector.bitcast %gather3A_234 : vector<16xi32> to vector<32xbf16>
        %bitcast3A_237 = vector.bitcast %gather3A_235 : vector<16xi32> to vector<32xbf16>
        %max3A_238 = arith.maximumf %bitcast3A_236, %bitcast3A_237 : vector<32xbf16>
        %bitcast3A_239 = vector.bitcast %max3A_238 : vector<32xbf16> to vector<16xi32>
        tpu.vector_store_idx %arg11[%get3A_192], %bitcast3A_239 masked %eq3A_233 : memref<10000xi32, #tpu.memory_space<vmem>>[vector<16xi32>], vector<16xi32>, vector<16xi1>
        %gather3A_240 = tpu.vector_load_idx %arg8[%get3A_194] : memref<10000xi32, #tpu.memory_space<vmem>>[vector<16xi32>], vector<16xi32>,
        %gather3A_241 = tpu.vector_load_idx %arg12[%get3A_192] : memref<10000xi32, #tpu.memory_space<vmem>>[vector<16xi32>], vector<16xi32>,
        %bitcast3A_242 = vector.bitcast %gather3A_240 : vector<16xi32> to vector<32xbf16>
        %bitcast3A_243 = vector.bitcast %gather3A_241 : vector<16xi32> to vector<32xbf16>
        %max3A_244 = arith.maximumf %bitcast3A_242, %bitcast3A_243 : vector<32xbf16>
        %bitcast3A_245 = vector.bitcast %max3A_244 : vector<32xbf16> to vector<16xi32>
        tpu.vector_store_idx %arg12[%get3A_192], %bitcast3A_245 masked %eq3A_233 : memref<10000xi32, #tpu.memory_space<vmem>>[vector<16xi32>], vector<16xi32>, vector<16xi1>
        %gather3A_246 = tpu.vector_load_idx %arg9[%get3A_194] : memref<10000xi32, #tpu.memory_space<vmem>>[vector<16xi32>], vector<16xi32>,
        %gather3A_247 = tpu.vector_load_idx %arg13[%get3A_192] : memref<10000xi32, #tpu.memory_space<vmem>>[vector<16xi32>], vector<16xi32>,
        %bitcast3A_248 = vector.bitcast %gather3A_246 : vector<16xi32> to vector<32xbf16>
        %bitcast3A_249 = vector.bitcast %gather3A_247 : vector<16xi32> to vector<32xbf16>
        %max3A_250 = arith.maximumf %bitcast3A_248, %bitcast3A_249 : vector<32xbf16>
        %bitcast3A_251 = vector.bitcast %max3A_250 : vector<32xbf16> to vector<16xi32>
        tpu.vector_store_idx %arg13[%get3A_192], %bitcast3A_251 masked %eq3A_233 : memref<10000xi32, #tpu.memory_space<vmem>>[vector<16xi32>], vector<16xi32>, vector<16xi1>
        %gather3A_252 = tpu.vector_load_idx %arg10[%get3A_194] : memref<10000xi32, #tpu.memory_space<vmem>>[vector<16xi32>], vector<16xi32>,
        %gather3A_253 = tpu.vector_load_idx %arg14[%get3A_192] : memref<10000xi32, #tpu.memory_space<vmem>>[vector<16xi32>], vector<16xi32>,
        %bitcast3A_254 = vector.bitcast %gather3A_252 : vector<16xi32> to vector<32xbf16>
        %bitcast3A_255 = vector.bitcast %gather3A_253 : vector<16xi32> to vector<32xbf16>
        %max3A_256 = arith.maximumf %bitcast3A_254, %bitcast3A_255 : vector<32xbf16>
        %bitcast3A_257 = vector.bitcast %max3A_256 : vector<32xbf16> to vector<16xi32>
        tpu.vector_store_idx %arg14[%get3A_192], %bitcast3A_257 masked %eq3A_233 : memref<10000xi32, #tpu.memory_space<vmem>>[vector<16xi32>], vector<16xi32>, vector<16xi1>
        %broadcast_in_dim3A_258 = arith.constant 0 : i32
        %broadcast_in_dim3A_259 = vector.broadcast %broadcast_in_dim3A_258 : i32 to vector<16xi32>
        %select_n3A_260 = arith.select %eq3A_233, %broadcast_in_dim3A_259, %broadcast_in_dim3A_33 : vector<16xi1>, vector<16xi32>
        %while3A_261 = scf.while (%while3A_262 = %select_n3A_260) : (vector<16xi32>) -> vector<16xi32> {
          %reduce_max3A = arith.constant true
          %reduce_max3A_263 = vector.broadcast %reduce_max3A : i1 to vector<16xi1>
          %reduce_max3A_264 = arith.constant -2147483648 : i32
          %reduce_max3A_265 = vector.broadcast %reduce_max3A_264 : i32 to vector<16xi32>
          %reduce_max3A_266 = arith.xori %while3A_262, %reduce_max3A_265 : vector<16xi32>
          %reduce_max3A_267 = tpu.scan <max>, %reduce_max3A_266 masked %reduce_max3A_263 : vector<16xi32>, vector<16xi1> -> vector<16xi32>
          %reduce_max3A_268 = arith.xori %reduce_max3A_267, %reduce_max3A_265 : vector<16xi32>
          %reduce_max3A_269 = vector.extract %reduce_max3A_268[15] : i32 from vector<16xi32>
          %gt3A = arith.constant 0 : i32
          %gt3A_270 = arith.cmpi sgt, %reduce_max3A_269, %gt3A : i32
          scf.condition(%gt3A_270) %while3A_262 : vector<16xi32>
        } do {
        ^bb0(%while3A_262: vector<16xi32>):
          %gt3A = arith.constant 0 : i32
          %gt3A_263 = vector.broadcast %gt3A : i32 to vector<16xi32>
          %gt3A_264 = arith.cmpi sgt, %while3A_262, %gt3A_263 : vector<16xi32>
          tpu.vector_store_idx %arg16[%get3A_192], %iota3A masked %gt3A_264 : memref<10000xi32, #tpu.memory_space<vmem>>[vector<16xi32>], vector<16xi32>, vector<16xi1>
          %gather3A_265 = tpu.vector_load_idx %arg16[%get3A_192] : memref<10000xi32, #tpu.memory_space<vmem>>[vector<16xi32>], vector<16xi32>,
          %eq3A_266 = arith.cmpi eq, %gather3A_265, %iota3A : vector<16xi32>
          %and3A_267 = arith.andi %gt3A_264, %eq3A_266 : vector<16xi1>
          %gather3A_268 = tpu.vector_load_idx %arg7[%get3A_194] : memref<10000xi32, #tpu.memory_space<vmem>>[vector<16xi32>], vector<16xi32>,
          %gather3A_269 = tpu.vector_load_idx %arg11[%get3A_192] : memref<10000xi32, #tpu.memory_space<vmem>>[vector<16xi32>], vector<16xi32>,
          %bitcast3A_270 = vector.bitcast %gather3A_268 : vector<16xi32> to vector<32xbf16>
          %bitcast3A_271 = vector.bitcast %gather3A_269 : vector<16xi32> to vector<32xbf16>
          %max3A_272 = arith.maximumf %bitcast3A_270, %bitcast3A_271 : vector<32xbf16>
          %bitcast3A_273 = vector.bitcast %max3A_272 : vector<32xbf16> to vector<16xi32>
          tpu.vector_store_idx %arg11[%get3A_192], %bitcast3A_273 masked %and3A_267 : memref<10000xi32, #tpu.memory_space<vmem>>[vector<16xi32>], vector<16xi32>, vector<16xi1>
          %gather3A_274 = tpu.vector_load_idx %arg8[%get3A_194] : memref<10000xi32, #tpu.memory_space<vmem>>[vector<16xi32>], vector<16xi32>,
          %gather3A_275 = tpu.vector_load_idx %arg12[%get3A_192] : memref<10000xi32, #tpu.memory_space<vmem>>[vector<16xi32>], vector<16xi32>,
          %bitcast3A_276 = vector.bitcast %gather3A_274 : vector<16xi32> to vector<32xbf16>
          %bitcast3A_277 = vector.bitcast %gather3A_275 : vector<16xi32> to vector<32xbf16>
          %max3A_278 = arith.maximumf %bitcast3A_276, %bitcast3A_277 : vector<32xbf16>
          %bitcast3A_279 = vector.bitcast %max3A_278 : vector<32xbf16> to vector<16xi32>
          tpu.vector_store_idx %arg12[%get3A_192], %bitcast3A_279 masked %and3A_267 : memref<10000xi32, #tpu.memory_space<vmem>>[vector<16xi32>], vector<16xi32>, vector<16xi1>
          %gather3A_280 = tpu.vector_load_idx %arg9[%get3A_194] : memref<10000xi32, #tpu.memory_space<vmem>>[vector<16xi32>], vector<16xi32>,
          %gather3A_281 = tpu.vector_load_idx %arg13[%get3A_192] : memref<10000xi32, #tpu.memory_space<vmem>>[vector<16xi32>], vector<16xi32>,
          %bitcast3A_282 = vector.bitcast %gather3A_280 : vector<16xi32> to vector<32xbf16>
          %bitcast3A_283 = vector.bitcast %gather3A_281 : vector<16xi32> to vector<32xbf16>
          %max3A_284 = arith.maximumf %bitcast3A_282, %bitcast3A_283 : vector<32xbf16>
          %bitcast3A_285 = vector.bitcast %max3A_284 : vector<32xbf16> to vector<16xi32>
          tpu.vector_store_idx %arg13[%get3A_192], %bitcast3A_285 masked %and3A_267 : memref<10000xi32, #tpu.memory_space<vmem>>[vector<16xi32>], vector<16xi32>, vector<16xi1>
          %gather3A_286 = tpu.vector_load_idx %arg10[%get3A_194] : memref<10000xi32, #tpu.memory_space<vmem>>[vector<16xi32>], vector<16xi32>,
          %gather3A_287 = tpu.vector_load_idx %arg14[%get3A_192] : memref<10000xi32, #tpu.memory_space<vmem>>[vector<16xi32>], vector<16xi32>,
          %bitcast3A_288 = vector.bitcast %gather3A_286 : vector<16xi32> to vector<32xbf16>
          %bitcast3A_289 = vector.bitcast %gather3A_287 : vector<16xi32> to vector<32xbf16>
          %max3A_290 = arith.maximumf %bitcast3A_288, %bitcast3A_289 : vector<32xbf16>
          %bitcast3A_291 = vector.bitcast %max3A_290 : vector<32xbf16> to vector<16xi32>
          tpu.vector_store_idx %arg14[%get3A_192], %bitcast3A_291 masked %and3A_267 : memref<10000xi32, #tpu.memory_space<vmem>>[vector<16xi32>], vector<16xi32>, vector<16xi1>
          %broadcast_in_dim3A_292 = arith.constant 0 : i32
          %broadcast_in_dim3A_293 = vector.broadcast %broadcast_in_dim3A_292 : i32 to vector<16xi32>
          %select_n3A_294 = arith.select %and3A_267, %broadcast_in_dim3A_293, %while3A_262 : vector<16xi1>, vector<16xi32>
          scf.yield %select_n3A_294 : vector<16xi32>
        }
      }
      %add3A_148 = arith.constant 2 : i32
      %add3A_149 = arith.addi %add3A_125, %add3A_148 : i32
      %lt3A_150 = arith.constant 20 : i32
      %lt3A_151 = arith.cmpi slt, %add3A_149, %lt3A_150 : i32
      %convert_element_type3A_152 = arith.extui %lt3A_151 : i1 to i32
      %cond3A_153 = arith.constant 0 : i32
      %cond3A_154 = arith.cmpi ne, %convert_element_type3A_152, %cond3A_153 : i32
      scf.if %cond3A_154 {
        %mul3A_189 = arith.constant 2000 : i32
        %mul3A_190 = arith.muli %add3A_149, %mul3A_189 : i32
        %add3A_191 = arith.addi %mul3A_32, %mul3A_190 : i32
        %dma_start3A_192 = arith.constant 0 : i32
        %dma_start3A_193 = arith.constant 0 : i32
        %dma_start3A_194 = tpu.memref_slice %arg3[%add3A_191] : memref<320000xi32, #tpu.memory_space<hbm>> -> memref<2000xi32, #tpu.memory_space<hbm>>
        %dma_start3A_195 = tpu.memref_slice %arg22[%dma_start3A_192, %dma_start3A_193] : memref<2x2x!tpu.dma_semaphore, #tpu.memory_space<semaphore_mem>> -> memref<1x1x!tpu.dma_semaphore, #tpu.memory_space<semaphore_mem>>
        %dma_start3A_196 = tpu.memref_squeeze %dma_start3A_195 : memref<1x1x!tpu.dma_semaphore, #tpu.memory_space<semaphore_mem>> -> memref<!tpu.dma_semaphore, #tpu.memory_space<semaphore_mem>>
        %dma_start3A_197 = tpu.memref_slice %arg3[%add3A_191] : memref<320000xi32, #tpu.memory_space<hbm>> -> memref<2000xi32, #tpu.memory_space<hbm>>
        tpu.enqueue_dma source(%dma_start3A_197 : memref<2000xi32, #tpu.memory_space<hbm>>) target(%arg18 : memref<2000xi32, #tpu.memory_space<vmem>>) target_semaphore(%dma_start3A_196 : memref<!tpu.dma_semaphore, #tpu.memory_space<semaphore_mem>>)
        %dma_start3A_198 = arith.constant 0 : i32
        %dma_start3A_199 = arith.constant 1 : i32
        %dma_start3A_200 = tpu.memref_slice %arg4[%add3A_191] : memref<320000xi32, #tpu.memory_space<hbm>> -> memref<2000xi32, #tpu.memory_space<hbm>>
        %dma_start3A_201 = tpu.memref_slice %arg22[%dma_start3A_198, %dma_start3A_199] : memref<2x2x!tpu.dma_semaphore, #tpu.memory_space<semaphore_mem>> -> memref<1x1x!tpu.dma_semaphore, #tpu.memory_space<semaphore_mem>>
        %dma_start3A_202 = tpu.memref_squeeze %dma_start3A_201 : memref<1x1x!tpu.dma_semaphore, #tpu.memory_space<semaphore_mem>> -> memref<!tpu.dma_semaphore, #tpu.memory_space<semaphore_mem>>
        %dma_start3A_203 = tpu.memref_slice %arg4[%add3A_191] : memref<320000xi32, #tpu.memory_space<hbm>> -> memref<2000xi32, #tpu.memory_space<hbm>>
        tpu.enqueue_dma source(%dma_start3A_203 : memref<2000xi32, #tpu.memory_space<hbm>>) target(%arg19 : memref<2000xi32, #tpu.memory_space<vmem>>) target_semaphore(%dma_start3A_202 : memref<!tpu.dma_semaphore, #tpu.memory_space<semaphore_mem>>)
      } else {
      }
      %mul3A_155 = arith.constant 2 : i32
      %mul3A_156 = arith.muli %while3A_121, %mul3A_155 : i32
      %add3A_157 = arith.constant 1 : i32
      %add3A_158 = arith.addi %mul3A_156, %add3A_157 : i32
      %dma_wait3A_159 = arith.constant 1 : i32
      %dma_wait3A_160 = arith.constant 0 : i32
      %dma_wait3A_161 = tpu.memref_slice %arg3[%mul3A_32] : memref<320000xi32, #tpu.memory_space<hbm>> -> memref<2000xi32, #tpu.memory_space<hbm>>
      %dma_wait3A_162 = tpu.memref_slice %arg22[%dma_wait3A_159, %dma_wait3A_160] : memref<2x2x!tpu.dma_semaphore, #tpu.memory_space<semaphore_mem>> -> memref<1x1x!tpu.dma_semaphore, #tpu.memory_space<semaphore_mem>>
      %dma_wait3A_163 = tpu.memref_squeeze %dma_wait3A_162 : memref<1x1x!tpu.dma_semaphore, #tpu.memory_space<semaphore_mem>> -> memref<!tpu.dma_semaphore, #tpu.memory_space<semaphore_mem>>
      %dma_wait3A_164 = tpu.memref_slice %arg3[%mul3A_32] : memref<320000xi32, #tpu.memory_space<hbm>> -> memref<2000xi32, #tpu.memory_space<hbm>>
      tpu.wait_dma2 semaphore(%dma_wait3A_163 : memref<!tpu.dma_semaphore, #tpu.memory_space<semaphore_mem>>) src(%dma_wait3A_164 : memref<2000xi32, #tpu.memory_space<hbm>>) dst(%arg20 : memref<2000xi32, #tpu.memory_space<vmem>>)
      %dma_wait3A_165 = arith.constant 1 : i32
      %dma_wait3A_166 = arith.constant 1 : i32
      %dma_wait3A_167 = tpu.memref_slice %arg4[%mul3A_32] : memref<320000xi32, #tpu.memory_space<hbm>> -> memref<2000xi32, #tpu.memory_space<hbm>>
      %dma_wait3A_168 = tpu.memref_slice %arg22[%dma_wait3A_165, %dma_wait3A_166] : memref<2x2x!tpu.dma_semaphore, #tpu.memory_space<semaphore_mem>> -> memref<1x1x!tpu.dma_semaphore, #tpu.memory_space<semaphore_mem>>
      %dma_wait3A_169 = tpu.memref_squeeze %dma_wait3A_168 : memref<1x1x!tpu.dma_semaphore, #tpu.memory_space<semaphore_mem>> -> memref<!tpu.dma_semaphore, #tpu.memory_space<semaphore_mem>>
      %dma_wait3A_170 = tpu.memref_slice %arg4[%mul3A_32] : memref<320000xi32, #tpu.memory_space<hbm>> -> memref<2000xi32, #tpu.memory_space<hbm>>
      tpu.wait_dma2 semaphore(%dma_wait3A_169 : memref<!tpu.dma_semaphore, #tpu.memory_space<semaphore_mem>>) src(%dma_wait3A_170 : memref<2000xi32, #tpu.memory_space<hbm>>) dst(%arg21 : memref<2000xi32, #tpu.memory_space<vmem>>)
      %while3A_171 = arith.constant 0 : i32
      %while3A_172 = arith.constant 0 : i32
      %while3A_173 = arith.constant 125 : i32
      %while3A_174 = arith.subi %while3A_173, %while3A_172 : i32
      %while3A_175 = arith.addi %while3A_172, %while3A_174 : i32
      %while3A_176 = arith.constant 1 : i32
      %while3A_177 = arith.divsi %while3A_174, %while3A_176 : i32
      %while3A_178 = arith.muli %while3A_177, %while3A_176 : i32
      %while3A_179 = arith.addi %while3A_172, %while3A_178 : i32
      %while3A_180 = arith.constant 1 : i32
      scf.for %while3A_189 = %while3A_172 to %while3A_179 step %while3A_180  : i32 {
        %mul3A_190 = arith.constant 16 : i32
        %mul3A_191 = arith.muli %while3A_189, %mul3A_190 : i32
        %get3A = arith.index_cast %mul3A_191 : i32 to index
        %get3A_192 = tpu.vector_load %arg20[%get3A] {strides = array<i32>} : memref<2000xi32, #tpu.memory_space<vmem>>, vector<16xi32>,
        %get3A_193 = arith.index_cast %mul3A_191 : i32 to index
        %get3A_194 = tpu.vector_load %arg21[%get3A_193] {strides = array<i32>} : memref<2000xi32, #tpu.memory_space<vmem>>, vector<16xi32>,
        %eq3A_195 = arith.constant 0 : i32
        %eq3A_196 = arith.cmpi eq, %select_n3A, %eq3A_195 : i32
        %convert_element_type3A_197 = arith.extui %eq3A_196 : i1 to i32
        %cond3A_198 = arith.constant 0 : i32
        %cond3A_199 = arith.cmpi ne, %convert_element_type3A_197, %cond3A_198 : i32
        scf.if %cond3A_199 {
          tpu.vector_store_idx %arg17[%get3A_194], %broadcast_in_dim3A_33 {add = true} : memref<10000xi32, #tpu.memory_space<vmem>>[vector<16xi32>], vector<16xi32>,
        } else {
        }
        tpu.vector_store_idx %arg15[%get3A_194], %iota3A : memref<10000xi32, #tpu.memory_space<vmem>>[vector<16xi32>], vector<16xi32>,
        %gather3A = tpu.vector_load_idx %arg15[%get3A_194] : memref<10000xi32, #tpu.memory_space<vmem>>[vector<16xi32>], vector<16xi32>,
        %eq3A_200 = arith.cmpi eq, %gather3A, %iota3A : vector<16xi32>
        %gather3A_201 = tpu.vector_load_idx %arg7[%get3A_192] : memref<10000xi32, #tpu.memory_space<vmem>>[vector<16xi32>], vector<16xi32>,
        %gather3A_202 = tpu.vector_load_idx %arg11[%get3A_194] : memref<10000xi32, #tpu.memory_space<vmem>>[vector<16xi32>], vector<16xi32>,
        %bitcast3A = vector.bitcast %gather3A_201 : vector<16xi32> to vector<32xbf16>
        %bitcast3A_203 = vector.bitcast %gather3A_202 : vector<16xi32> to vector<32xbf16>
        %max3A = arith.maximumf %bitcast3A, %bitcast3A_203 : vector<32xbf16>
        %bitcast3A_204 = vector.bitcast %max3A : vector<32xbf16> to vector<16xi32>
        tpu.vector_store_idx %arg11[%get3A_194], %bitcast3A_204 masked %eq3A_200 : memref<10000xi32, #tpu.memory_space<vmem>>[vector<16xi32>], vector<16xi32>, vector<16xi1>
        %gather3A_205 = tpu.vector_load_idx %arg8[%get3A_192] : memref<10000xi32, #tpu.memory_space<vmem>>[vector<16xi32>], vector<16xi32>,
        %gather3A_206 = tpu.vector_load_idx %arg12[%get3A_194] : memref<10000xi32, #tpu.memory_space<vmem>>[vector<16xi32>], vector<16xi32>,
        %bitcast3A_207 = vector.bitcast %gather3A_205 : vector<16xi32> to vector<32xbf16>
        %bitcast3A_208 = vector.bitcast %gather3A_206 : vector<16xi32> to vector<32xbf16>
        %max3A_209 = arith.maximumf %bitcast3A_207, %bitcast3A_208 : vector<32xbf16>
        %bitcast3A_210 = vector.bitcast %max3A_209 : vector<32xbf16> to vector<16xi32>
        tpu.vector_store_idx %arg12[%get3A_194], %bitcast3A_210 masked %eq3A_200 : memref<10000xi32, #tpu.memory_space<vmem>>[vector<16xi32>], vector<16xi32>, vector<16xi1>
        %gather3A_211 = tpu.vector_load_idx %arg9[%get3A_192] : memref<10000xi32, #tpu.memory_space<vmem>>[vector<16xi32>], vector<16xi32>,
        %gather3A_212 = tpu.vector_load_idx %arg13[%get3A_194] : memref<10000xi32, #tpu.memory_space<vmem>>[vector<16xi32>], vector<16xi32>,
        %bitcast3A_213 = vector.bitcast %gather3A_211 : vector<16xi32> to vector<32xbf16>
        %bitcast3A_214 = vector.bitcast %gather3A_212 : vector<16xi32> to vector<32xbf16>
        %max3A_215 = arith.maximumf %bitcast3A_213, %bitcast3A_214 : vector<32xbf16>
        %bitcast3A_216 = vector.bitcast %max3A_215 : vector<32xbf16> to vector<16xi32>
        tpu.vector_store_idx %arg13[%get3A_194], %bitcast3A_216 masked %eq3A_200 : memref<10000xi32, #tpu.memory_space<vmem>>[vector<16xi32>], vector<16xi32>, vector<16xi1>
        %gather3A_217 = tpu.vector_load_idx %arg10[%get3A_192] : memref<10000xi32, #tpu.memory_space<vmem>>[vector<16xi32>], vector<16xi32>,
        %gather3A_218 = tpu.vector_load_idx %arg14[%get3A_194] : memref<10000xi32, #tpu.memory_space<vmem>>[vector<16xi32>], vector<16xi32>,
        %bitcast3A_219 = vector.bitcast %gather3A_217 : vector<16xi32> to vector<32xbf16>
        %bitcast3A_220 = vector.bitcast %gather3A_218 : vector<16xi32> to vector<32xbf16>
        %max3A_221 = arith.maximumf %bitcast3A_219, %bitcast3A_220 : vector<32xbf16>
        %bitcast3A_222 = vector.bitcast %max3A_221 : vector<32xbf16> to vector<16xi32>
        tpu.vector_store_idx %arg14[%get3A_194], %bitcast3A_222 masked %eq3A_200 : memref<10000xi32, #tpu.memory_space<vmem>>[vector<16xi32>], vector<16xi32>, vector<16xi1>
        %broadcast_in_dim3A_223 = arith.constant 0 : i32
        %broadcast_in_dim3A_224 = vector.broadcast %broadcast_in_dim3A_223 : i32 to vector<16xi32>
        %select_n3A_225 = arith.select %eq3A_200, %broadcast_in_dim3A_224, %broadcast_in_dim3A_33 : vector<16xi1>, vector<16xi32>
        %while3A_226 = scf.while (%while3A_262 = %select_n3A_225) : (vector<16xi32>) -> vector<16xi32> {
          %reduce_max3A = arith.constant true
          %reduce_max3A_263 = vector.broadcast %reduce_max3A : i1 to vector<16xi1>
          %reduce_max3A_264 = arith.constant -2147483648 : i32
          %reduce_max3A_265 = vector.broadcast %reduce_max3A_264 : i32 to vector<16xi32>
          %reduce_max3A_266 = arith.xori %while3A_262, %reduce_max3A_265 : vector<16xi32>
          %reduce_max3A_267 = tpu.scan <max>, %reduce_max3A_266 masked %reduce_max3A_263 : vector<16xi32>, vector<16xi1> -> vector<16xi32>
          %reduce_max3A_268 = arith.xori %reduce_max3A_267, %reduce_max3A_265 : vector<16xi32>
          %reduce_max3A_269 = vector.extract %reduce_max3A_268[15] : i32 from vector<16xi32>
          %gt3A = arith.constant 0 : i32
          %gt3A_270 = arith.cmpi sgt, %reduce_max3A_269, %gt3A : i32
          scf.condition(%gt3A_270) %while3A_262 : vector<16xi32>
        } do {
        ^bb0(%while3A_262: vector<16xi32>):
          %gt3A = arith.constant 0 : i32
          %gt3A_263 = vector.broadcast %gt3A : i32 to vector<16xi32>
          %gt3A_264 = arith.cmpi sgt, %while3A_262, %gt3A_263 : vector<16xi32>
          tpu.vector_store_idx %arg15[%get3A_194], %iota3A masked %gt3A_264 : memref<10000xi32, #tpu.memory_space<vmem>>[vector<16xi32>], vector<16xi32>, vector<16xi1>
          %gather3A_265 = tpu.vector_load_idx %arg15[%get3A_194] : memref<10000xi32, #tpu.memory_space<vmem>>[vector<16xi32>], vector<16xi32>,
          %eq3A_266 = arith.cmpi eq, %gather3A_265, %iota3A : vector<16xi32>
          %and3A_267 = arith.andi %gt3A_264, %eq3A_266 : vector<16xi1>
          %gather3A_268 = tpu.vector_load_idx %arg7[%get3A_192] : memref<10000xi32, #tpu.memory_space<vmem>>[vector<16xi32>], vector<16xi32>,
          %gather3A_269 = tpu.vector_load_idx %arg11[%get3A_194] : memref<10000xi32, #tpu.memory_space<vmem>>[vector<16xi32>], vector<16xi32>,
          %bitcast3A_270 = vector.bitcast %gather3A_268 : vector<16xi32> to vector<32xbf16>
          %bitcast3A_271 = vector.bitcast %gather3A_269 : vector<16xi32> to vector<32xbf16>
          %max3A_272 = arith.maximumf %bitcast3A_270, %bitcast3A_271 : vector<32xbf16>
          %bitcast3A_273 = vector.bitcast %max3A_272 : vector<32xbf16> to vector<16xi32>
          tpu.vector_store_idx %arg11[%get3A_194], %bitcast3A_273 masked %and3A_267 : memref<10000xi32, #tpu.memory_space<vmem>>[vector<16xi32>], vector<16xi32>, vector<16xi1>
          %gather3A_274 = tpu.vector_load_idx %arg8[%get3A_192] : memref<10000xi32, #tpu.memory_space<vmem>>[vector<16xi32>], vector<16xi32>,
          %gather3A_275 = tpu.vector_load_idx %arg12[%get3A_194] : memref<10000xi32, #tpu.memory_space<vmem>>[vector<16xi32>], vector<16xi32>,
          %bitcast3A_276 = vector.bitcast %gather3A_274 : vector<16xi32> to vector<32xbf16>
          %bitcast3A_277 = vector.bitcast %gather3A_275 : vector<16xi32> to vector<32xbf16>
          %max3A_278 = arith.maximumf %bitcast3A_276, %bitcast3A_277 : vector<32xbf16>
          %bitcast3A_279 = vector.bitcast %max3A_278 : vector<32xbf16> to vector<16xi32>
          tpu.vector_store_idx %arg12[%get3A_194], %bitcast3A_279 masked %and3A_267 : memref<10000xi32, #tpu.memory_space<vmem>>[vector<16xi32>], vector<16xi32>, vector<16xi1>
          %gather3A_280 = tpu.vector_load_idx %arg9[%get3A_192] : memref<10000xi32, #tpu.memory_space<vmem>>[vector<16xi32>], vector<16xi32>,
          %gather3A_281 = tpu.vector_load_idx %arg13[%get3A_194] : memref<10000xi32, #tpu.memory_space<vmem>>[vector<16xi32>], vector<16xi32>,
          %bitcast3A_282 = vector.bitcast %gather3A_280 : vector<16xi32> to vector<32xbf16>
          %bitcast3A_283 = vector.bitcast %gather3A_281 : vector<16xi32> to vector<32xbf16>
          %max3A_284 = arith.maximumf %bitcast3A_282, %bitcast3A_283 : vector<32xbf16>
          %bitcast3A_285 = vector.bitcast %max3A_284 : vector<32xbf16> to vector<16xi32>
          tpu.vector_store_idx %arg13[%get3A_194], %bitcast3A_285 masked %and3A_267 : memref<10000xi32, #tpu.memory_space<vmem>>[vector<16xi32>], vector<16xi32>, vector<16xi1>
          %gather3A_286 = tpu.vector_load_idx %arg10[%get3A_192] : memref<10000xi32, #tpu.memory_space<vmem>>[vector<16xi32>], vector<16xi32>,
          %gather3A_287 = tpu.vector_load_idx %arg14[%get3A_194] : memref<10000xi32, #tpu.memory_space<vmem>>[vector<16xi32>], vector<16xi32>,
          %bitcast3A_288 = vector.bitcast %gather3A_286 : vector<16xi32> to vector<32xbf16>
          %bitcast3A_289 = vector.bitcast %gather3A_287 : vector<16xi32> to vector<32xbf16>
          %max3A_290 = arith.maximumf %bitcast3A_288, %bitcast3A_289 : vector<32xbf16>
          %bitcast3A_291 = vector.bitcast %max3A_290 : vector<32xbf16> to vector<16xi32>
          tpu.vector_store_idx %arg14[%get3A_194], %bitcast3A_291 masked %and3A_267 : memref<10000xi32, #tpu.memory_space<vmem>>[vector<16xi32>], vector<16xi32>, vector<16xi1>
          %broadcast_in_dim3A_292 = arith.constant 0 : i32
          %broadcast_in_dim3A_293 = vector.broadcast %broadcast_in_dim3A_292 : i32 to vector<16xi32>
          %select_n3A_294 = arith.select %and3A_267, %broadcast_in_dim3A_293, %while3A_262 : vector<16xi1>, vector<16xi32>
          scf.yield %select_n3A_294 : vector<16xi32>
        }
        %eq3A_227 = arith.constant 0 : i32
        %eq3A_228 = arith.cmpi eq, %select_n3A, %eq3A_227 : i32
        %convert_element_type3A_229 = arith.extui %eq3A_228 : i1 to i32
        %cond3A_230 = arith.constant 0 : i32
        %cond3A_231 = arith.cmpi ne, %convert_element_type3A_229, %cond3A_230 : i32
        scf.if %cond3A_231 {
          tpu.vector_store_idx %arg17[%get3A_192], %broadcast_in_dim3A_33 {add = true} : memref<10000xi32, #tpu.memory_space<vmem>>[vector<16xi32>], vector<16xi32>,
        } else {
        }
        tpu.vector_store_idx %arg16[%get3A_192], %iota3A : memref<10000xi32, #tpu.memory_space<vmem>>[vector<16xi32>], vector<16xi32>,
        %gather3A_232 = tpu.vector_load_idx %arg16[%get3A_192] : memref<10000xi32, #tpu.memory_space<vmem>>[vector<16xi32>], vector<16xi32>,
        %eq3A_233 = arith.cmpi eq, %gather3A_232, %iota3A : vector<16xi32>
        %gather3A_234 = tpu.vector_load_idx %arg7[%get3A_194] : memref<10000xi32, #tpu.memory_space<vmem>>[vector<16xi32>], vector<16xi32>,
        %gather3A_235 = tpu.vector_load_idx %arg11[%get3A_192] : memref<10000xi32, #tpu.memory_space<vmem>>[vector<16xi32>], vector<16xi32>,
        %bitcast3A_236 = vector.bitcast %gather3A_234 : vector<16xi32> to vector<32xbf16>
        %bitcast3A_237 = vector.bitcast %gather3A_235 : vector<16xi32> to vector<32xbf16>
        %max3A_238 = arith.maximumf %bitcast3A_236, %bitcast3A_237 : vector<32xbf16>
        %bitcast3A_239 = vector.bitcast %max3A_238 : vector<32xbf16> to vector<16xi32>
        tpu.vector_store_idx %arg11[%get3A_192], %bitcast3A_239 masked %eq3A_233 : memref<10000xi32, #tpu.memory_space<vmem>>[vector<16xi32>], vector<16xi32>, vector<16xi1>
        %gather3A_240 = tpu.vector_load_idx %arg8[%get3A_194] : memref<10000xi32, #tpu.memory_space<vmem>>[vector<16xi32>], vector<16xi32>,
        %gather3A_241 = tpu.vector_load_idx %arg12[%get3A_192] : memref<10000xi32, #tpu.memory_space<vmem>>[vector<16xi32>], vector<16xi32>,
        %bitcast3A_242 = vector.bitcast %gather3A_240 : vector<16xi32> to vector<32xbf16>
        %bitcast3A_243 = vector.bitcast %gather3A_241 : vector<16xi32> to vector<32xbf16>
        %max3A_244 = arith.maximumf %bitcast3A_242, %bitcast3A_243 : vector<32xbf16>
        %bitcast3A_245 = vector.bitcast %max3A_244 : vector<32xbf16> to vector<16xi32>
        tpu.vector_store_idx %arg12[%get3A_192], %bitcast3A_245 masked %eq3A_233 : memref<10000xi32, #tpu.memory_space<vmem>>[vector<16xi32>], vector<16xi32>, vector<16xi1>
        %gather3A_246 = tpu.vector_load_idx %arg9[%get3A_194] : memref<10000xi32, #tpu.memory_space<vmem>>[vector<16xi32>], vector<16xi32>,
        %gather3A_247 = tpu.vector_load_idx %arg13[%get3A_192] : memref<10000xi32, #tpu.memory_space<vmem>>[vector<16xi32>], vector<16xi32>,
        %bitcast3A_248 = vector.bitcast %gather3A_246 : vector<16xi32> to vector<32xbf16>
        %bitcast3A_249 = vector.bitcast %gather3A_247 : vector<16xi32> to vector<32xbf16>
        %max3A_250 = arith.maximumf %bitcast3A_248, %bitcast3A_249 : vector<32xbf16>
        %bitcast3A_251 = vector.bitcast %max3A_250 : vector<32xbf16> to vector<16xi32>
        tpu.vector_store_idx %arg13[%get3A_192], %bitcast3A_251 masked %eq3A_233 : memref<10000xi32, #tpu.memory_space<vmem>>[vector<16xi32>], vector<16xi32>, vector<16xi1>
        %gather3A_252 = tpu.vector_load_idx %arg10[%get3A_194] : memref<10000xi32, #tpu.memory_space<vmem>>[vector<16xi32>], vector<16xi32>,
        %gather3A_253 = tpu.vector_load_idx %arg14[%get3A_192] : memref<10000xi32, #tpu.memory_space<vmem>>[vector<16xi32>], vector<16xi32>,
        %bitcast3A_254 = vector.bitcast %gather3A_252 : vector<16xi32> to vector<32xbf16>
        %bitcast3A_255 = vector.bitcast %gather3A_253 : vector<16xi32> to vector<32xbf16>
        %max3A_256 = arith.maximumf %bitcast3A_254, %bitcast3A_255 : vector<32xbf16>
        %bitcast3A_257 = vector.bitcast %max3A_256 : vector<32xbf16> to vector<16xi32>
        tpu.vector_store_idx %arg14[%get3A_192], %bitcast3A_257 masked %eq3A_233 : memref<10000xi32, #tpu.memory_space<vmem>>[vector<16xi32>], vector<16xi32>, vector<16xi1>
        %broadcast_in_dim3A_258 = arith.constant 0 : i32
        %broadcast_in_dim3A_259 = vector.broadcast %broadcast_in_dim3A_258 : i32 to vector<16xi32>
        %select_n3A_260 = arith.select %eq3A_233, %broadcast_in_dim3A_259, %broadcast_in_dim3A_33 : vector<16xi1>, vector<16xi32>
        %while3A_261 = scf.while (%while3A_262 = %select_n3A_260) : (vector<16xi32>) -> vector<16xi32> {
          %reduce_max3A = arith.constant true
          %reduce_max3A_263 = vector.broadcast %reduce_max3A : i1 to vector<16xi1>
          %reduce_max3A_264 = arith.constant -2147483648 : i32
          %reduce_max3A_265 = vector.broadcast %reduce_max3A_264 : i32 to vector<16xi32>
          %reduce_max3A_266 = arith.xori %while3A_262, %reduce_max3A_265 : vector<16xi32>
          %reduce_max3A_267 = tpu.scan <max>, %reduce_max3A_266 masked %reduce_max3A_263 : vector<16xi32>, vector<16xi1> -> vector<16xi32>
          %reduce_max3A_268 = arith.xori %reduce_max3A_267, %reduce_max3A_265 : vector<16xi32>
          %reduce_max3A_269 = vector.extract %reduce_max3A_268[15] : i32 from vector<16xi32>
          %gt3A = arith.constant 0 : i32
          %gt3A_270 = arith.cmpi sgt, %reduce_max3A_269, %gt3A : i32
          scf.condition(%gt3A_270) %while3A_262 : vector<16xi32>
        } do {
        ^bb0(%while3A_262: vector<16xi32>):
          %gt3A = arith.constant 0 : i32
          %gt3A_263 = vector.broadcast %gt3A : i32 to vector<16xi32>
          %gt3A_264 = arith.cmpi sgt, %while3A_262, %gt3A_263 : vector<16xi32>
          tpu.vector_store_idx %arg16[%get3A_192], %iota3A masked %gt3A_264 : memref<10000xi32, #tpu.memory_space<vmem>>[vector<16xi32>], vector<16xi32>, vector<16xi1>
          %gather3A_265 = tpu.vector_load_idx %arg16[%get3A_192] : memref<10000xi32, #tpu.memory_space<vmem>>[vector<16xi32>], vector<16xi32>,
          %eq3A_266 = arith.cmpi eq, %gather3A_265, %iota3A : vector<16xi32>
          %and3A_267 = arith.andi %gt3A_264, %eq3A_266 : vector<16xi1>
          %gather3A_268 = tpu.vector_load_idx %arg7[%get3A_194] : memref<10000xi32, #tpu.memory_space<vmem>>[vector<16xi32>], vector<16xi32>,
          %gather3A_269 = tpu.vector_load_idx %arg11[%get3A_192] : memref<10000xi32, #tpu.memory_space<vmem>>[vector<16xi32>], vector<16xi32>,
          %bitcast3A_270 = vector.bitcast %gather3A_268 : vector<16xi32> to vector<32xbf16>
          %bitcast3A_271 = vector.bitcast %gather3A_269 : vector<16xi32> to vector<32xbf16>
          %max3A_272 = arith.maximumf %bitcast3A_270, %bitcast3A_271 : vector<32xbf16>
          %bitcast3A_273 = vector.bitcast %max3A_272 : vector<32xbf16> to vector<16xi32>
          tpu.vector_store_idx %arg11[%get3A_192], %bitcast3A_273 masked %and3A_267 : memref<10000xi32, #tpu.memory_space<vmem>>[vector<16xi32>], vector<16xi32>, vector<16xi1>
          %gather3A_274 = tpu.vector_load_idx %arg8[%get3A_194] : memref<10000xi32, #tpu.memory_space<vmem>>[vector<16xi32>], vector<16xi32>,
          %gather3A_275 = tpu.vector_load_idx %arg12[%get3A_192] : memref<10000xi32, #tpu.memory_space<vmem>>[vector<16xi32>], vector<16xi32>,
          %bitcast3A_276 = vector.bitcast %gather3A_274 : vector<16xi32> to vector<32xbf16>
          %bitcast3A_277 = vector.bitcast %gather3A_275 : vector<16xi32> to vector<32xbf16>
          %max3A_278 = arith.maximumf %bitcast3A_276, %bitcast3A_277 : vector<32xbf16>
          %bitcast3A_279 = vector.bitcast %max3A_278 : vector<32xbf16> to vector<16xi32>
          tpu.vector_store_idx %arg12[%get3A_192], %bitcast3A_279 masked %and3A_267 : memref<10000xi32, #tpu.memory_space<vmem>>[vector<16xi32>], vector<16xi32>, vector<16xi1>
          %gather3A_280 = tpu.vector_load_idx %arg9[%get3A_194] : memref<10000xi32, #tpu.memory_space<vmem>>[vector<16xi32>], vector<16xi32>,
          %gather3A_281 = tpu.vector_load_idx %arg13[%get3A_192] : memref<10000xi32, #tpu.memory_space<vmem>>[vector<16xi32>], vector<16xi32>,
          %bitcast3A_282 = vector.bitcast %gather3A_280 : vector<16xi32> to vector<32xbf16>
          %bitcast3A_283 = vector.bitcast %gather3A_281 : vector<16xi32> to vector<32xbf16>
          %max3A_284 = arith.maximumf %bitcast3A_282, %bitcast3A_283 : vector<32xbf16>
          %bitcast3A_285 = vector.bitcast %max3A_284 : vector<32xbf16> to vector<16xi32>
          tpu.vector_store_idx %arg13[%get3A_192], %bitcast3A_285 masked %and3A_267 : memref<10000xi32, #tpu.memory_space<vmem>>[vector<16xi32>], vector<16xi32>, vector<16xi1>
          %gather3A_286 = tpu.vector_load_idx %arg10[%get3A_194] : memref<10000xi32, #tpu.memory_space<vmem>>[vector<16xi32>], vector<16xi32>,
          %gather3A_287 = tpu.vector_load_idx %arg14[%get3A_192] : memref<10000xi32, #tpu.memory_space<vmem>>[vector<16xi32>], vector<16xi32>,
          %bitcast3A_288 = vector.bitcast %gather3A_286 : vector<16xi32> to vector<32xbf16>
          %bitcast3A_289 = vector.bitcast %gather3A_287 : vector<16xi32> to vector<32xbf16>
          %max3A_290 = arith.maximumf %bitcast3A_288, %bitcast3A_289 : vector<32xbf16>
          %bitcast3A_291 = vector.bitcast %max3A_290 : vector<32xbf16> to vector<16xi32>
          tpu.vector_store_idx %arg14[%get3A_192], %bitcast3A_291 masked %and3A_267 : memref<10000xi32, #tpu.memory_space<vmem>>[vector<16xi32>], vector<16xi32>, vector<16xi1>
          %broadcast_in_dim3A_292 = arith.constant 0 : i32
          %broadcast_in_dim3A_293 = vector.broadcast %broadcast_in_dim3A_292 : i32 to vector<16xi32>
          %select_n3A_294 = arith.select %and3A_267, %broadcast_in_dim3A_293, %while3A_262 : vector<16xi1>, vector<16xi32>
          scf.yield %select_n3A_294 : vector<16xi32>
        }
      }
      %while3A_181 = arith.constant 1 : i32
      scf.for %while3A_189 = %while3A_179 to %while3A_175 step %while3A_181  : i32 {
        %mul3A_190 = arith.constant 16 : i32
        %mul3A_191 = arith.muli %while3A_189, %mul3A_190 : i32
        %get3A = arith.index_cast %mul3A_191 : i32 to index
        %get3A_192 = tpu.vector_load %arg20[%get3A] {strides = array<i32>} : memref<2000xi32, #tpu.memory_space<vmem>>, vector<16xi32>,
        %get3A_193 = arith.index_cast %mul3A_191 : i32 to index
        %get3A_194 = tpu.vector_load %arg21[%get3A_193] {strides = array<i32>} : memref<2000xi32, #tpu.memory_space<vmem>>, vector<16xi32>,
        %eq3A_195 = arith.constant 0 : i32
        %eq3A_196 = arith.cmpi eq, %select_n3A, %eq3A_195 : i32
        %convert_element_type3A_197 = arith.extui %eq3A_196 : i1 to i32
        %cond3A_198 = arith.constant 0 : i32
        %cond3A_199 = arith.cmpi ne, %convert_element_type3A_197, %cond3A_198 : i32
        scf.if %cond3A_199 {
          tpu.vector_store_idx %arg17[%get3A_194], %broadcast_in_dim3A_33 {add = true} : memref<10000xi32, #tpu.memory_space<vmem>>[vector<16xi32>], vector<16xi32>,
        } else {
        }
        tpu.vector_store_idx %arg15[%get3A_194], %iota3A : memref<10000xi32, #tpu.memory_space<vmem>>[vector<16xi32>], vector<16xi32>,
        %gather3A = tpu.vector_load_idx %arg15[%get3A_194] : memref<10000xi32, #tpu.memory_space<vmem>>[vector<16xi32>], vector<16xi32>,
        %eq3A_200 = arith.cmpi eq, %gather3A, %iota3A : vector<16xi32>
        %gather3A_201 = tpu.vector_load_idx %arg7[%get3A_192] : memref<10000xi32, #tpu.memory_space<vmem>>[vector<16xi32>], vector<16xi32>,
        %gather3A_202 = tpu.vector_load_idx %arg11[%get3A_194] : memref<10000xi32, #tpu.memory_space<vmem>>[vector<16xi32>], vector<16xi32>,
        %bitcast3A = vector.bitcast %gather3A_201 : vector<16xi32> to vector<32xbf16>
        %bitcast3A_203 = vector.bitcast %gather3A_202 : vector<16xi32> to vector<32xbf16>
        %max3A = arith.maximumf %bitcast3A, %bitcast3A_203 : vector<32xbf16>
        %bitcast3A_204 = vector.bitcast %max3A : vector<32xbf16> to vector<16xi32>
        tpu.vector_store_idx %arg11[%get3A_194], %bitcast3A_204 masked %eq3A_200 : memref<10000xi32, #tpu.memory_space<vmem>>[vector<16xi32>], vector<16xi32>, vector<16xi1>
        %gather3A_205 = tpu.vector_load_idx %arg8[%get3A_192] : memref<10000xi32, #tpu.memory_space<vmem>>[vector<16xi32>], vector<16xi32>,
        %gather3A_206 = tpu.vector_load_idx %arg12[%get3A_194] : memref<10000xi32, #tpu.memory_space<vmem>>[vector<16xi32>], vector<16xi32>,
        %bitcast3A_207 = vector.bitcast %gather3A_205 : vector<16xi32> to vector<32xbf16>
        %bitcast3A_208 = vector.bitcast %gather3A_206 : vector<16xi32> to vector<32xbf16>
        %max3A_209 = arith.maximumf %bitcast3A_207, %bitcast3A_208 : vector<32xbf16>
        %bitcast3A_210 = vector.bitcast %max3A_209 : vector<32xbf16> to vector<16xi32>
        tpu.vector_store_idx %arg12[%get3A_194], %bitcast3A_210 masked %eq3A_200 : memref<10000xi32, #tpu.memory_space<vmem>>[vector<16xi32>], vector<16xi32>, vector<16xi1>
        %gather3A_211 = tpu.vector_load_idx %arg9[%get3A_192] : memref<10000xi32, #tpu.memory_space<vmem>>[vector<16xi32>], vector<16xi32>,
        %gather3A_212 = tpu.vector_load_idx %arg13[%get3A_194] : memref<10000xi32, #tpu.memory_space<vmem>>[vector<16xi32>], vector<16xi32>,
        %bitcast3A_213 = vector.bitcast %gather3A_211 : vector<16xi32> to vector<32xbf16>
        %bitcast3A_214 = vector.bitcast %gather3A_212 : vector<16xi32> to vector<32xbf16>
        %max3A_215 = arith.maximumf %bitcast3A_213, %bitcast3A_214 : vector<32xbf16>
        %bitcast3A_216 = vector.bitcast %max3A_215 : vector<32xbf16> to vector<16xi32>
        tpu.vector_store_idx %arg13[%get3A_194], %bitcast3A_216 masked %eq3A_200 : memref<10000xi32, #tpu.memory_space<vmem>>[vector<16xi32>], vector<16xi32>, vector<16xi1>
        %gather3A_217 = tpu.vector_load_idx %arg10[%get3A_192] : memref<10000xi32, #tpu.memory_space<vmem>>[vector<16xi32>], vector<16xi32>,
        %gather3A_218 = tpu.vector_load_idx %arg14[%get3A_194] : memref<10000xi32, #tpu.memory_space<vmem>>[vector<16xi32>], vector<16xi32>,
        %bitcast3A_219 = vector.bitcast %gather3A_217 : vector<16xi32> to vector<32xbf16>
        %bitcast3A_220 = vector.bitcast %gather3A_218 : vector<16xi32> to vector<32xbf16>
        %max3A_221 = arith.maximumf %bitcast3A_219, %bitcast3A_220 : vector<32xbf16>
        %bitcast3A_222 = vector.bitcast %max3A_221 : vector<32xbf16> to vector<16xi32>
        tpu.vector_store_idx %arg14[%get3A_194], %bitcast3A_222 masked %eq3A_200 : memref<10000xi32, #tpu.memory_space<vmem>>[vector<16xi32>], vector<16xi32>, vector<16xi1>
        %broadcast_in_dim3A_223 = arith.constant 0 : i32
        %broadcast_in_dim3A_224 = vector.broadcast %broadcast_in_dim3A_223 : i32 to vector<16xi32>
        %select_n3A_225 = arith.select %eq3A_200, %broadcast_in_dim3A_224, %broadcast_in_dim3A_33 : vector<16xi1>, vector<16xi32>
        %while3A_226 = scf.while (%while3A_262 = %select_n3A_225) : (vector<16xi32>) -> vector<16xi32> {
          %reduce_max3A = arith.constant true
          %reduce_max3A_263 = vector.broadcast %reduce_max3A : i1 to vector<16xi1>
          %reduce_max3A_264 = arith.constant -2147483648 : i32
          %reduce_max3A_265 = vector.broadcast %reduce_max3A_264 : i32 to vector<16xi32>
          %reduce_max3A_266 = arith.xori %while3A_262, %reduce_max3A_265 : vector<16xi32>
          %reduce_max3A_267 = tpu.scan <max>, %reduce_max3A_266 masked %reduce_max3A_263 : vector<16xi32>, vector<16xi1> -> vector<16xi32>
          %reduce_max3A_268 = arith.xori %reduce_max3A_267, %reduce_max3A_265 : vector<16xi32>
          %reduce_max3A_269 = vector.extract %reduce_max3A_268[15] : i32 from vector<16xi32>
          %gt3A = arith.constant 0 : i32
          %gt3A_270 = arith.cmpi sgt, %reduce_max3A_269, %gt3A : i32
          scf.condition(%gt3A_270) %while3A_262 : vector<16xi32>
        } do {
        ^bb0(%while3A_262: vector<16xi32>):
          %gt3A = arith.constant 0 : i32
          %gt3A_263 = vector.broadcast %gt3A : i32 to vector<16xi32>
          %gt3A_264 = arith.cmpi sgt, %while3A_262, %gt3A_263 : vector<16xi32>
          tpu.vector_store_idx %arg15[%get3A_194], %iota3A masked %gt3A_264 : memref<10000xi32, #tpu.memory_space<vmem>>[vector<16xi32>], vector<16xi32>, vector<16xi1>
          %gather3A_265 = tpu.vector_load_idx %arg15[%get3A_194] : memref<10000xi32, #tpu.memory_space<vmem>>[vector<16xi32>], vector<16xi32>,
          %eq3A_266 = arith.cmpi eq, %gather3A_265, %iota3A : vector<16xi32>
          %and3A_267 = arith.andi %gt3A_264, %eq3A_266 : vector<16xi1>
          %gather3A_268 = tpu.vector_load_idx %arg7[%get3A_192] : memref<10000xi32, #tpu.memory_space<vmem>>[vector<16xi32>], vector<16xi32>,
          %gather3A_269 = tpu.vector_load_idx %arg11[%get3A_194] : memref<10000xi32, #tpu.memory_space<vmem>>[vector<16xi32>], vector<16xi32>,
          %bitcast3A_270 = vector.bitcast %gather3A_268 : vector<16xi32> to vector<32xbf16>
          %bitcast3A_271 = vector.bitcast %gather3A_269 : vector<16xi32> to vector<32xbf16>
          %max3A_272 = arith.maximumf %bitcast3A_270, %bitcast3A_271 : vector<32xbf16>
          %bitcast3A_273 = vector.bitcast %max3A_272 : vector<32xbf16> to vector<16xi32>
          tpu.vector_store_idx %arg11[%get3A_194], %bitcast3A_273 masked %and3A_267 : memref<10000xi32, #tpu.memory_space<vmem>>[vector<16xi32>], vector<16xi32>, vector<16xi1>
          %gather3A_274 = tpu.vector_load_idx %arg8[%get3A_192] : memref<10000xi32, #tpu.memory_space<vmem>>[vector<16xi32>], vector<16xi32>,
          %gather3A_275 = tpu.vector_load_idx %arg12[%get3A_194] : memref<10000xi32, #tpu.memory_space<vmem>>[vector<16xi32>], vector<16xi32>,
          %bitcast3A_276 = vector.bitcast %gather3A_274 : vector<16xi32> to vector<32xbf16>
          %bitcast3A_277 = vector.bitcast %gather3A_275 : vector<16xi32> to vector<32xbf16>
          %max3A_278 = arith.maximumf %bitcast3A_276, %bitcast3A_277 : vector<32xbf16>
          %bitcast3A_279 = vector.bitcast %max3A_278 : vector<32xbf16> to vector<16xi32>
          tpu.vector_store_idx %arg12[%get3A_194], %bitcast3A_279 masked %and3A_267 : memref<10000xi32, #tpu.memory_space<vmem>>[vector<16xi32>], vector<16xi32>, vector<16xi1>
          %gather3A_280 = tpu.vector_load_idx %arg9[%get3A_192] : memref<10000xi32, #tpu.memory_space<vmem>>[vector<16xi32>], vector<16xi32>,
          %gather3A_281 = tpu.vector_load_idx %arg13[%get3A_194] : memref<10000xi32, #tpu.memory_space<vmem>>[vector<16xi32>], vector<16xi32>,
          %bitcast3A_282 = vector.bitcast %gather3A_280 : vector<16xi32> to vector<32xbf16>
          %bitcast3A_283 = vector.bitcast %gather3A_281 : vector<16xi32> to vector<32xbf16>
          %max3A_284 = arith.maximumf %bitcast3A_282, %bitcast3A_283 : vector<32xbf16>
          %bitcast3A_285 = vector.bitcast %max3A_284 : vector<32xbf16> to vector<16xi32>
          tpu.vector_store_idx %arg13[%get3A_194], %bitcast3A_285 masked %and3A_267 : memref<10000xi32, #tpu.memory_space<vmem>>[vector<16xi32>], vector<16xi32>, vector<16xi1>
          %gather3A_286 = tpu.vector_load_idx %arg10[%get3A_192] : memref<10000xi32, #tpu.memory_space<vmem>>[vector<16xi32>], vector<16xi32>,
          %gather3A_287 = tpu.vector_load_idx %arg14[%get3A_194] : memref<10000xi32, #tpu.memory_space<vmem>>[vector<16xi32>], vector<16xi32>,
          %bitcast3A_288 = vector.bitcast %gather3A_286 : vector<16xi32> to vector<32xbf16>
          %bitcast3A_289 = vector.bitcast %gather3A_287 : vector<16xi32> to vector<32xbf16>
          %max3A_290 = arith.maximumf %bitcast3A_288, %bitcast3A_289 : vector<32xbf16>
          %bitcast3A_291 = vector.bitcast %max3A_290 : vector<32xbf16> to vector<16xi32>
          tpu.vector_store_idx %arg14[%get3A_194], %bitcast3A_291 masked %and3A_267 : memref<10000xi32, #tpu.memory_space<vmem>>[vector<16xi32>], vector<16xi32>, vector<16xi1>
          %broadcast_in_dim3A_292 = arith.constant 0 : i32
          %broadcast_in_dim3A_293 = vector.broadcast %broadcast_in_dim3A_292 : i32 to vector<16xi32>
          %select_n3A_294 = arith.select %and3A_267, %broadcast_in_dim3A_293, %while3A_262 : vector<16xi1>, vector<16xi32>
          scf.yield %select_n3A_294 : vector<16xi32>
        }
        %eq3A_227 = arith.constant 0 : i32
        %eq3A_228 = arith.cmpi eq, %select_n3A, %eq3A_227 : i32
        %convert_element_type3A_229 = arith.extui %eq3A_228 : i1 to i32
        %cond3A_230 = arith.constant 0 : i32
        %cond3A_231 = arith.cmpi ne, %convert_element_type3A_229, %cond3A_230 : i32
        scf.if %cond3A_231 {
          tpu.vector_store_idx %arg17[%get3A_192], %broadcast_in_dim3A_33 {add = true} : memref<10000xi32, #tpu.memory_space<vmem>>[vector<16xi32>], vector<16xi32>,
        } else {
        }
        tpu.vector_store_idx %arg16[%get3A_192], %iota3A : memref<10000xi32, #tpu.memory_space<vmem>>[vector<16xi32>], vector<16xi32>,
        %gather3A_232 = tpu.vector_load_idx %arg16[%get3A_192] : memref<10000xi32, #tpu.memory_space<vmem>>[vector<16xi32>], vector<16xi32>,
        %eq3A_233 = arith.cmpi eq, %gather3A_232, %iota3A : vector<16xi32>
        %gather3A_234 = tpu.vector_load_idx %arg7[%get3A_194] : memref<10000xi32, #tpu.memory_space<vmem>>[vector<16xi32>], vector<16xi32>,
        %gather3A_235 = tpu.vector_load_idx %arg11[%get3A_192] : memref<10000xi32, #tpu.memory_space<vmem>>[vector<16xi32>], vector<16xi32>,
        %bitcast3A_236 = vector.bitcast %gather3A_234 : vector<16xi32> to vector<32xbf16>
        %bitcast3A_237 = vector.bitcast %gather3A_235 : vector<16xi32> to vector<32xbf16>
        %max3A_238 = arith.maximumf %bitcast3A_236, %bitcast3A_237 : vector<32xbf16>
        %bitcast3A_239 = vector.bitcast %max3A_238 : vector<32xbf16> to vector<16xi32>
        tpu.vector_store_idx %arg11[%get3A_192], %bitcast3A_239 masked %eq3A_233 : memref<10000xi32, #tpu.memory_space<vmem>>[vector<16xi32>], vector<16xi32>, vector<16xi1>
        %gather3A_240 = tpu.vector_load_idx %arg8[%get3A_194] : memref<10000xi32, #tpu.memory_space<vmem>>[vector<16xi32>], vector<16xi32>,
        %gather3A_241 = tpu.vector_load_idx %arg12[%get3A_192] : memref<10000xi32, #tpu.memory_space<vmem>>[vector<16xi32>], vector<16xi32>,
        %bitcast3A_242 = vector.bitcast %gather3A_240 : vector<16xi32> to vector<32xbf16>
        %bitcast3A_243 = vector.bitcast %gather3A_241 : vector<16xi32> to vector<32xbf16>
        %max3A_244 = arith.maximumf %bitcast3A_242, %bitcast3A_243 : vector<32xbf16>
        %bitcast3A_245 = vector.bitcast %max3A_244 : vector<32xbf16> to vector<16xi32>
        tpu.vector_store_idx %arg12[%get3A_192], %bitcast3A_245 masked %eq3A_233 : memref<10000xi32, #tpu.memory_space<vmem>>[vector<16xi32>], vector<16xi32>, vector<16xi1>
        %gather3A_246 = tpu.vector_load_idx %arg9[%get3A_194] : memref<10000xi32, #tpu.memory_space<vmem>>[vector<16xi32>], vector<16xi32>,
        %gather3A_247 = tpu.vector_load_idx %arg13[%get3A_192] : memref<10000xi32, #tpu.memory_space<vmem>>[vector<16xi32>], vector<16xi32>,
        %bitcast3A_248 = vector.bitcast %gather3A_246 : vector<16xi32> to vector<32xbf16>
        %bitcast3A_249 = vector.bitcast %gather3A_247 : vector<16xi32> to vector<32xbf16>
        %max3A_250 = arith.maximumf %bitcast3A_248, %bitcast3A_249 : vector<32xbf16>
        %bitcast3A_251 = vector.bitcast %max3A_250 : vector<32xbf16> to vector<16xi32>
        tpu.vector_store_idx %arg13[%get3A_192], %bitcast3A_251 masked %eq3A_233 : memref<10000xi32, #tpu.memory_space<vmem>>[vector<16xi32>], vector<16xi32>, vector<16xi1>
        %gather3A_252 = tpu.vector_load_idx %arg10[%get3A_194] : memref<10000xi32, #tpu.memory_space<vmem>>[vector<16xi32>], vector<16xi32>,
        %gather3A_253 = tpu.vector_load_idx %arg14[%get3A_192] : memref<10000xi32, #tpu.memory_space<vmem>>[vector<16xi32>], vector<16xi32>,
        %bitcast3A_254 = vector.bitcast %gather3A_252 : vector<16xi32> to vector<32xbf16>
        %bitcast3A_255 = vector.bitcast %gather3A_253 : vector<16xi32> to vector<32xbf16>
        %max3A_256 = arith.maximumf %bitcast3A_254, %bitcast3A_255 : vector<32xbf16>
        %bitcast3A_257 = vector.bitcast %max3A_256 : vector<32xbf16> to vector<16xi32>
        tpu.vector_store_idx %arg14[%get3A_192], %bitcast3A_257 masked %eq3A_233 : memref<10000xi32, #tpu.memory_space<vmem>>[vector<16xi32>], vector<16xi32>, vector<16xi1>
        %broadcast_in_dim3A_258 = arith.constant 0 : i32
        %broadcast_in_dim3A_259 = vector.broadcast %broadcast_in_dim3A_258 : i32 to vector<16xi32>
        %select_n3A_260 = arith.select %eq3A_233, %broadcast_in_dim3A_259, %broadcast_in_dim3A_33 : vector<16xi1>, vector<16xi32>
        %while3A_261 = scf.while (%while3A_262 = %select_n3A_260) : (vector<16xi32>) -> vector<16xi32> {
          %reduce_max3A = arith.constant true
          %reduce_max3A_263 = vector.broadcast %reduce_max3A : i1 to vector<16xi1>
          %reduce_max3A_264 = arith.constant -2147483648 : i32
          %reduce_max3A_265 = vector.broadcast %reduce_max3A_264 : i32 to vector<16xi32>
          %reduce_max3A_266 = arith.xori %while3A_262, %reduce_max3A_265 : vector<16xi32>
          %reduce_max3A_267 = tpu.scan <max>, %reduce_max3A_266 masked %reduce_max3A_263 : vector<16xi32>, vector<16xi1> -> vector<16xi32>
          %reduce_max3A_268 = arith.xori %reduce_max3A_267, %reduce_max3A_265 : vector<16xi32>
          %reduce_max3A_269 = vector.extract %reduce_max3A_268[15] : i32 from vector<16xi32>
          %gt3A = arith.constant 0 : i32
          %gt3A_270 = arith.cmpi sgt, %reduce_max3A_269, %gt3A : i32
          scf.condition(%gt3A_270) %while3A_262 : vector<16xi32>
        } do {
        ^bb0(%while3A_262: vector<16xi32>):
          %gt3A = arith.constant 0 : i32
          %gt3A_263 = vector.broadcast %gt3A : i32 to vector<16xi32>
          %gt3A_264 = arith.cmpi sgt, %while3A_262, %gt3A_263 : vector<16xi32>
          tpu.vector_store_idx %arg16[%get3A_192], %iota3A masked %gt3A_264 : memref<10000xi32, #tpu.memory_space<vmem>>[vector<16xi32>], vector<16xi32>, vector<16xi1>
          %gather3A_265 = tpu.vector_load_idx %arg16[%get3A_192] : memref<10000xi32, #tpu.memory_space<vmem>>[vector<16xi32>], vector<16xi32>,
          %eq3A_266 = arith.cmpi eq, %gather3A_265, %iota3A : vector<16xi32>
          %and3A_267 = arith.andi %gt3A_264, %eq3A_266 : vector<16xi1>
          %gather3A_268 = tpu.vector_load_idx %arg7[%get3A_194] : memref<10000xi32, #tpu.memory_space<vmem>>[vector<16xi32>], vector<16xi32>,
          %gather3A_269 = tpu.vector_load_idx %arg11[%get3A_192] : memref<10000xi32, #tpu.memory_space<vmem>>[vector<16xi32>], vector<16xi32>,
          %bitcast3A_270 = vector.bitcast %gather3A_268 : vector<16xi32> to vector<32xbf16>
          %bitcast3A_271 = vector.bitcast %gather3A_269 : vector<16xi32> to vector<32xbf16>
          %max3A_272 = arith.maximumf %bitcast3A_270, %bitcast3A_271 : vector<32xbf16>
          %bitcast3A_273 = vector.bitcast %max3A_272 : vector<32xbf16> to vector<16xi32>
          tpu.vector_store_idx %arg11[%get3A_192], %bitcast3A_273 masked %and3A_267 : memref<10000xi32, #tpu.memory_space<vmem>>[vector<16xi32>], vector<16xi32>, vector<16xi1>
          %gather3A_274 = tpu.vector_load_idx %arg8[%get3A_194] : memref<10000xi32, #tpu.memory_space<vmem>>[vector<16xi32>], vector<16xi32>,
          %gather3A_275 = tpu.vector_load_idx %arg12[%get3A_192] : memref<10000xi32, #tpu.memory_space<vmem>>[vector<16xi32>], vector<16xi32>,
          %bitcast3A_276 = vector.bitcast %gather3A_274 : vector<16xi32> to vector<32xbf16>
          %bitcast3A_277 = vector.bitcast %gather3A_275 : vector<16xi32> to vector<32xbf16>
          %max3A_278 = arith.maximumf %bitcast3A_276, %bitcast3A_277 : vector<32xbf16>
          %bitcast3A_279 = vector.bitcast %max3A_278 : vector<32xbf16> to vector<16xi32>
          tpu.vector_store_idx %arg12[%get3A_192], %bitcast3A_279 masked %and3A_267 : memref<10000xi32, #tpu.memory_space<vmem>>[vector<16xi32>], vector<16xi32>, vector<16xi1>
          %gather3A_280 = tpu.vector_load_idx %arg9[%get3A_194] : memref<10000xi32, #tpu.memory_space<vmem>>[vector<16xi32>], vector<16xi32>,
          %gather3A_281 = tpu.vector_load_idx %arg13[%get3A_192] : memref<10000xi32, #tpu.memory_space<vmem>>[vector<16xi32>], vector<16xi32>,
          %bitcast3A_282 = vector.bitcast %gather3A_280 : vector<16xi32> to vector<32xbf16>
          %bitcast3A_283 = vector.bitcast %gather3A_281 : vector<16xi32> to vector<32xbf16>
          %max3A_284 = arith.maximumf %bitcast3A_282, %bitcast3A_283 : vector<32xbf16>
          %bitcast3A_285 = vector.bitcast %max3A_284 : vector<32xbf16> to vector<16xi32>
          tpu.vector_store_idx %arg13[%get3A_192], %bitcast3A_285 masked %and3A_267 : memref<10000xi32, #tpu.memory_space<vmem>>[vector<16xi32>], vector<16xi32>, vector<16xi1>
          %gather3A_286 = tpu.vector_load_idx %arg10[%get3A_194] : memref<10000xi32, #tpu.memory_space<vmem>>[vector<16xi32>], vector<16xi32>,
          %gather3A_287 = tpu.vector_load_idx %arg14[%get3A_192] : memref<10000xi32, #tpu.memory_space<vmem>>[vector<16xi32>], vector<16xi32>,
          %bitcast3A_288 = vector.bitcast %gather3A_286 : vector<16xi32> to vector<32xbf16>
          %bitcast3A_289 = vector.bitcast %gather3A_287 : vector<16xi32> to vector<32xbf16>
          %max3A_290 = arith.maximumf %bitcast3A_288, %bitcast3A_289 : vector<32xbf16>
          %bitcast3A_291 = vector.bitcast %max3A_290 : vector<32xbf16> to vector<16xi32>
          tpu.vector_store_idx %arg14[%get3A_192], %bitcast3A_291 masked %and3A_267 : memref<10000xi32, #tpu.memory_space<vmem>>[vector<16xi32>], vector<16xi32>, vector<16xi1>
          %broadcast_in_dim3A_292 = arith.constant 0 : i32
          %broadcast_in_dim3A_293 = vector.broadcast %broadcast_in_dim3A_292 : i32 to vector<16xi32>
          %select_n3A_294 = arith.select %and3A_267, %broadcast_in_dim3A_293, %while3A_262 : vector<16xi1>, vector<16xi32>
          scf.yield %select_n3A_294 : vector<16xi32>
        }
      }
      %add3A_182 = arith.constant 2 : i32
      %add3A_183 = arith.addi %add3A_158, %add3A_182 : i32
      %lt3A_184 = arith.constant 20 : i32
      %lt3A_185 = arith.cmpi slt, %add3A_183, %lt3A_184 : i32
      %convert_element_type3A_186 = arith.extui %lt3A_185 : i1 to i32
      %cond3A_187 = arith.constant 0 : i32
      %cond3A_188 = arith.cmpi ne, %convert_element_type3A_186, %cond3A_187 : i32
      scf.if %cond3A_188 {
        %mul3A_189 = arith.constant 2000 : i32
        %mul3A_190 = arith.muli %add3A_183, %mul3A_189 : i32
        %add3A_191 = arith.addi %mul3A_32, %mul3A_190 : i32
        %dma_start3A_192 = arith.constant 1 : i32
        %dma_start3A_193 = arith.constant 0 : i32
        %dma_start3A_194 = tpu.memref_slice %arg3[%add3A_191] : memref<320000xi32, #tpu.memory_space<hbm>> -> memref<2000xi32, #tpu.memory_space<hbm>>
        %dma_start3A_195 = tpu.memref_slice %arg22[%dma_start3A_192, %dma_start3A_193] : memref<2x2x!tpu.dma_semaphore, #tpu.memory_space<semaphore_mem>> -> memref<1x1x!tpu.dma_semaphore, #tpu.memory_space<semaphore_mem>>
        %dma_start3A_196 = tpu.memref_squeeze %dma_start3A_195 : memref<1x1x!tpu.dma_semaphore, #tpu.memory_space<semaphore_mem>> -> memref<!tpu.dma_semaphore, #tpu.memory_space<semaphore_mem>>
        %dma_start3A_197 = tpu.memref_slice %arg3[%add3A_191] : memref<320000xi32, #tpu.memory_space<hbm>> -> memref<2000xi32, #tpu.memory_space<hbm>>
        tpu.enqueue_dma source(%dma_start3A_197 : memref<2000xi32, #tpu.memory_space<hbm>>) target(%arg20 : memref<2000xi32, #tpu.memory_space<vmem>>) target_semaphore(%dma_start3A_196 : memref<!tpu.dma_semaphore, #tpu.memory_space<semaphore_mem>>)
        %dma_start3A_198 = arith.constant 1 : i32
        %dma_start3A_199 = arith.constant 1 : i32
        %dma_start3A_200 = tpu.memref_slice %arg4[%add3A_191] : memref<320000xi32, #tpu.memory_space<hbm>> -> memref<2000xi32, #tpu.memory_space<hbm>>
        %dma_start3A_201 = tpu.memref_slice %arg22[%dma_start3A_198, %dma_start3A_199] : memref<2x2x!tpu.dma_semaphore, #tpu.memory_space<semaphore_mem>> -> memref<1x1x!tpu.dma_semaphore, #tpu.memory_space<semaphore_mem>>
        %dma_start3A_202 = tpu.memref_squeeze %dma_start3A_201 : memref<1x1x!tpu.dma_semaphore, #tpu.memory_space<semaphore_mem>> -> memref<!tpu.dma_semaphore, #tpu.memory_space<semaphore_mem>>
        %dma_start3A_203 = tpu.memref_slice %arg4[%add3A_191] : memref<320000xi32, #tpu.memory_space<hbm>> -> memref<2000xi32, #tpu.memory_space<hbm>>
        tpu.enqueue_dma source(%dma_start3A_203 : memref<2000xi32, #tpu.memory_space<hbm>>) target(%arg21 : memref<2000xi32, #tpu.memory_space<vmem>>) target_semaphore(%dma_start3A_202 : memref<!tpu.dma_semaphore, #tpu.memory_space<semaphore_mem>>)
      } else {
      }
    }
    %while3A_101 = arith.constant 1 : i32
    scf.for %while3A_121 = %while3A_99 to %while3A_95 step %while3A_101  : i32 {
      %mul3A_122 = arith.constant 2 : i32
      %mul3A_123 = arith.muli %while3A_121, %mul3A_122 : i32
      %add3A_124 = arith.constant 0 : i32
      %add3A_125 = arith.addi %mul3A_123, %add3A_124 : i32
      %dma_wait3A = arith.constant 0 : i32
      %dma_wait3A_126 = arith.constant 0 : i32
      %dma_wait3A_127 = tpu.memref_slice %arg3[%mul3A_32] : memref<320000xi32, #tpu.memory_space<hbm>> -> memref<2000xi32, #tpu.memory_space<hbm>>
      %dma_wait3A_128 = tpu.memref_slice %arg22[%dma_wait3A, %dma_wait3A_126] : memref<2x2x!tpu.dma_semaphore, #tpu.memory_space<semaphore_mem>> -> memref<1x1x!tpu.dma_semaphore, #tpu.memory_space<semaphore_mem>>
      %dma_wait3A_129 = tpu.memref_squeeze %dma_wait3A_128 : memref<1x1x!tpu.dma_semaphore, #tpu.memory_space<semaphore_mem>> -> memref<!tpu.dma_semaphore, #tpu.memory_space<semaphore_mem>>
      %dma_wait3A_130 = tpu.memref_slice %arg3[%mul3A_32] : memref<320000xi32, #tpu.memory_space<hbm>> -> memref<2000xi32, #tpu.memory_space<hbm>>
      tpu.wait_dma2 semaphore(%dma_wait3A_129 : memref<!tpu.dma_semaphore, #tpu.memory_space<semaphore_mem>>) src(%dma_wait3A_130 : memref<2000xi32, #tpu.memory_space<hbm>>) dst(%arg18 : memref<2000xi32, #tpu.memory_space<vmem>>)
      %dma_wait3A_131 = arith.constant 0 : i32
      %dma_wait3A_132 = arith.constant 1 : i32
      %dma_wait3A_133 = tpu.memref_slice %arg4[%mul3A_32] : memref<320000xi32, #tpu.memory_space<hbm>> -> memref<2000xi32, #tpu.memory_space<hbm>>
      %dma_wait3A_134 = tpu.memref_slice %arg22[%dma_wait3A_131, %dma_wait3A_132] : memref<2x2x!tpu.dma_semaphore, #tpu.memory_space<semaphore_mem>> -> memref<1x1x!tpu.dma_semaphore, #tpu.memory_space<semaphore_mem>>
      %dma_wait3A_135 = tpu.memref_squeeze %dma_wait3A_134 : memref<1x1x!tpu.dma_semaphore, #tpu.memory_space<semaphore_mem>> -> memref<!tpu.dma_semaphore, #tpu.memory_space<semaphore_mem>>
      %dma_wait3A_136 = tpu.memref_slice %arg4[%mul3A_32] : memref<320000xi32, #tpu.memory_space<hbm>> -> memref<2000xi32, #tpu.memory_space<hbm>>
      tpu.wait_dma2 semaphore(%dma_wait3A_135 : memref<!tpu.dma_semaphore, #tpu.memory_space<semaphore_mem>>) src(%dma_wait3A_136 : memref<2000xi32, #tpu.memory_space<hbm>>) dst(%arg19 : memref<2000xi32, #tpu.memory_space<vmem>>)
      %while3A_137 = arith.constant 0 : i32
      %while3A_138 = arith.constant 0 : i32
      %while3A_139 = arith.constant 125 : i32
      %while3A_140 = arith.subi %while3A_139, %while3A_138 : i32
      %while3A_141 = arith.addi %while3A_138, %while3A_140 : i32
      %while3A_142 = arith.constant 1 : i32
      %while3A_143 = arith.divsi %while3A_140, %while3A_142 : i32
      %while3A_144 = arith.muli %while3A_143, %while3A_142 : i32
      %while3A_145 = arith.addi %while3A_138, %while3A_144 : i32
      %while3A_146 = arith.constant 1 : i32
      scf.for %while3A_189 = %while3A_138 to %while3A_145 step %while3A_146  : i32 {
        %mul3A_190 = arith.constant 16 : i32
        %mul3A_191 = arith.muli %while3A_189, %mul3A_190 : i32
        %get3A = arith.index_cast %mul3A_191 : i32 to index
        %get3A_192 = tpu.vector_load %arg18[%get3A] {strides = array<i32>} : memref<2000xi32, #tpu.memory_space<vmem>>, vector<16xi32>,
        %get3A_193 = arith.index_cast %mul3A_191 : i32 to index
        %get3A_194 = tpu.vector_load %arg19[%get3A_193] {strides = array<i32>} : memref<2000xi32, #tpu.memory_space<vmem>>, vector<16xi32>,
        %eq3A_195 = arith.constant 0 : i32
        %eq3A_196 = arith.cmpi eq, %select_n3A, %eq3A_195 : i32
        %convert_element_type3A_197 = arith.extui %eq3A_196 : i1 to i32
        %cond3A_198 = arith.constant 0 : i32
        %cond3A_199 = arith.cmpi ne, %convert_element_type3A_197, %cond3A_198 : i32
        scf.if %cond3A_199 {
          tpu.vector_store_idx %arg17[%get3A_194], %broadcast_in_dim3A_33 {add = true} : memref<10000xi32, #tpu.memory_space<vmem>>[vector<16xi32>], vector<16xi32>,
        } else {
        }
        tpu.vector_store_idx %arg15[%get3A_194], %iota3A : memref<10000xi32, #tpu.memory_space<vmem>>[vector<16xi32>], vector<16xi32>,
        %gather3A = tpu.vector_load_idx %arg15[%get3A_194] : memref<10000xi32, #tpu.memory_space<vmem>>[vector<16xi32>], vector<16xi32>,
        %eq3A_200 = arith.cmpi eq, %gather3A, %iota3A : vector<16xi32>
        %gather3A_201 = tpu.vector_load_idx %arg7[%get3A_192] : memref<10000xi32, #tpu.memory_space<vmem>>[vector<16xi32>], vector<16xi32>,
        %gather3A_202 = tpu.vector_load_idx %arg11[%get3A_194] : memref<10000xi32, #tpu.memory_space<vmem>>[vector<16xi32>], vector<16xi32>,
        %bitcast3A = vector.bitcast %gather3A_201 : vector<16xi32> to vector<32xbf16>
        %bitcast3A_203 = vector.bitcast %gather3A_202 : vector<16xi32> to vector<32xbf16>
        %max3A = arith.maximumf %bitcast3A, %bitcast3A_203 : vector<32xbf16>
        %bitcast3A_204 = vector.bitcast %max3A : vector<32xbf16> to vector<16xi32>
        tpu.vector_store_idx %arg11[%get3A_194], %bitcast3A_204 masked %eq3A_200 : memref<10000xi32, #tpu.memory_space<vmem>>[vector<16xi32>], vector<16xi32>, vector<16xi1>
        %gather3A_205 = tpu.vector_load_idx %arg8[%get3A_192] : memref<10000xi32, #tpu.memory_space<vmem>>[vector<16xi32>], vector<16xi32>,
        %gather3A_206 = tpu.vector_load_idx %arg12[%get3A_194] : memref<10000xi32, #tpu.memory_space<vmem>>[vector<16xi32>], vector<16xi32>,
        %bitcast3A_207 = vector.bitcast %gather3A_205 : vector<16xi32> to vector<32xbf16>
        %bitcast3A_208 = vector.bitcast %gather3A_206 : vector<16xi32> to vector<32xbf16>
        %max3A_209 = arith.maximumf %bitcast3A_207, %bitcast3A_208 : vector<32xbf16>
        %bitcast3A_210 = vector.bitcast %max3A_209 : vector<32xbf16> to vector<16xi32>
        tpu.vector_store_idx %arg12[%get3A_194], %bitcast3A_210 masked %eq3A_200 : memref<10000xi32, #tpu.memory_space<vmem>>[vector<16xi32>], vector<16xi32>, vector<16xi1>
        %gather3A_211 = tpu.vector_load_idx %arg9[%get3A_192] : memref<10000xi32, #tpu.memory_space<vmem>>[vector<16xi32>], vector<16xi32>,
        %gather3A_212 = tpu.vector_load_idx %arg13[%get3A_194] : memref<10000xi32, #tpu.memory_space<vmem>>[vector<16xi32>], vector<16xi32>,
        %bitcast3A_213 = vector.bitcast %gather3A_211 : vector<16xi32> to vector<32xbf16>
        %bitcast3A_214 = vector.bitcast %gather3A_212 : vector<16xi32> to vector<32xbf16>
        %max3A_215 = arith.maximumf %bitcast3A_213, %bitcast3A_214 : vector<32xbf16>
        %bitcast3A_216 = vector.bitcast %max3A_215 : vector<32xbf16> to vector<16xi32>
        tpu.vector_store_idx %arg13[%get3A_194], %bitcast3A_216 masked %eq3A_200 : memref<10000xi32, #tpu.memory_space<vmem>>[vector<16xi32>], vector<16xi32>, vector<16xi1>
        %gather3A_217 = tpu.vector_load_idx %arg10[%get3A_192] : memref<10000xi32, #tpu.memory_space<vmem>>[vector<16xi32>], vector<16xi32>,
        %gather3A_218 = tpu.vector_load_idx %arg14[%get3A_194] : memref<10000xi32, #tpu.memory_space<vmem>>[vector<16xi32>], vector<16xi32>,
        %bitcast3A_219 = vector.bitcast %gather3A_217 : vector<16xi32> to vector<32xbf16>
        %bitcast3A_220 = vector.bitcast %gather3A_218 : vector<16xi32> to vector<32xbf16>
        %max3A_221 = arith.maximumf %bitcast3A_219, %bitcast3A_220 : vector<32xbf16>
        %bitcast3A_222 = vector.bitcast %max3A_221 : vector<32xbf16> to vector<16xi32>
        tpu.vector_store_idx %arg14[%get3A_194], %bitcast3A_222 masked %eq3A_200 : memref<10000xi32, #tpu.memory_space<vmem>>[vector<16xi32>], vector<16xi32>, vector<16xi1>
        %broadcast_in_dim3A_223 = arith.constant 0 : i32
        %broadcast_in_dim3A_224 = vector.broadcast %broadcast_in_dim3A_223 : i32 to vector<16xi32>
        %select_n3A_225 = arith.select %eq3A_200, %broadcast_in_dim3A_224, %broadcast_in_dim3A_33 : vector<16xi1>, vector<16xi32>
        %while3A_226 = scf.while (%while3A_262 = %select_n3A_225) : (vector<16xi32>) -> vector<16xi32> {
          %reduce_max3A = arith.constant true
          %reduce_max3A_263 = vector.broadcast %reduce_max3A : i1 to vector<16xi1>
          %reduce_max3A_264 = arith.constant -2147483648 : i32
          %reduce_max3A_265 = vector.broadcast %reduce_max3A_264 : i32 to vector<16xi32>
          %reduce_max3A_266 = arith.xori %while3A_262, %reduce_max3A_265 : vector<16xi32>
          %reduce_max3A_267 = tpu.scan <max>, %reduce_max3A_266 masked %reduce_max3A_263 : vector<16xi32>, vector<16xi1> -> vector<16xi32>
          %reduce_max3A_268 = arith.xori %reduce_max3A_267, %reduce_max3A_265 : vector<16xi32>
          %reduce_max3A_269 = vector.extract %reduce_max3A_268[15] : i32 from vector<16xi32>
          %gt3A = arith.constant 0 : i32
          %gt3A_270 = arith.cmpi sgt, %reduce_max3A_269, %gt3A : i32
          scf.condition(%gt3A_270) %while3A_262 : vector<16xi32>
        } do {
        ^bb0(%while3A_262: vector<16xi32>):
          %gt3A = arith.constant 0 : i32
          %gt3A_263 = vector.broadcast %gt3A : i32 to vector<16xi32>
          %gt3A_264 = arith.cmpi sgt, %while3A_262, %gt3A_263 : vector<16xi32>
          tpu.vector_store_idx %arg15[%get3A_194], %iota3A masked %gt3A_264 : memref<10000xi32, #tpu.memory_space<vmem>>[vector<16xi32>], vector<16xi32>, vector<16xi1>
          %gather3A_265 = tpu.vector_load_idx %arg15[%get3A_194] : memref<10000xi32, #tpu.memory_space<vmem>>[vector<16xi32>], vector<16xi32>,
          %eq3A_266 = arith.cmpi eq, %gather3A_265, %iota3A : vector<16xi32>
          %and3A_267 = arith.andi %gt3A_264, %eq3A_266 : vector<16xi1>
          %gather3A_268 = tpu.vector_load_idx %arg7[%get3A_192] : memref<10000xi32, #tpu.memory_space<vmem>>[vector<16xi32>], vector<16xi32>,
          %gather3A_269 = tpu.vector_load_idx %arg11[%get3A_194] : memref<10000xi32, #tpu.memory_space<vmem>>[vector<16xi32>], vector<16xi32>,
          %bitcast3A_270 = vector.bitcast %gather3A_268 : vector<16xi32> to vector<32xbf16>
          %bitcast3A_271 = vector.bitcast %gather3A_269 : vector<16xi32> to vector<32xbf16>
          %max3A_272 = arith.maximumf %bitcast3A_270, %bitcast3A_271 : vector<32xbf16>
          %bitcast3A_273 = vector.bitcast %max3A_272 : vector<32xbf16> to vector<16xi32>
          tpu.vector_store_idx %arg11[%get3A_194], %bitcast3A_273 masked %and3A_267 : memref<10000xi32, #tpu.memory_space<vmem>>[vector<16xi32>], vector<16xi32>, vector<16xi1>
          %gather3A_274 = tpu.vector_load_idx %arg8[%get3A_192] : memref<10000xi32, #tpu.memory_space<vmem>>[vector<16xi32>], vector<16xi32>,
          %gather3A_275 = tpu.vector_load_idx %arg12[%get3A_194] : memref<10000xi32, #tpu.memory_space<vmem>>[vector<16xi32>], vector<16xi32>,
          %bitcast3A_276 = vector.bitcast %gather3A_274 : vector<16xi32> to vector<32xbf16>
          %bitcast3A_277 = vector.bitcast %gather3A_275 : vector<16xi32> to vector<32xbf16>
          %max3A_278 = arith.maximumf %bitcast3A_276, %bitcast3A_277 : vector<32xbf16>
          %bitcast3A_279 = vector.bitcast %max3A_278 : vector<32xbf16> to vector<16xi32>
          tpu.vector_store_idx %arg12[%get3A_194], %bitcast3A_279 masked %and3A_267 : memref<10000xi32, #tpu.memory_space<vmem>>[vector<16xi32>], vector<16xi32>, vector<16xi1>
          %gather3A_280 = tpu.vector_load_idx %arg9[%get3A_192] : memref<10000xi32, #tpu.memory_space<vmem>>[vector<16xi32>], vector<16xi32>,
          %gather3A_281 = tpu.vector_load_idx %arg13[%get3A_194] : memref<10000xi32, #tpu.memory_space<vmem>>[vector<16xi32>], vector<16xi32>,
          %bitcast3A_282 = vector.bitcast %gather3A_280 : vector<16xi32> to vector<32xbf16>
          %bitcast3A_283 = vector.bitcast %gather3A_281 : vector<16xi32> to vector<32xbf16>
          %max3A_284 = arith.maximumf %bitcast3A_282, %bitcast3A_283 : vector<32xbf16>
          %bitcast3A_285 = vector.bitcast %max3A_284 : vector<32xbf16> to vector<16xi32>
          tpu.vector_store_idx %arg13[%get3A_194], %bitcast3A_285 masked %and3A_267 : memref<10000xi32, #tpu.memory_space<vmem>>[vector<16xi32>], vector<16xi32>, vector<16xi1>
          %gather3A_286 = tpu.vector_load_idx %arg10[%get3A_192] : memref<10000xi32, #tpu.memory_space<vmem>>[vector<16xi32>], vector<16xi32>,
          %gather3A_287 = tpu.vector_load_idx %arg14[%get3A_194] : memref<10000xi32, #tpu.memory_space<vmem>>[vector<16xi32>], vector<16xi32>,
          %bitcast3A_288 = vector.bitcast %gather3A_286 : vector<16xi32> to vector<32xbf16>
          %bitcast3A_289 = vector.bitcast %gather3A_287 : vector<16xi32> to vector<32xbf16>
          %max3A_290 = arith.maximumf %bitcast3A_288, %bitcast3A_289 : vector<32xbf16>
          %bitcast3A_291 = vector.bitcast %max3A_290 : vector<32xbf16> to vector<16xi32>
          tpu.vector_store_idx %arg14[%get3A_194], %bitcast3A_291 masked %and3A_267 : memref<10000xi32, #tpu.memory_space<vmem>>[vector<16xi32>], vector<16xi32>, vector<16xi1>
          %broadcast_in_dim3A_292 = arith.constant 0 : i32
          %broadcast_in_dim3A_293 = vector.broadcast %broadcast_in_dim3A_292 : i32 to vector<16xi32>
          %select_n3A_294 = arith.select %and3A_267, %broadcast_in_dim3A_293, %while3A_262 : vector<16xi1>, vector<16xi32>
          scf.yield %select_n3A_294 : vector<16xi32>
        }
        %eq3A_227 = arith.constant 0 : i32
        %eq3A_228 = arith.cmpi eq, %select_n3A, %eq3A_227 : i32
        %convert_element_type3A_229 = arith.extui %eq3A_228 : i1 to i32
        %cond3A_230 = arith.constant 0 : i32
        %cond3A_231 = arith.cmpi ne, %convert_element_type3A_229, %cond3A_230 : i32
        scf.if %cond3A_231 {
          tpu.vector_store_idx %arg17[%get3A_192], %broadcast_in_dim3A_33 {add = true} : memref<10000xi32, #tpu.memory_space<vmem>>[vector<16xi32>], vector<16xi32>,
        } else {
        }
        tpu.vector_store_idx %arg16[%get3A_192], %iota3A : memref<10000xi32, #tpu.memory_space<vmem>>[vector<16xi32>], vector<16xi32>,
        %gather3A_232 = tpu.vector_load_idx %arg16[%get3A_192] : memref<10000xi32, #tpu.memory_space<vmem>>[vector<16xi32>], vector<16xi32>,
        %eq3A_233 = arith.cmpi eq, %gather3A_232, %iota3A : vector<16xi32>
        %gather3A_234 = tpu.vector_load_idx %arg7[%get3A_194] : memref<10000xi32, #tpu.memory_space<vmem>>[vector<16xi32>], vector<16xi32>,
        %gather3A_235 = tpu.vector_load_idx %arg11[%get3A_192] : memref<10000xi32, #tpu.memory_space<vmem>>[vector<16xi32>], vector<16xi32>,
        %bitcast3A_236 = vector.bitcast %gather3A_234 : vector<16xi32> to vector<32xbf16>
        %bitcast3A_237 = vector.bitcast %gather3A_235 : vector<16xi32> to vector<32xbf16>
        %max3A_238 = arith.maximumf %bitcast3A_236, %bitcast3A_237 : vector<32xbf16>
        %bitcast3A_239 = vector.bitcast %max3A_238 : vector<32xbf16> to vector<16xi32>
        tpu.vector_store_idx %arg11[%get3A_192], %bitcast3A_239 masked %eq3A_233 : memref<10000xi32, #tpu.memory_space<vmem>>[vector<16xi32>], vector<16xi32>, vector<16xi1>
        %gather3A_240 = tpu.vector_load_idx %arg8[%get3A_194] : memref<10000xi32, #tpu.memory_space<vmem>>[vector<16xi32>], vector<16xi32>,
        %gather3A_241 = tpu.vector_load_idx %arg12[%get3A_192] : memref<10000xi32, #tpu.memory_space<vmem>>[vector<16xi32>], vector<16xi32>,
        %bitcast3A_242 = vector.bitcast %gather3A_240 : vector<16xi32> to vector<32xbf16>
        %bitcast3A_243 = vector.bitcast %gather3A_241 : vector<16xi32> to vector<32xbf16>
        %max3A_244 = arith.maximumf %bitcast3A_242, %bitcast3A_243 : vector<32xbf16>
        %bitcast3A_245 = vector.bitcast %max3A_244 : vector<32xbf16> to vector<16xi32>
        tpu.vector_store_idx %arg12[%get3A_192], %bitcast3A_245 masked %eq3A_233 : memref<10000xi32, #tpu.memory_space<vmem>>[vector<16xi32>], vector<16xi32>, vector<16xi1>
        %gather3A_246 = tpu.vector_load_idx %arg9[%get3A_194] : memref<10000xi32, #tpu.memory_space<vmem>>[vector<16xi32>], vector<16xi32>,
        %gather3A_247 = tpu.vector_load_idx %arg13[%get3A_192] : memref<10000xi32, #tpu.memory_space<vmem>>[vector<16xi32>], vector<16xi32>,
        %bitcast3A_248 = vector.bitcast %gather3A_246 : vector<16xi32> to vector<32xbf16>
        %bitcast3A_249 = vector.bitcast %gather3A_247 : vector<16xi32> to vector<32xbf16>
        %max3A_250 = arith.maximumf %bitcast3A_248, %bitcast3A_249 : vector<32xbf16>
        %bitcast3A_251 = vector.bitcast %max3A_250 : vector<32xbf16> to vector<16xi32>
        tpu.vector_store_idx %arg13[%get3A_192], %bitcast3A_251 masked %eq3A_233 : memref<10000xi32, #tpu.memory_space<vmem>>[vector<16xi32>], vector<16xi32>, vector<16xi1>
        %gather3A_252 = tpu.vector_load_idx %arg10[%get3A_194] : memref<10000xi32, #tpu.memory_space<vmem>>[vector<16xi32>], vector<16xi32>,
        %gather3A_253 = tpu.vector_load_idx %arg14[%get3A_192] : memref<10000xi32, #tpu.memory_space<vmem>>[vector<16xi32>], vector<16xi32>,
        %bitcast3A_254 = vector.bitcast %gather3A_252 : vector<16xi32> to vector<32xbf16>
        %bitcast3A_255 = vector.bitcast %gather3A_253 : vector<16xi32> to vector<32xbf16>
        %max3A_256 = arith.maximumf %bitcast3A_254, %bitcast3A_255 : vector<32xbf16>
        %bitcast3A_257 = vector.bitcast %max3A_256 : vector<32xbf16> to vector<16xi32>
        tpu.vector_store_idx %arg14[%get3A_192], %bitcast3A_257 masked %eq3A_233 : memref<10000xi32, #tpu.memory_space<vmem>>[vector<16xi32>], vector<16xi32>, vector<16xi1>
        %broadcast_in_dim3A_258 = arith.constant 0 : i32
        %broadcast_in_dim3A_259 = vector.broadcast %broadcast_in_dim3A_258 : i32 to vector<16xi32>
        %select_n3A_260 = arith.select %eq3A_233, %broadcast_in_dim3A_259, %broadcast_in_dim3A_33 : vector<16xi1>, vector<16xi32>
        %while3A_261 = scf.while (%while3A_262 = %select_n3A_260) : (vector<16xi32>) -> vector<16xi32> {
          %reduce_max3A = arith.constant true
          %reduce_max3A_263 = vector.broadcast %reduce_max3A : i1 to vector<16xi1>
          %reduce_max3A_264 = arith.constant -2147483648 : i32
          %reduce_max3A_265 = vector.broadcast %reduce_max3A_264 : i32 to vector<16xi32>
          %reduce_max3A_266 = arith.xori %while3A_262, %reduce_max3A_265 : vector<16xi32>
          %reduce_max3A_267 = tpu.scan <max>, %reduce_max3A_266 masked %reduce_max3A_263 : vector<16xi32>, vector<16xi1> -> vector<16xi32>
          %reduce_max3A_268 = arith.xori %reduce_max3A_267, %reduce_max3A_265 : vector<16xi32>
          %reduce_max3A_269 = vector.extract %reduce_max3A_268[15] : i32 from vector<16xi32>
          %gt3A = arith.constant 0 : i32
          %gt3A_270 = arith.cmpi sgt, %reduce_max3A_269, %gt3A : i32
          scf.condition(%gt3A_270) %while3A_262 : vector<16xi32>
        } do {
        ^bb0(%while3A_262: vector<16xi32>):
          %gt3A = arith.constant 0 : i32
          %gt3A_263 = vector.broadcast %gt3A : i32 to vector<16xi32>
          %gt3A_264 = arith.cmpi sgt, %while3A_262, %gt3A_263 : vector<16xi32>
          tpu.vector_store_idx %arg16[%get3A_192], %iota3A masked %gt3A_264 : memref<10000xi32, #tpu.memory_space<vmem>>[vector<16xi32>], vector<16xi32>, vector<16xi1>
          %gather3A_265 = tpu.vector_load_idx %arg16[%get3A_192] : memref<10000xi32, #tpu.memory_space<vmem>>[vector<16xi32>], vector<16xi32>,
          %eq3A_266 = arith.cmpi eq, %gather3A_265, %iota3A : vector<16xi32>
          %and3A_267 = arith.andi %gt3A_264, %eq3A_266 : vector<16xi1>
          %gather3A_268 = tpu.vector_load_idx %arg7[%get3A_194] : memref<10000xi32, #tpu.memory_space<vmem>>[vector<16xi32>], vector<16xi32>,
          %gather3A_269 = tpu.vector_load_idx %arg11[%get3A_192] : memref<10000xi32, #tpu.memory_space<vmem>>[vector<16xi32>], vector<16xi32>,
          %bitcast3A_270 = vector.bitcast %gather3A_268 : vector<16xi32> to vector<32xbf16>
          %bitcast3A_271 = vector.bitcast %gather3A_269 : vector<16xi32> to vector<32xbf16>
          %max3A_272 = arith.maximumf %bitcast3A_270, %bitcast3A_271 : vector<32xbf16>
          %bitcast3A_273 = vector.bitcast %max3A_272 : vector<32xbf16> to vector<16xi32>
          tpu.vector_store_idx %arg11[%get3A_192], %bitcast3A_273 masked %and3A_267 : memref<10000xi32, #tpu.memory_space<vmem>>[vector<16xi32>], vector<16xi32>, vector<16xi1>
          %gather3A_274 = tpu.vector_load_idx %arg8[%get3A_194] : memref<10000xi32, #tpu.memory_space<vmem>>[vector<16xi32>], vector<16xi32>,
          %gather3A_275 = tpu.vector_load_idx %arg12[%get3A_192] : memref<10000xi32, #tpu.memory_space<vmem>>[vector<16xi32>], vector<16xi32>,
          %bitcast3A_276 = vector.bitcast %gather3A_274 : vector<16xi32> to vector<32xbf16>
          %bitcast3A_277 = vector.bitcast %gather3A_275 : vector<16xi32> to vector<32xbf16>
          %max3A_278 = arith.maximumf %bitcast3A_276, %bitcast3A_277 : vector<32xbf16>
          %bitcast3A_279 = vector.bitcast %max3A_278 : vector<32xbf16> to vector<16xi32>
          tpu.vector_store_idx %arg12[%get3A_192], %bitcast3A_279 masked %and3A_267 : memref<10000xi32, #tpu.memory_space<vmem>>[vector<16xi32>], vector<16xi32>, vector<16xi1>
          %gather3A_280 = tpu.vector_load_idx %arg9[%get3A_194] : memref<10000xi32, #tpu.memory_space<vmem>>[vector<16xi32>], vector<16xi32>,
          %gather3A_281 = tpu.vector_load_idx %arg13[%get3A_192] : memref<10000xi32, #tpu.memory_space<vmem>>[vector<16xi32>], vector<16xi32>,
          %bitcast3A_282 = vector.bitcast %gather3A_280 : vector<16xi32> to vector<32xbf16>
          %bitcast3A_283 = vector.bitcast %gather3A_281 : vector<16xi32> to vector<32xbf16>
          %max3A_284 = arith.maximumf %bitcast3A_282, %bitcast3A_283 : vector<32xbf16>
          %bitcast3A_285 = vector.bitcast %max3A_284 : vector<32xbf16> to vector<16xi32>
          tpu.vector_store_idx %arg13[%get3A_192], %bitcast3A_285 masked %and3A_267 : memref<10000xi32, #tpu.memory_space<vmem>>[vector<16xi32>], vector<16xi32>, vector<16xi1>
          %gather3A_286 = tpu.vector_load_idx %arg10[%get3A_194] : memref<10000xi32, #tpu.memory_space<vmem>>[vector<16xi32>], vector<16xi32>,
          %gather3A_287 = tpu.vector_load_idx %arg14[%get3A_192] : memref<10000xi32, #tpu.memory_space<vmem>>[vector<16xi32>], vector<16xi32>,
          %bitcast3A_288 = vector.bitcast %gather3A_286 : vector<16xi32> to vector<32xbf16>
          %bitcast3A_289 = vector.bitcast %gather3A_287 : vector<16xi32> to vector<32xbf16>
          %max3A_290 = arith.maximumf %bitcast3A_288, %bitcast3A_289 : vector<32xbf16>
          %bitcast3A_291 = vector.bitcast %max3A_290 : vector<32xbf16> to vector<16xi32>
          tpu.vector_store_idx %arg14[%get3A_192], %bitcast3A_291 masked %and3A_267 : memref<10000xi32, #tpu.memory_space<vmem>>[vector<16xi32>], vector<16xi32>, vector<16xi1>
          %broadcast_in_dim3A_292 = arith.constant 0 : i32
          %broadcast_in_dim3A_293 = vector.broadcast %broadcast_in_dim3A_292 : i32 to vector<16xi32>
          %select_n3A_294 = arith.select %and3A_267, %broadcast_in_dim3A_293, %while3A_262 : vector<16xi1>, vector<16xi32>
          scf.yield %select_n3A_294 : vector<16xi32>
        }
      }
      %while3A_147 = arith.constant 1 : i32
      scf.for %while3A_189 = %while3A_145 to %while3A_141 step %while3A_147  : i32 {
        %mul3A_190 = arith.constant 16 : i32
        %mul3A_191 = arith.muli %while3A_189, %mul3A_190 : i32
        %get3A = arith.index_cast %mul3A_191 : i32 to index
        %get3A_192 = tpu.vector_load %arg18[%get3A] {strides = array<i32>} : memref<2000xi32, #tpu.memory_space<vmem>>, vector<16xi32>,
        %get3A_193 = arith.index_cast %mul3A_191 : i32 to index
        %get3A_194 = tpu.vector_load %arg19[%get3A_193] {strides = array<i32>} : memref<2000xi32, #tpu.memory_space<vmem>>, vector<16xi32>,
        %eq3A_195 = arith.constant 0 : i32
        %eq3A_196 = arith.cmpi eq, %select_n3A, %eq3A_195 : i32
        %convert_element_type3A_197 = arith.extui %eq3A_196 : i1 to i32
        %cond3A_198 = arith.constant 0 : i32
        %cond3A_199 = arith.cmpi ne, %convert_element_type3A_197, %cond3A_198 : i32
        scf.if %cond3A_199 {
          tpu.vector_store_idx %arg17[%get3A_194], %broadcast_in_dim3A_33 {add = true} : memref<10000xi32, #tpu.memory_space<vmem>>[vector<16xi32>], vector<16xi32>,
        } else {
        }
        tpu.vector_store_idx %arg15[%get3A_194], %iota3A : memref<10000xi32, #tpu.memory_space<vmem>>[vector<16xi32>], vector<16xi32>,
        %gather3A = tpu.vector_load_idx %arg15[%get3A_194] : memref<10000xi32, #tpu.memory_space<vmem>>[vector<16xi32>], vector<16xi32>,
        %eq3A_200 = arith.cmpi eq, %gather3A, %iota3A : vector<16xi32>
        %gather3A_201 = tpu.vector_load_idx %arg7[%get3A_192] : memref<10000xi32, #tpu.memory_space<vmem>>[vector<16xi32>], vector<16xi32>,
        %gather3A_202 = tpu.vector_load_idx %arg11[%get3A_194] : memref<10000xi32, #tpu.memory_space<vmem>>[vector<16xi32>], vector<16xi32>,
        %bitcast3A = vector.bitcast %gather3A_201 : vector<16xi32> to vector<32xbf16>
        %bitcast3A_203 = vector.bitcast %gather3A_202 : vector<16xi32> to vector<32xbf16>
        %max3A = arith.maximumf %bitcast3A, %bitcast3A_203 : vector<32xbf16>
        %bitcast3A_204 = vector.bitcast %max3A : vector<32xbf16> to vector<16xi32>
        tpu.vector_store_idx %arg11[%get3A_194], %bitcast3A_204 masked %eq3A_200 : memref<10000xi32, #tpu.memory_space<vmem>>[vector<16xi32>], vector<16xi32>, vector<16xi1>
        %gather3A_205 = tpu.vector_load_idx %arg8[%get3A_192] : memref<10000xi32, #tpu.memory_space<vmem>>[vector<16xi32>], vector<16xi32>,
        %gather3A_206 = tpu.vector_load_idx %arg12[%get3A_194] : memref<10000xi32, #tpu.memory_space<vmem>>[vector<16xi32>], vector<16xi32>,
        %bitcast3A_207 = vector.bitcast %gather3A_205 : vector<16xi32> to vector<32xbf16>
        %bitcast3A_208 = vector.bitcast %gather3A_206 : vector<16xi32> to vector<32xbf16>
        %max3A_209 = arith.maximumf %bitcast3A_207, %bitcast3A_208 : vector<32xbf16>
        %bitcast3A_210 = vector.bitcast %max3A_209 : vector<32xbf16> to vector<16xi32>
        tpu.vector_store_idx %arg12[%get3A_194], %bitcast3A_210 masked %eq3A_200 : memref<10000xi32, #tpu.memory_space<vmem>>[vector<16xi32>], vector<16xi32>, vector<16xi1>
        %gather3A_211 = tpu.vector_load_idx %arg9[%get3A_192] : memref<10000xi32, #tpu.memory_space<vmem>>[vector<16xi32>], vector<16xi32>,
        %gather3A_212 = tpu.vector_load_idx %arg13[%get3A_194] : memref<10000xi32, #tpu.memory_space<vmem>>[vector<16xi32>], vector<16xi32>,
        %bitcast3A_213 = vector.bitcast %gather3A_211 : vector<16xi32> to vector<32xbf16>
        %bitcast3A_214 = vector.bitcast %gather3A_212 : vector<16xi32> to vector<32xbf16>
        %max3A_215 = arith.maximumf %bitcast3A_213, %bitcast3A_214 : vector<32xbf16>
        %bitcast3A_216 = vector.bitcast %max3A_215 : vector<32xbf16> to vector<16xi32>
        tpu.vector_store_idx %arg13[%get3A_194], %bitcast3A_216 masked %eq3A_200 : memref<10000xi32, #tpu.memory_space<vmem>>[vector<16xi32>], vector<16xi32>, vector<16xi1>
        %gather3A_217 = tpu.vector_load_idx %arg10[%get3A_192] : memref<10000xi32, #tpu.memory_space<vmem>>[vector<16xi32>], vector<16xi32>,
        %gather3A_218 = tpu.vector_load_idx %arg14[%get3A_194] : memref<10000xi32, #tpu.memory_space<vmem>>[vector<16xi32>], vector<16xi32>,
        %bitcast3A_219 = vector.bitcast %gather3A_217 : vector<16xi32> to vector<32xbf16>
        %bitcast3A_220 = vector.bitcast %gather3A_218 : vector<16xi32> to vector<32xbf16>
        %max3A_221 = arith.maximumf %bitcast3A_219, %bitcast3A_220 : vector<32xbf16>
        %bitcast3A_222 = vector.bitcast %max3A_221 : vector<32xbf16> to vector<16xi32>
        tpu.vector_store_idx %arg14[%get3A_194], %bitcast3A_222 masked %eq3A_200 : memref<10000xi32, #tpu.memory_space<vmem>>[vector<16xi32>], vector<16xi32>, vector<16xi1>
        %broadcast_in_dim3A_223 = arith.constant 0 : i32
        %broadcast_in_dim3A_224 = vector.broadcast %broadcast_in_dim3A_223 : i32 to vector<16xi32>
        %select_n3A_225 = arith.select %eq3A_200, %broadcast_in_dim3A_224, %broadcast_in_dim3A_33 : vector<16xi1>, vector<16xi32>
        %while3A_226 = scf.while (%while3A_262 = %select_n3A_225) : (vector<16xi32>) -> vector<16xi32> {
          %reduce_max3A = arith.constant true
          %reduce_max3A_263 = vector.broadcast %reduce_max3A : i1 to vector<16xi1>
          %reduce_max3A_264 = arith.constant -2147483648 : i32
          %reduce_max3A_265 = vector.broadcast %reduce_max3A_264 : i32 to vector<16xi32>
          %reduce_max3A_266 = arith.xori %while3A_262, %reduce_max3A_265 : vector<16xi32>
          %reduce_max3A_267 = tpu.scan <max>, %reduce_max3A_266 masked %reduce_max3A_263 : vector<16xi32>, vector<16xi1> -> vector<16xi32>
          %reduce_max3A_268 = arith.xori %reduce_max3A_267, %reduce_max3A_265 : vector<16xi32>
          %reduce_max3A_269 = vector.extract %reduce_max3A_268[15] : i32 from vector<16xi32>
          %gt3A = arith.constant 0 : i32
          %gt3A_270 = arith.cmpi sgt, %reduce_max3A_269, %gt3A : i32
          scf.condition(%gt3A_270) %while3A_262 : vector<16xi32>
        } do {
        ^bb0(%while3A_262: vector<16xi32>):
          %gt3A = arith.constant 0 : i32
          %gt3A_263 = vector.broadcast %gt3A : i32 to vector<16xi32>
          %gt3A_264 = arith.cmpi sgt, %while3A_262, %gt3A_263 : vector<16xi32>
          tpu.vector_store_idx %arg15[%get3A_194], %iota3A masked %gt3A_264 : memref<10000xi32, #tpu.memory_space<vmem>>[vector<16xi32>], vector<16xi32>, vector<16xi1>
          %gather3A_265 = tpu.vector_load_idx %arg15[%get3A_194] : memref<10000xi32, #tpu.memory_space<vmem>>[vector<16xi32>], vector<16xi32>,
          %eq3A_266 = arith.cmpi eq, %gather3A_265, %iota3A : vector<16xi32>
          %and3A_267 = arith.andi %gt3A_264, %eq3A_266 : vector<16xi1>
          %gather3A_268 = tpu.vector_load_idx %arg7[%get3A_192] : memref<10000xi32, #tpu.memory_space<vmem>>[vector<16xi32>], vector<16xi32>,
          %gather3A_269 = tpu.vector_load_idx %arg11[%get3A_194] : memref<10000xi32, #tpu.memory_space<vmem>>[vector<16xi32>], vector<16xi32>,
          %bitcast3A_270 = vector.bitcast %gather3A_268 : vector<16xi32> to vector<32xbf16>
          %bitcast3A_271 = vector.bitcast %gather3A_269 : vector<16xi32> to vector<32xbf16>
          %max3A_272 = arith.maximumf %bitcast3A_270, %bitcast3A_271 : vector<32xbf16>
          %bitcast3A_273 = vector.bitcast %max3A_272 : vector<32xbf16> to vector<16xi32>
          tpu.vector_store_idx %arg11[%get3A_194], %bitcast3A_273 masked %and3A_267 : memref<10000xi32, #tpu.memory_space<vmem>>[vector<16xi32>], vector<16xi32>, vector<16xi1>
          %gather3A_274 = tpu.vector_load_idx %arg8[%get3A_192] : memref<10000xi32, #tpu.memory_space<vmem>>[vector<16xi32>], vector<16xi32>,
          %gather3A_275 = tpu.vector_load_idx %arg12[%get3A_194] : memref<10000xi32, #tpu.memory_space<vmem>>[vector<16xi32>], vector<16xi32>,
          %bitcast3A_276 = vector.bitcast %gather3A_274 : vector<16xi32> to vector<32xbf16>
          %bitcast3A_277 = vector.bitcast %gather3A_275 : vector<16xi32> to vector<32xbf16>
          %max3A_278 = arith.maximumf %bitcast3A_276, %bitcast3A_277 : vector<32xbf16>
          %bitcast3A_279 = vector.bitcast %max3A_278 : vector<32xbf16> to vector<16xi32>
          tpu.vector_store_idx %arg12[%get3A_194], %bitcast3A_279 masked %and3A_267 : memref<10000xi32, #tpu.memory_space<vmem>>[vector<16xi32>], vector<16xi32>, vector<16xi1>
          %gather3A_280 = tpu.vector_load_idx %arg9[%get3A_192] : memref<10000xi32, #tpu.memory_space<vmem>>[vector<16xi32>], vector<16xi32>,
          %gather3A_281 = tpu.vector_load_idx %arg13[%get3A_194] : memref<10000xi32, #tpu.memory_space<vmem>>[vector<16xi32>], vector<16xi32>,
          %bitcast3A_282 = vector.bitcast %gather3A_280 : vector<16xi32> to vector<32xbf16>
          %bitcast3A_283 = vector.bitcast %gather3A_281 : vector<16xi32> to vector<32xbf16>
          %max3A_284 = arith.maximumf %bitcast3A_282, %bitcast3A_283 : vector<32xbf16>
          %bitcast3A_285 = vector.bitcast %max3A_284 : vector<32xbf16> to vector<16xi32>
          tpu.vector_store_idx %arg13[%get3A_194], %bitcast3A_285 masked %and3A_267 : memref<10000xi32, #tpu.memory_space<vmem>>[vector<16xi32>], vector<16xi32>, vector<16xi1>
          %gather3A_286 = tpu.vector_load_idx %arg10[%get3A_192] : memref<10000xi32, #tpu.memory_space<vmem>>[vector<16xi32>], vector<16xi32>,
          %gather3A_287 = tpu.vector_load_idx %arg14[%get3A_194] : memref<10000xi32, #tpu.memory_space<vmem>>[vector<16xi32>], vector<16xi32>,
          %bitcast3A_288 = vector.bitcast %gather3A_286 : vector<16xi32> to vector<32xbf16>
          %bitcast3A_289 = vector.bitcast %gather3A_287 : vector<16xi32> to vector<32xbf16>
          %max3A_290 = arith.maximumf %bitcast3A_288, %bitcast3A_289 : vector<32xbf16>
          %bitcast3A_291 = vector.bitcast %max3A_290 : vector<32xbf16> to vector<16xi32>
          tpu.vector_store_idx %arg14[%get3A_194], %bitcast3A_291 masked %and3A_267 : memref<10000xi32, #tpu.memory_space<vmem>>[vector<16xi32>], vector<16xi32>, vector<16xi1>
          %broadcast_in_dim3A_292 = arith.constant 0 : i32
          %broadcast_in_dim3A_293 = vector.broadcast %broadcast_in_dim3A_292 : i32 to vector<16xi32>
          %select_n3A_294 = arith.select %and3A_267, %broadcast_in_dim3A_293, %while3A_262 : vector<16xi1>, vector<16xi32>
          scf.yield %select_n3A_294 : vector<16xi32>
        }
        %eq3A_227 = arith.constant 0 : i32
        %eq3A_228 = arith.cmpi eq, %select_n3A, %eq3A_227 : i32
        %convert_element_type3A_229 = arith.extui %eq3A_228 : i1 to i32
        %cond3A_230 = arith.constant 0 : i32
        %cond3A_231 = arith.cmpi ne, %convert_element_type3A_229, %cond3A_230 : i32
        scf.if %cond3A_231 {
          tpu.vector_store_idx %arg17[%get3A_192], %broadcast_in_dim3A_33 {add = true} : memref<10000xi32, #tpu.memory_space<vmem>>[vector<16xi32>], vector<16xi32>,
        } else {
        }
        tpu.vector_store_idx %arg16[%get3A_192], %iota3A : memref<10000xi32, #tpu.memory_space<vmem>>[vector<16xi32>], vector<16xi32>,
        %gather3A_232 = tpu.vector_load_idx %arg16[%get3A_192] : memref<10000xi32, #tpu.memory_space<vmem>>[vector<16xi32>], vector<16xi32>,
        %eq3A_233 = arith.cmpi eq, %gather3A_232, %iota3A : vector<16xi32>
        %gather3A_234 = tpu.vector_load_idx %arg7[%get3A_194] : memref<10000xi32, #tpu.memory_space<vmem>>[vector<16xi32>], vector<16xi32>,
        %gather3A_235 = tpu.vector_load_idx %arg11[%get3A_192] : memref<10000xi32, #tpu.memory_space<vmem>>[vector<16xi32>], vector<16xi32>,
        %bitcast3A_236 = vector.bitcast %gather3A_234 : vector<16xi32> to vector<32xbf16>
        %bitcast3A_237 = vector.bitcast %gather3A_235 : vector<16xi32> to vector<32xbf16>
        %max3A_238 = arith.maximumf %bitcast3A_236, %bitcast3A_237 : vector<32xbf16>
        %bitcast3A_239 = vector.bitcast %max3A_238 : vector<32xbf16> to vector<16xi32>
        tpu.vector_store_idx %arg11[%get3A_192], %bitcast3A_239 masked %eq3A_233 : memref<10000xi32, #tpu.memory_space<vmem>>[vector<16xi32>], vector<16xi32>, vector<16xi1>
        %gather3A_240 = tpu.vector_load_idx %arg8[%get3A_194] : memref<10000xi32, #tpu.memory_space<vmem>>[vector<16xi32>], vector<16xi32>,
        %gather3A_241 = tpu.vector_load_idx %arg12[%get3A_192] : memref<10000xi32, #tpu.memory_space<vmem>>[vector<16xi32>], vector<16xi32>,
        %bitcast3A_242 = vector.bitcast %gather3A_240 : vector<16xi32> to vector<32xbf16>
        %bitcast3A_243 = vector.bitcast %gather3A_241 : vector<16xi32> to vector<32xbf16>
        %max3A_244 = arith.maximumf %bitcast3A_242, %bitcast3A_243 : vector<32xbf16>
        %bitcast3A_245 = vector.bitcast %max3A_244 : vector<32xbf16> to vector<16xi32>
        tpu.vector_store_idx %arg12[%get3A_192], %bitcast3A_245 masked %eq3A_233 : memref<10000xi32, #tpu.memory_space<vmem>>[vector<16xi32>], vector<16xi32>, vector<16xi1>
        %gather3A_246 = tpu.vector_load_idx %arg9[%get3A_194] : memref<10000xi32, #tpu.memory_space<vmem>>[vector<16xi32>], vector<16xi32>,
        %gather3A_247 = tpu.vector_load_idx %arg13[%get3A_192] : memref<10000xi32, #tpu.memory_space<vmem>>[vector<16xi32>], vector<16xi32>,
        %bitcast3A_248 = vector.bitcast %gather3A_246 : vector<16xi32> to vector<32xbf16>
        %bitcast3A_249 = vector.bitcast %gather3A_247 : vector<16xi32> to vector<32xbf16>
        %max3A_250 = arith.maximumf %bitcast3A_248, %bitcast3A_249 : vector<32xbf16>
        %bitcast3A_251 = vector.bitcast %max3A_250 : vector<32xbf16> to vector<16xi32>
        tpu.vector_store_idx %arg13[%get3A_192], %bitcast3A_251 masked %eq3A_233 : memref<10000xi32, #tpu.memory_space<vmem>>[vector<16xi32>], vector<16xi32>, vector<16xi1>
        %gather3A_252 = tpu.vector_load_idx %arg10[%get3A_194] : memref<10000xi32, #tpu.memory_space<vmem>>[vector<16xi32>], vector<16xi32>,
        %gather3A_253 = tpu.vector_load_idx %arg14[%get3A_192] : memref<10000xi32, #tpu.memory_space<vmem>>[vector<16xi32>], vector<16xi32>,
        %bitcast3A_254 = vector.bitcast %gather3A_252 : vector<16xi32> to vector<32xbf16>
        %bitcast3A_255 = vector.bitcast %gather3A_253 : vector<16xi32> to vector<32xbf16>
        %max3A_256 = arith.maximumf %bitcast3A_254, %bitcast3A_255 : vector<32xbf16>
        %bitcast3A_257 = vector.bitcast %max3A_256 : vector<32xbf16> to vector<16xi32>
        tpu.vector_store_idx %arg14[%get3A_192], %bitcast3A_257 masked %eq3A_233 : memref<10000xi32, #tpu.memory_space<vmem>>[vector<16xi32>], vector<16xi32>, vector<16xi1>
        %broadcast_in_dim3A_258 = arith.constant 0 : i32
        %broadcast_in_dim3A_259 = vector.broadcast %broadcast_in_dim3A_258 : i32 to vector<16xi32>
        %select_n3A_260 = arith.select %eq3A_233, %broadcast_in_dim3A_259, %broadcast_in_dim3A_33 : vector<16xi1>, vector<16xi32>
        %while3A_261 = scf.while (%while3A_262 = %select_n3A_260) : (vector<16xi32>) -> vector<16xi32> {
          %reduce_max3A = arith.constant true
          %reduce_max3A_263 = vector.broadcast %reduce_max3A : i1 to vector<16xi1>
          %reduce_max3A_264 = arith.constant -2147483648 : i32
          %reduce_max3A_265 = vector.broadcast %reduce_max3A_264 : i32 to vector<16xi32>
          %reduce_max3A_266 = arith.xori %while3A_262, %reduce_max3A_265 : vector<16xi32>
          %reduce_max3A_267 = tpu.scan <max>, %reduce_max3A_266 masked %reduce_max3A_263 : vector<16xi32>, vector<16xi1> -> vector<16xi32>
          %reduce_max3A_268 = arith.xori %reduce_max3A_267, %reduce_max3A_265 : vector<16xi32>
          %reduce_max3A_269 = vector.extract %reduce_max3A_268[15] : i32 from vector<16xi32>
          %gt3A = arith.constant 0 : i32
          %gt3A_270 = arith.cmpi sgt, %reduce_max3A_269, %gt3A : i32
          scf.condition(%gt3A_270) %while3A_262 : vector<16xi32>
        } do {
        ^bb0(%while3A_262: vector<16xi32>):
          %gt3A = arith.constant 0 : i32
          %gt3A_263 = vector.broadcast %gt3A : i32 to vector<16xi32>
          %gt3A_264 = arith.cmpi sgt, %while3A_262, %gt3A_263 : vector<16xi32>
          tpu.vector_store_idx %arg16[%get3A_192], %iota3A masked %gt3A_264 : memref<10000xi32, #tpu.memory_space<vmem>>[vector<16xi32>], vector<16xi32>, vector<16xi1>
          %gather3A_265 = tpu.vector_load_idx %arg16[%get3A_192] : memref<10000xi32, #tpu.memory_space<vmem>>[vector<16xi32>], vector<16xi32>,
          %eq3A_266 = arith.cmpi eq, %gather3A_265, %iota3A : vector<16xi32>
          %and3A_267 = arith.andi %gt3A_264, %eq3A_266 : vector<16xi1>
          %gather3A_268 = tpu.vector_load_idx %arg7[%get3A_194] : memref<10000xi32, #tpu.memory_space<vmem>>[vector<16xi32>], vector<16xi32>,
          %gather3A_269 = tpu.vector_load_idx %arg11[%get3A_192] : memref<10000xi32, #tpu.memory_space<vmem>>[vector<16xi32>], vector<16xi32>,
          %bitcast3A_270 = vector.bitcast %gather3A_268 : vector<16xi32> to vector<32xbf16>
          %bitcast3A_271 = vector.bitcast %gather3A_269 : vector<16xi32> to vector<32xbf16>
          %max3A_272 = arith.maximumf %bitcast3A_270, %bitcast3A_271 : vector<32xbf16>
          %bitcast3A_273 = vector.bitcast %max3A_272 : vector<32xbf16> to vector<16xi32>
          tpu.vector_store_idx %arg11[%get3A_192], %bitcast3A_273 masked %and3A_267 : memref<10000xi32, #tpu.memory_space<vmem>>[vector<16xi32>], vector<16xi32>, vector<16xi1>
          %gather3A_274 = tpu.vector_load_idx %arg8[%get3A_194] : memref<10000xi32, #tpu.memory_space<vmem>>[vector<16xi32>], vector<16xi32>,
          %gather3A_275 = tpu.vector_load_idx %arg12[%get3A_192] : memref<10000xi32, #tpu.memory_space<vmem>>[vector<16xi32>], vector<16xi32>,
          %bitcast3A_276 = vector.bitcast %gather3A_274 : vector<16xi32> to vector<32xbf16>
          %bitcast3A_277 = vector.bitcast %gather3A_275 : vector<16xi32> to vector<32xbf16>
          %max3A_278 = arith.maximumf %bitcast3A_276, %bitcast3A_277 : vector<32xbf16>
          %bitcast3A_279 = vector.bitcast %max3A_278 : vector<32xbf16> to vector<16xi32>
          tpu.vector_store_idx %arg12[%get3A_192], %bitcast3A_279 masked %and3A_267 : memref<10000xi32, #tpu.memory_space<vmem>>[vector<16xi32>], vector<16xi32>, vector<16xi1>
          %gather3A_280 = tpu.vector_load_idx %arg9[%get3A_194] : memref<10000xi32, #tpu.memory_space<vmem>>[vector<16xi32>], vector<16xi32>,
          %gather3A_281 = tpu.vector_load_idx %arg13[%get3A_192] : memref<10000xi32, #tpu.memory_space<vmem>>[vector<16xi32>], vector<16xi32>,
          %bitcast3A_282 = vector.bitcast %gather3A_280 : vector<16xi32> to vector<32xbf16>
          %bitcast3A_283 = vector.bitcast %gather3A_281 : vector<16xi32> to vector<32xbf16>
          %max3A_284 = arith.maximumf %bitcast3A_282, %bitcast3A_283 : vector<32xbf16>
          %bitcast3A_285 = vector.bitcast %max3A_284 : vector<32xbf16> to vector<16xi32>
          tpu.vector_store_idx %arg13[%get3A_192], %bitcast3A_285 masked %and3A_267 : memref<10000xi32, #tpu.memory_space<vmem>>[vector<16xi32>], vector<16xi32>, vector<16xi1>
          %gather3A_286 = tpu.vector_load_idx %arg10[%get3A_194] : memref<10000xi32, #tpu.memory_space<vmem>>[vector<16xi32>], vector<16xi32>,
          %gather3A_287 = tpu.vector_load_idx %arg14[%get3A_192] : memref<10000xi32, #tpu.memory_space<vmem>>[vector<16xi32>], vector<16xi32>,
          %bitcast3A_288 = vector.bitcast %gather3A_286 : vector<16xi32> to vector<32xbf16>
          %bitcast3A_289 = vector.bitcast %gather3A_287 : vector<16xi32> to vector<32xbf16>
          %max3A_290 = arith.maximumf %bitcast3A_288, %bitcast3A_289 : vector<32xbf16>
          %bitcast3A_291 = vector.bitcast %max3A_290 : vector<32xbf16> to vector<16xi32>
          tpu.vector_store_idx %arg14[%get3A_192], %bitcast3A_291 masked %and3A_267 : memref<10000xi32, #tpu.memory_space<vmem>>[vector<16xi32>], vector<16xi32>, vector<16xi1>
          %broadcast_in_dim3A_292 = arith.constant 0 : i32
          %broadcast_in_dim3A_293 = vector.broadcast %broadcast_in_dim3A_292 : i32 to vector<16xi32>
          %select_n3A_294 = arith.select %and3A_267, %broadcast_in_dim3A_293, %while3A_262 : vector<16xi1>, vector<16xi32>
          scf.yield %select_n3A_294 : vector<16xi32>
        }
      }
      %add3A_148 = arith.constant 2 : i32
      %add3A_149 = arith.addi %add3A_125, %add3A_148 : i32
      %lt3A_150 = arith.constant 20 : i32
      %lt3A_151 = arith.cmpi slt, %add3A_149, %lt3A_150 : i32
      %convert_element_type3A_152 = arith.extui %lt3A_151 : i1 to i32
      %cond3A_153 = arith.constant 0 : i32
      %cond3A_154 = arith.cmpi ne, %convert_element_type3A_152, %cond3A_153 : i32
      scf.if %cond3A_154 {
        %mul3A_189 = arith.constant 2000 : i32
        %mul3A_190 = arith.muli %add3A_149, %mul3A_189 : i32
        %add3A_191 = arith.addi %mul3A_32, %mul3A_190 : i32
        %dma_start3A_192 = arith.constant 0 : i32
        %dma_start3A_193 = arith.constant 0 : i32
        %dma_start3A_194 = tpu.memref_slice %arg3[%add3A_191] : memref<320000xi32, #tpu.memory_space<hbm>> -> memref<2000xi32, #tpu.memory_space<hbm>>
        %dma_start3A_195 = tpu.memref_slice %arg22[%dma_start3A_192, %dma_start3A_193] : memref<2x2x!tpu.dma_semaphore, #tpu.memory_space<semaphore_mem>> -> memref<1x1x!tpu.dma_semaphore, #tpu.memory_space<semaphore_mem>>
        %dma_start3A_196 = tpu.memref_squeeze %dma_start3A_195 : memref<1x1x!tpu.dma_semaphore, #tpu.memory_space<semaphore_mem>> -> memref<!tpu.dma_semaphore, #tpu.memory_space<semaphore_mem>>
        %dma_start3A_197 = tpu.memref_slice %arg3[%add3A_191] : memref<320000xi32, #tpu.memory_space<hbm>> -> memref<2000xi32, #tpu.memory_space<hbm>>
        tpu.enqueue_dma source(%dma_start3A_197 : memref<2000xi32, #tpu.memory_space<hbm>>) target(%arg18 : memref<2000xi32, #tpu.memory_space<vmem>>) target_semaphore(%dma_start3A_196 : memref<!tpu.dma_semaphore, #tpu.memory_space<semaphore_mem>>)
        %dma_start3A_198 = arith.constant 0 : i32
        %dma_start3A_199 = arith.constant 1 : i32
        %dma_start3A_200 = tpu.memref_slice %arg4[%add3A_191] : memref<320000xi32, #tpu.memory_space<hbm>> -> memref<2000xi32, #tpu.memory_space<hbm>>
        %dma_start3A_201 = tpu.memref_slice %arg22[%dma_start3A_198, %dma_start3A_199] : memref<2x2x!tpu.dma_semaphore, #tpu.memory_space<semaphore_mem>> -> memref<1x1x!tpu.dma_semaphore, #tpu.memory_space<semaphore_mem>>
        %dma_start3A_202 = tpu.memref_squeeze %dma_start3A_201 : memref<1x1x!tpu.dma_semaphore, #tpu.memory_space<semaphore_mem>> -> memref<!tpu.dma_semaphore, #tpu.memory_space<semaphore_mem>>
        %dma_start3A_203 = tpu.memref_slice %arg4[%add3A_191] : memref<320000xi32, #tpu.memory_space<hbm>> -> memref<2000xi32, #tpu.memory_space<hbm>>
        tpu.enqueue_dma source(%dma_start3A_203 : memref<2000xi32, #tpu.memory_space<hbm>>) target(%arg19 : memref<2000xi32, #tpu.memory_space<vmem>>) target_semaphore(%dma_start3A_202 : memref<!tpu.dma_semaphore, #tpu.memory_space<semaphore_mem>>)
      } else {
      }
      %mul3A_155 = arith.constant 2 : i32
      %mul3A_156 = arith.muli %while3A_121, %mul3A_155 : i32
      %add3A_157 = arith.constant 1 : i32
      %add3A_158 = arith.addi %mul3A_156, %add3A_157 : i32
      %dma_wait3A_159 = arith.constant 1 : i32
      %dma_wait3A_160 = arith.constant 0 : i32
      %dma_wait3A_161 = tpu.memref_slice %arg3[%mul3A_32] : memref<320000xi32, #tpu.memory_space<hbm>> -> memref<2000xi32, #tpu.memory_space<hbm>>
      %dma_wait3A_162 = tpu.memref_slice %arg22[%dma_wait3A_159, %dma_wait3A_160] : memref<2x2x!tpu.dma_semaphore, #tpu.memory_space<semaphore_mem>> -> memref<1x1x!tpu.dma_semaphore, #tpu.memory_space<semaphore_mem>>
      %dma_wait3A_163 = tpu.memref_squeeze %dma_wait3A_162 : memref<1x1x!tpu.dma_semaphore, #tpu.memory_space<semaphore_mem>> -> memref<!tpu.dma_semaphore, #tpu.memory_space<semaphore_mem>>
      %dma_wait3A_164 = tpu.memref_slice %arg3[%mul3A_32] : memref<320000xi32, #tpu.memory_space<hbm>> -> memref<2000xi32, #tpu.memory_space<hbm>>
      tpu.wait_dma2 semaphore(%dma_wait3A_163 : memref<!tpu.dma_semaphore, #tpu.memory_space<semaphore_mem>>) src(%dma_wait3A_164 : memref<2000xi32, #tpu.memory_space<hbm>>) dst(%arg20 : memref<2000xi32, #tpu.memory_space<vmem>>)
      %dma_wait3A_165 = arith.constant 1 : i32
      %dma_wait3A_166 = arith.constant 1 : i32
      %dma_wait3A_167 = tpu.memref_slice %arg4[%mul3A_32] : memref<320000xi32, #tpu.memory_space<hbm>> -> memref<2000xi32, #tpu.memory_space<hbm>>
      %dma_wait3A_168 = tpu.memref_slice %arg22[%dma_wait3A_165, %dma_wait3A_166] : memref<2x2x!tpu.dma_semaphore, #tpu.memory_space<semaphore_mem>> -> memref<1x1x!tpu.dma_semaphore, #tpu.memory_space<semaphore_mem>>
      %dma_wait3A_169 = tpu.memref_squeeze %dma_wait3A_168 : memref<1x1x!tpu.dma_semaphore, #tpu.memory_space<semaphore_mem>> -> memref<!tpu.dma_semaphore, #tpu.memory_space<semaphore_mem>>
      %dma_wait3A_170 = tpu.memref_slice %arg4[%mul3A_32] : memref<320000xi32, #tpu.memory_space<hbm>> -> memref<2000xi32, #tpu.memory_space<hbm>>
      tpu.wait_dma2 semaphore(%dma_wait3A_169 : memref<!tpu.dma_semaphore, #tpu.memory_space<semaphore_mem>>) src(%dma_wait3A_170 : memref<2000xi32, #tpu.memory_space<hbm>>) dst(%arg21 : memref<2000xi32, #tpu.memory_space<vmem>>)
      %while3A_171 = arith.constant 0 : i32
      %while3A_172 = arith.constant 0 : i32
      %while3A_173 = arith.constant 125 : i32
      %while3A_174 = arith.subi %while3A_173, %while3A_172 : i32
      %while3A_175 = arith.addi %while3A_172, %while3A_174 : i32
      %while3A_176 = arith.constant 1 : i32
      %while3A_177 = arith.divsi %while3A_174, %while3A_176 : i32
      %while3A_178 = arith.muli %while3A_177, %while3A_176 : i32
      %while3A_179 = arith.addi %while3A_172, %while3A_178 : i32
      %while3A_180 = arith.constant 1 : i32
      scf.for %while3A_189 = %while3A_172 to %while3A_179 step %while3A_180  : i32 {
        %mul3A_190 = arith.constant 16 : i32
        %mul3A_191 = arith.muli %while3A_189, %mul3A_190 : i32
        %get3A = arith.index_cast %mul3A_191 : i32 to index
        %get3A_192 = tpu.vector_load %arg20[%get3A] {strides = array<i32>} : memref<2000xi32, #tpu.memory_space<vmem>>, vector<16xi32>,
        %get3A_193 = arith.index_cast %mul3A_191 : i32 to index
        %get3A_194 = tpu.vector_load %arg21[%get3A_193] {strides = array<i32>} : memref<2000xi32, #tpu.memory_space<vmem>>, vector<16xi32>,
        %eq3A_195 = arith.constant 0 : i32
        %eq3A_196 = arith.cmpi eq, %select_n3A, %eq3A_195 : i32
        %convert_element_type3A_197 = arith.extui %eq3A_196 : i1 to i32
        %cond3A_198 = arith.constant 0 : i32
        %cond3A_199 = arith.cmpi ne, %convert_element_type3A_197, %cond3A_198 : i32
        scf.if %cond3A_199 {
          tpu.vector_store_idx %arg17[%get3A_194], %broadcast_in_dim3A_33 {add = true} : memref<10000xi32, #tpu.memory_space<vmem>>[vector<16xi32>], vector<16xi32>,
        } else {
        }
        tpu.vector_store_idx %arg15[%get3A_194], %iota3A : memref<10000xi32, #tpu.memory_space<vmem>>[vector<16xi32>], vector<16xi32>,
        %gather3A = tpu.vector_load_idx %arg15[%get3A_194] : memref<10000xi32, #tpu.memory_space<vmem>>[vector<16xi32>], vector<16xi32>,
        %eq3A_200 = arith.cmpi eq, %gather3A, %iota3A : vector<16xi32>
        %gather3A_201 = tpu.vector_load_idx %arg7[%get3A_192] : memref<10000xi32, #tpu.memory_space<vmem>>[vector<16xi32>], vector<16xi32>,
        %gather3A_202 = tpu.vector_load_idx %arg11[%get3A_194] : memref<10000xi32, #tpu.memory_space<vmem>>[vector<16xi32>], vector<16xi32>,
        %bitcast3A = vector.bitcast %gather3A_201 : vector<16xi32> to vector<32xbf16>
        %bitcast3A_203 = vector.bitcast %gather3A_202 : vector<16xi32> to vector<32xbf16>
        %max3A = arith.maximumf %bitcast3A, %bitcast3A_203 : vector<32xbf16>
        %bitcast3A_204 = vector.bitcast %max3A : vector<32xbf16> to vector<16xi32>
        tpu.vector_store_idx %arg11[%get3A_194], %bitcast3A_204 masked %eq3A_200 : memref<10000xi32, #tpu.memory_space<vmem>>[vector<16xi32>], vector<16xi32>, vector<16xi1>
        %gather3A_205 = tpu.vector_load_idx %arg8[%get3A_192] : memref<10000xi32, #tpu.memory_space<vmem>>[vector<16xi32>], vector<16xi32>,
        %gather3A_206 = tpu.vector_load_idx %arg12[%get3A_194] : memref<10000xi32, #tpu.memory_space<vmem>>[vector<16xi32>], vector<16xi32>,
        %bitcast3A_207 = vector.bitcast %gather3A_205 : vector<16xi32> to vector<32xbf16>
        %bitcast3A_208 = vector.bitcast %gather3A_206 : vector<16xi32> to vector<32xbf16>
        %max3A_209 = arith.maximumf %bitcast3A_207, %bitcast3A_208 : vector<32xbf16>
        %bitcast3A_210 = vector.bitcast %max3A_209 : vector<32xbf16> to vector<16xi32>
        tpu.vector_store_idx %arg12[%get3A_194], %bitcast3A_210 masked %eq3A_200 : memref<10000xi32, #tpu.memory_space<vmem>>[vector<16xi32>], vector<16xi32>, vector<16xi1>
        %gather3A_211 = tpu.vector_load_idx %arg9[%get3A_192] : memref<10000xi32, #tpu.memory_space<vmem>>[vector<16xi32>], vector<16xi32>,
        %gather3A_212 = tpu.vector_load_idx %arg13[%get3A_194] : memref<10000xi32, #tpu.memory_space<vmem>>[vector<16xi32>], vector<16xi32>,
        %bitcast3A_213 = vector.bitcast %gather3A_211 : vector<16xi32> to vector<32xbf16>
        %bitcast3A_214 = vector.bitcast %gather3A_212 : vector<16xi32> to vector<32xbf16>
        %max3A_215 = arith.maximumf %bitcast3A_213, %bitcast3A_214 : vector<32xbf16>
        %bitcast3A_216 = vector.bitcast %max3A_215 : vector<32xbf16> to vector<16xi32>
        tpu.vector_store_idx %arg13[%get3A_194], %bitcast3A_216 masked %eq3A_200 : memref<10000xi32, #tpu.memory_space<vmem>>[vector<16xi32>], vector<16xi32>, vector<16xi1>
        %gather3A_217 = tpu.vector_load_idx %arg10[%get3A_192] : memref<10000xi32, #tpu.memory_space<vmem>>[vector<16xi32>], vector<16xi32>,
        %gather3A_218 = tpu.vector_load_idx %arg14[%get3A_194] : memref<10000xi32, #tpu.memory_space<vmem>>[vector<16xi32>], vector<16xi32>,
        %bitcast3A_219 = vector.bitcast %gather3A_217 : vector<16xi32> to vector<32xbf16>
        %bitcast3A_220 = vector.bitcast %gather3A_218 : vector<16xi32> to vector<32xbf16>
        %max3A_221 = arith.maximumf %bitcast3A_219, %bitcast3A_220 : vector<32xbf16>
        %bitcast3A_222 = vector.bitcast %max3A_221 : vector<32xbf16> to vector<16xi32>
        tpu.vector_store_idx %arg14[%get3A_194], %bitcast3A_222 masked %eq3A_200 : memref<10000xi32, #tpu.memory_space<vmem>>[vector<16xi32>], vector<16xi32>, vector<16xi1>
        %broadcast_in_dim3A_223 = arith.constant 0 : i32
        %broadcast_in_dim3A_224 = vector.broadcast %broadcast_in_dim3A_223 : i32 to vector<16xi32>
        %select_n3A_225 = arith.select %eq3A_200, %broadcast_in_dim3A_224, %broadcast_in_dim3A_33 : vector<16xi1>, vector<16xi32>
        %while3A_226 = scf.while (%while3A_262 = %select_n3A_225) : (vector<16xi32>) -> vector<16xi32> {
          %reduce_max3A = arith.constant true
          %reduce_max3A_263 = vector.broadcast %reduce_max3A : i1 to vector<16xi1>
          %reduce_max3A_264 = arith.constant -2147483648 : i32
          %reduce_max3A_265 = vector.broadcast %reduce_max3A_264 : i32 to vector<16xi32>
          %reduce_max3A_266 = arith.xori %while3A_262, %reduce_max3A_265 : vector<16xi32>
          %reduce_max3A_267 = tpu.scan <max>, %reduce_max3A_266 masked %reduce_max3A_263 : vector<16xi32>, vector<16xi1> -> vector<16xi32>
          %reduce_max3A_268 = arith.xori %reduce_max3A_267, %reduce_max3A_265 : vector<16xi32>
          %reduce_max3A_269 = vector.extract %reduce_max3A_268[15] : i32 from vector<16xi32>
          %gt3A = arith.constant 0 : i32
          %gt3A_270 = arith.cmpi sgt, %reduce_max3A_269, %gt3A : i32
          scf.condition(%gt3A_270) %while3A_262 : vector<16xi32>
        } do {
        ^bb0(%while3A_262: vector<16xi32>):
          %gt3A = arith.constant 0 : i32
          %gt3A_263 = vector.broadcast %gt3A : i32 to vector<16xi32>
          %gt3A_264 = arith.cmpi sgt, %while3A_262, %gt3A_263 : vector<16xi32>
          tpu.vector_store_idx %arg15[%get3A_194], %iota3A masked %gt3A_264 : memref<10000xi32, #tpu.memory_space<vmem>>[vector<16xi32>], vector<16xi32>, vector<16xi1>
          %gather3A_265 = tpu.vector_load_idx %arg15[%get3A_194] : memref<10000xi32, #tpu.memory_space<vmem>>[vector<16xi32>], vector<16xi32>,
          %eq3A_266 = arith.cmpi eq, %gather3A_265, %iota3A : vector<16xi32>
          %and3A_267 = arith.andi %gt3A_264, %eq3A_266 : vector<16xi1>
          %gather3A_268 = tpu.vector_load_idx %arg7[%get3A_192] : memref<10000xi32, #tpu.memory_space<vmem>>[vector<16xi32>], vector<16xi32>,
          %gather3A_269 = tpu.vector_load_idx %arg11[%get3A_194] : memref<10000xi32, #tpu.memory_space<vmem>>[vector<16xi32>], vector<16xi32>,
          %bitcast3A_270 = vector.bitcast %gather3A_268 : vector<16xi32> to vector<32xbf16>
          %bitcast3A_271 = vector.bitcast %gather3A_269 : vector<16xi32> to vector<32xbf16>
          %max3A_272 = arith.maximumf %bitcast3A_270, %bitcast3A_271 : vector<32xbf16>
          %bitcast3A_273 = vector.bitcast %max3A_272 : vector<32xbf16> to vector<16xi32>
          tpu.vector_store_idx %arg11[%get3A_194], %bitcast3A_273 masked %and3A_267 : memref<10000xi32, #tpu.memory_space<vmem>>[vector<16xi32>], vector<16xi32>, vector<16xi1>
          %gather3A_274 = tpu.vector_load_idx %arg8[%get3A_192] : memref<10000xi32, #tpu.memory_space<vmem>>[vector<16xi32>], vector<16xi32>,
          %gather3A_275 = tpu.vector_load_idx %arg12[%get3A_194] : memref<10000xi32, #tpu.memory_space<vmem>>[vector<16xi32>], vector<16xi32>,
          %bitcast3A_276 = vector.bitcast %gather3A_274 : vector<16xi32> to vector<32xbf16>
          %bitcast3A_277 = vector.bitcast %gather3A_275 : vector<16xi32> to vector<32xbf16>
          %max3A_278 = arith.maximumf %bitcast3A_276, %bitcast3A_277 : vector<32xbf16>
          %bitcast3A_279 = vector.bitcast %max3A_278 : vector<32xbf16> to vector<16xi32>
          tpu.vector_store_idx %arg12[%get3A_194], %bitcast3A_279 masked %and3A_267 : memref<10000xi32, #tpu.memory_space<vmem>>[vector<16xi32>], vector<16xi32>, vector<16xi1>
          %gather3A_280 = tpu.vector_load_idx %arg9[%get3A_192] : memref<10000xi32, #tpu.memory_space<vmem>>[vector<16xi32>], vector<16xi32>,
          %gather3A_281 = tpu.vector_load_idx %arg13[%get3A_194] : memref<10000xi32, #tpu.memory_space<vmem>>[vector<16xi32>], vector<16xi32>,
          %bitcast3A_282 = vector.bitcast %gather3A_280 : vector<16xi32> to vector<32xbf16>
          %bitcast3A_283 = vector.bitcast %gather3A_281 : vector<16xi32> to vector<32xbf16>
          %max3A_284 = arith.maximumf %bitcast3A_282, %bitcast3A_283 : vector<32xbf16>
          %bitcast3A_285 = vector.bitcast %max3A_284 : vector<32xbf16> to vector<16xi32>
          tpu.vector_store_idx %arg13[%get3A_194], %bitcast3A_285 masked %and3A_267 : memref<10000xi32, #tpu.memory_space<vmem>>[vector<16xi32>], vector<16xi32>, vector<16xi1>
          %gather3A_286 = tpu.vector_load_idx %arg10[%get3A_192] : memref<10000xi32, #tpu.memory_space<vmem>>[vector<16xi32>], vector<16xi32>,
          %gather3A_287 = tpu.vector_load_idx %arg14[%get3A_194] : memref<10000xi32, #tpu.memory_space<vmem>>[vector<16xi32>], vector<16xi32>,
          %bitcast3A_288 = vector.bitcast %gather3A_286 : vector<16xi32> to vector<32xbf16>
          %bitcast3A_289 = vector.bitcast %gather3A_287 : vector<16xi32> to vector<32xbf16>
          %max3A_290 = arith.maximumf %bitcast3A_288, %bitcast3A_289 : vector<32xbf16>
          %bitcast3A_291 = vector.bitcast %max3A_290 : vector<32xbf16> to vector<16xi32>
          tpu.vector_store_idx %arg14[%get3A_194], %bitcast3A_291 masked %and3A_267 : memref<10000xi32, #tpu.memory_space<vmem>>[vector<16xi32>], vector<16xi32>, vector<16xi1>
          %broadcast_in_dim3A_292 = arith.constant 0 : i32
          %broadcast_in_dim3A_293 = vector.broadcast %broadcast_in_dim3A_292 : i32 to vector<16xi32>
          %select_n3A_294 = arith.select %and3A_267, %broadcast_in_dim3A_293, %while3A_262 : vector<16xi1>, vector<16xi32>
          scf.yield %select_n3A_294 : vector<16xi32>
        }
        %eq3A_227 = arith.constant 0 : i32
        %eq3A_228 = arith.cmpi eq, %select_n3A, %eq3A_227 : i32
        %convert_element_type3A_229 = arith.extui %eq3A_228 : i1 to i32
        %cond3A_230 = arith.constant 0 : i32
        %cond3A_231 = arith.cmpi ne, %convert_element_type3A_229, %cond3A_230 : i32
        scf.if %cond3A_231 {
          tpu.vector_store_idx %arg17[%get3A_192], %broadcast_in_dim3A_33 {add = true} : memref<10000xi32, #tpu.memory_space<vmem>>[vector<16xi32>], vector<16xi32>,
        } else {
        }
        tpu.vector_store_idx %arg16[%get3A_192], %iota3A : memref<10000xi32, #tpu.memory_space<vmem>>[vector<16xi32>], vector<16xi32>,
        %gather3A_232 = tpu.vector_load_idx %arg16[%get3A_192] : memref<10000xi32, #tpu.memory_space<vmem>>[vector<16xi32>], vector<16xi32>,
        %eq3A_233 = arith.cmpi eq, %gather3A_232, %iota3A : vector<16xi32>
        %gather3A_234 = tpu.vector_load_idx %arg7[%get3A_194] : memref<10000xi32, #tpu.memory_space<vmem>>[vector<16xi32>], vector<16xi32>,
        %gather3A_235 = tpu.vector_load_idx %arg11[%get3A_192] : memref<10000xi32, #tpu.memory_space<vmem>>[vector<16xi32>], vector<16xi32>,
        %bitcast3A_236 = vector.bitcast %gather3A_234 : vector<16xi32> to vector<32xbf16>
        %bitcast3A_237 = vector.bitcast %gather3A_235 : vector<16xi32> to vector<32xbf16>
        %max3A_238 = arith.maximumf %bitcast3A_236, %bitcast3A_237 : vector<32xbf16>
        %bitcast3A_239 = vector.bitcast %max3A_238 : vector<32xbf16> to vector<16xi32>
        tpu.vector_store_idx %arg11[%get3A_192], %bitcast3A_239 masked %eq3A_233 : memref<10000xi32, #tpu.memory_space<vmem>>[vector<16xi32>], vector<16xi32>, vector<16xi1>
        %gather3A_240 = tpu.vector_load_idx %arg8[%get3A_194] : memref<10000xi32, #tpu.memory_space<vmem>>[vector<16xi32>], vector<16xi32>,
        %gather3A_241 = tpu.vector_load_idx %arg12[%get3A_192] : memref<10000xi32, #tpu.memory_space<vmem>>[vector<16xi32>], vector<16xi32>,
        %bitcast3A_242 = vector.bitcast %gather3A_240 : vector<16xi32> to vector<32xbf16>
        %bitcast3A_243 = vector.bitcast %gather3A_241 : vector<16xi32> to vector<32xbf16>
        %max3A_244 = arith.maximumf %bitcast3A_242, %bitcast3A_243 : vector<32xbf16>
        %bitcast3A_245 = vector.bitcast %max3A_244 : vector<32xbf16> to vector<16xi32>
        tpu.vector_store_idx %arg12[%get3A_192], %bitcast3A_245 masked %eq3A_233 : memref<10000xi32, #tpu.memory_space<vmem>>[vector<16xi32>], vector<16xi32>, vector<16xi1>
        %gather3A_246 = tpu.vector_load_idx %arg9[%get3A_194] : memref<10000xi32, #tpu.memory_space<vmem>>[vector<16xi32>], vector<16xi32>,
        %gather3A_247 = tpu.vector_load_idx %arg13[%get3A_192] : memref<10000xi32, #tpu.memory_space<vmem>>[vector<16xi32>], vector<16xi32>,
        %bitcast3A_248 = vector.bitcast %gather3A_246 : vector<16xi32> to vector<32xbf16>
        %bitcast3A_249 = vector.bitcast %gather3A_247 : vector<16xi32> to vector<32xbf16>
        %max3A_250 = arith.maximumf %bitcast3A_248, %bitcast3A_249 : vector<32xbf16>
        %bitcast3A_251 = vector.bitcast %max3A_250 : vector<32xbf16> to vector<16xi32>
        tpu.vector_store_idx %arg13[%get3A_192], %bitcast3A_251 masked %eq3A_233 : memref<10000xi32, #tpu.memory_space<vmem>>[vector<16xi32>], vector<16xi32>, vector<16xi1>
        %gather3A_252 = tpu.vector_load_idx %arg10[%get3A_194] : memref<10000xi32, #tpu.memory_space<vmem>>[vector<16xi32>], vector<16xi32>,
        %gather3A_253 = tpu.vector_load_idx %arg14[%get3A_192] : memref<10000xi32, #tpu.memory_space<vmem>>[vector<16xi32>], vector<16xi32>,
        %bitcast3A_254 = vector.bitcast %gather3A_252 : vector<16xi32> to vector<32xbf16>
        %bitcast3A_255 = vector.bitcast %gather3A_253 : vector<16xi32> to vector<32xbf16>
        %max3A_256 = arith.maximumf %bitcast3A_254, %bitcast3A_255 : vector<32xbf16>
        %bitcast3A_257 = vector.bitcast %max3A_256 : vector<32xbf16> to vector<16xi32>
        tpu.vector_store_idx %arg14[%get3A_192], %bitcast3A_257 masked %eq3A_233 : memref<10000xi32, #tpu.memory_space<vmem>>[vector<16xi32>], vector<16xi32>, vector<16xi1>
        %broadcast_in_dim3A_258 = arith.constant 0 : i32
        %broadcast_in_dim3A_259 = vector.broadcast %broadcast_in_dim3A_258 : i32 to vector<16xi32>
        %select_n3A_260 = arith.select %eq3A_233, %broadcast_in_dim3A_259, %broadcast_in_dim3A_33 : vector<16xi1>, vector<16xi32>
        %while3A_261 = scf.while (%while3A_262 = %select_n3A_260) : (vector<16xi32>) -> vector<16xi32> {
          %reduce_max3A = arith.constant true
          %reduce_max3A_263 = vector.broadcast %reduce_max3A : i1 to vector<16xi1>
          %reduce_max3A_264 = arith.constant -2147483648 : i32
          %reduce_max3A_265 = vector.broadcast %reduce_max3A_264 : i32 to vector<16xi32>
          %reduce_max3A_266 = arith.xori %while3A_262, %reduce_max3A_265 : vector<16xi32>
          %reduce_max3A_267 = tpu.scan <max>, %reduce_max3A_266 masked %reduce_max3A_263 : vector<16xi32>, vector<16xi1> -> vector<16xi32>
          %reduce_max3A_268 = arith.xori %reduce_max3A_267, %reduce_max3A_265 : vector<16xi32>
          %reduce_max3A_269 = vector.extract %reduce_max3A_268[15] : i32 from vector<16xi32>
          %gt3A = arith.constant 0 : i32
          %gt3A_270 = arith.cmpi sgt, %reduce_max3A_269, %gt3A : i32
          scf.condition(%gt3A_270) %while3A_262 : vector<16xi32>
        } do {
        ^bb0(%while3A_262: vector<16xi32>):
          %gt3A = arith.constant 0 : i32
          %gt3A_263 = vector.broadcast %gt3A : i32 to vector<16xi32>
          %gt3A_264 = arith.cmpi sgt, %while3A_262, %gt3A_263 : vector<16xi32>
          tpu.vector_store_idx %arg16[%get3A_192], %iota3A masked %gt3A_264 : memref<10000xi32, #tpu.memory_space<vmem>>[vector<16xi32>], vector<16xi32>, vector<16xi1>
          %gather3A_265 = tpu.vector_load_idx %arg16[%get3A_192] : memref<10000xi32, #tpu.memory_space<vmem>>[vector<16xi32>], vector<16xi32>,
          %eq3A_266 = arith.cmpi eq, %gather3A_265, %iota3A : vector<16xi32>
          %and3A_267 = arith.andi %gt3A_264, %eq3A_266 : vector<16xi1>
          %gather3A_268 = tpu.vector_load_idx %arg7[%get3A_194] : memref<10000xi32, #tpu.memory_space<vmem>>[vector<16xi32>], vector<16xi32>,
          %gather3A_269 = tpu.vector_load_idx %arg11[%get3A_192] : memref<10000xi32, #tpu.memory_space<vmem>>[vector<16xi32>], vector<16xi32>,
          %bitcast3A_270 = vector.bitcast %gather3A_268 : vector<16xi32> to vector<32xbf16>
          %bitcast3A_271 = vector.bitcast %gather3A_269 : vector<16xi32> to vector<32xbf16>
          %max3A_272 = arith.maximumf %bitcast3A_270, %bitcast3A_271 : vector<32xbf16>
          %bitcast3A_273 = vector.bitcast %max3A_272 : vector<32xbf16> to vector<16xi32>
          tpu.vector_store_idx %arg11[%get3A_192], %bitcast3A_273 masked %and3A_267 : memref<10000xi32, #tpu.memory_space<vmem>>[vector<16xi32>], vector<16xi32>, vector<16xi1>
          %gather3A_274 = tpu.vector_load_idx %arg8[%get3A_194] : memref<10000xi32, #tpu.memory_space<vmem>>[vector<16xi32>], vector<16xi32>,
          %gather3A_275 = tpu.vector_load_idx %arg12[%get3A_192] : memref<10000xi32, #tpu.memory_space<vmem>>[vector<16xi32>], vector<16xi32>,
          %bitcast3A_276 = vector.bitcast %gather3A_274 : vector<16xi32> to vector<32xbf16>
          %bitcast3A_277 = vector.bitcast %gather3A_275 : vector<16xi32> to vector<32xbf16>
          %max3A_278 = arith.maximumf %bitcast3A_276, %bitcast3A_277 : vector<32xbf16>
          %bitcast3A_279 = vector.bitcast %max3A_278 : vector<32xbf16> to vector<16xi32>
          tpu.vector_store_idx %arg12[%get3A_192], %bitcast3A_279 masked %and3A_267 : memref<10000xi32, #tpu.memory_space<vmem>>[vector<16xi32>], vector<16xi32>, vector<16xi1>
          %gather3A_280 = tpu.vector_load_idx %arg9[%get3A_194] : memref<10000xi32, #tpu.memory_space<vmem>>[vector<16xi32>], vector<16xi32>,
          %gather3A_281 = tpu.vector_load_idx %arg13[%get3A_192] : memref<10000xi32, #tpu.memory_space<vmem>>[vector<16xi32>], vector<16xi32>,
          %bitcast3A_282 = vector.bitcast %gather3A_280 : vector<16xi32> to vector<32xbf16>
          %bitcast3A_283 = vector.bitcast %gather3A_281 : vector<16xi32> to vector<32xbf16>
          %max3A_284 = arith.maximumf %bitcast3A_282, %bitcast3A_283 : vector<32xbf16>
          %bitcast3A_285 = vector.bitcast %max3A_284 : vector<32xbf16> to vector<16xi32>
          tpu.vector_store_idx %arg13[%get3A_192], %bitcast3A_285 masked %and3A_267 : memref<10000xi32, #tpu.memory_space<vmem>>[vector<16xi32>], vector<16xi32>, vector<16xi1>
          %gather3A_286 = tpu.vector_load_idx %arg10[%get3A_194] : memref<10000xi32, #tpu.memory_space<vmem>>[vector<16xi32>], vector<16xi32>,
          %gather3A_287 = tpu.vector_load_idx %arg14[%get3A_192] : memref<10000xi32, #tpu.memory_space<vmem>>[vector<16xi32>], vector<16xi32>,
          %bitcast3A_288 = vector.bitcast %gather3A_286 : vector<16xi32> to vector<32xbf16>
          %bitcast3A_289 = vector.bitcast %gather3A_287 : vector<16xi32> to vector<32xbf16>
          %max3A_290 = arith.maximumf %bitcast3A_288, %bitcast3A_289 : vector<32xbf16>
          %bitcast3A_291 = vector.bitcast %max3A_290 : vector<32xbf16> to vector<16xi32>
          tpu.vector_store_idx %arg14[%get3A_192], %bitcast3A_291 masked %and3A_267 : memref<10000xi32, #tpu.memory_space<vmem>>[vector<16xi32>], vector<16xi32>, vector<16xi1>
          %broadcast_in_dim3A_292 = arith.constant 0 : i32
          %broadcast_in_dim3A_293 = vector.broadcast %broadcast_in_dim3A_292 : i32 to vector<16xi32>
          %select_n3A_294 = arith.select %and3A_267, %broadcast_in_dim3A_293, %while3A_262 : vector<16xi1>, vector<16xi32>
          scf.yield %select_n3A_294 : vector<16xi32>
        }
      }
      %while3A_181 = arith.constant 1 : i32
      scf.for %while3A_189 = %while3A_179 to %while3A_175 step %while3A_181  : i32 {
        %mul3A_190 = arith.constant 16 : i32
        %mul3A_191 = arith.muli %while3A_189, %mul3A_190 : i32
        %get3A = arith.index_cast %mul3A_191 : i32 to index
        %get3A_192 = tpu.vector_load %arg20[%get3A] {strides = array<i32>} : memref<2000xi32, #tpu.memory_space<vmem>>, vector<16xi32>,
        %get3A_193 = arith.index_cast %mul3A_191 : i32 to index
        %get3A_194 = tpu.vector_load %arg21[%get3A_193] {strides = array<i32>} : memref<2000xi32, #tpu.memory_space<vmem>>, vector<16xi32>,
        %eq3A_195 = arith.constant 0 : i32
        %eq3A_196 = arith.cmpi eq, %select_n3A, %eq3A_195 : i32
        %convert_element_type3A_197 = arith.extui %eq3A_196 : i1 to i32
        %cond3A_198 = arith.constant 0 : i32
        %cond3A_199 = arith.cmpi ne, %convert_element_type3A_197, %cond3A_198 : i32
        scf.if %cond3A_199 {
          tpu.vector_store_idx %arg17[%get3A_194], %broadcast_in_dim3A_33 {add = true} : memref<10000xi32, #tpu.memory_space<vmem>>[vector<16xi32>], vector<16xi32>,
        } else {
        }
        tpu.vector_store_idx %arg15[%get3A_194], %iota3A : memref<10000xi32, #tpu.memory_space<vmem>>[vector<16xi32>], vector<16xi32>,
        %gather3A = tpu.vector_load_idx %arg15[%get3A_194] : memref<10000xi32, #tpu.memory_space<vmem>>[vector<16xi32>], vector<16xi32>,
        %eq3A_200 = arith.cmpi eq, %gather3A, %iota3A : vector<16xi32>
        %gather3A_201 = tpu.vector_load_idx %arg7[%get3A_192] : memref<10000xi32, #tpu.memory_space<vmem>>[vector<16xi32>], vector<16xi32>,
        %gather3A_202 = tpu.vector_load_idx %arg11[%get3A_194] : memref<10000xi32, #tpu.memory_space<vmem>>[vector<16xi32>], vector<16xi32>,
        %bitcast3A = vector.bitcast %gather3A_201 : vector<16xi32> to vector<32xbf16>
        %bitcast3A_203 = vector.bitcast %gather3A_202 : vector<16xi32> to vector<32xbf16>
        %max3A = arith.maximumf %bitcast3A, %bitcast3A_203 : vector<32xbf16>
        %bitcast3A_204 = vector.bitcast %max3A : vector<32xbf16> to vector<16xi32>
        tpu.vector_store_idx %arg11[%get3A_194], %bitcast3A_204 masked %eq3A_200 : memref<10000xi32, #tpu.memory_space<vmem>>[vector<16xi32>], vector<16xi32>, vector<16xi1>
        %gather3A_205 = tpu.vector_load_idx %arg8[%get3A_192] : memref<10000xi32, #tpu.memory_space<vmem>>[vector<16xi32>], vector<16xi32>,
        %gather3A_206 = tpu.vector_load_idx %arg12[%get3A_194] : memref<10000xi32, #tpu.memory_space<vmem>>[vector<16xi32>], vector<16xi32>,
        %bitcast3A_207 = vector.bitcast %gather3A_205 : vector<16xi32> to vector<32xbf16>
        %bitcast3A_208 = vector.bitcast %gather3A_206 : vector<16xi32> to vector<32xbf16>
        %max3A_209 = arith.maximumf %bitcast3A_207, %bitcast3A_208 : vector<32xbf16>
        %bitcast3A_210 = vector.bitcast %max3A_209 : vector<32xbf16> to vector<16xi32>
        tpu.vector_store_idx %arg12[%get3A_194], %bitcast3A_210 masked %eq3A_200 : memref<10000xi32, #tpu.memory_space<vmem>>[vector<16xi32>], vector<16xi32>, vector<16xi1>
        %gather3A_211 = tpu.vector_load_idx %arg9[%get3A_192] : memref<10000xi32, #tpu.memory_space<vmem>>[vector<16xi32>], vector<16xi32>,
        %gather3A_212 = tpu.vector_load_idx %arg13[%get3A_194] : memref<10000xi32, #tpu.memory_space<vmem>>[vector<16xi32>], vector<16xi32>,
        %bitcast3A_213 = vector.bitcast %gather3A_211 : vector<16xi32> to vector<32xbf16>
        %bitcast3A_214 = vector.bitcast %gather3A_212 : vector<16xi32> to vector<32xbf16>
        %max3A_215 = arith.maximumf %bitcast3A_213, %bitcast3A_214 : vector<32xbf16>
        %bitcast3A_216 = vector.bitcast %max3A_215 : vector<32xbf16> to vector<16xi32>
        tpu.vector_store_idx %arg13[%get3A_194], %bitcast3A_216 masked %eq3A_200 : memref<10000xi32, #tpu.memory_space<vmem>>[vector<16xi32>], vector<16xi32>, vector<16xi1>
        %gather3A_217 = tpu.vector_load_idx %arg10[%get3A_192] : memref<10000xi32, #tpu.memory_space<vmem>>[vector<16xi32>], vector<16xi32>,
        %gather3A_218 = tpu.vector_load_idx %arg14[%get3A_194] : memref<10000xi32, #tpu.memory_space<vmem>>[vector<16xi32>], vector<16xi32>,
        %bitcast3A_219 = vector.bitcast %gather3A_217 : vector<16xi32> to vector<32xbf16>
        %bitcast3A_220 = vector.bitcast %gather3A_218 : vector<16xi32> to vector<32xbf16>
        %max3A_221 = arith.maximumf %bitcast3A_219, %bitcast3A_220 : vector<32xbf16>
        %bitcast3A_222 = vector.bitcast %max3A_221 : vector<32xbf16> to vector<16xi32>
        tpu.vector_store_idx %arg14[%get3A_194], %bitcast3A_222 masked %eq3A_200 : memref<10000xi32, #tpu.memory_space<vmem>>[vector<16xi32>], vector<16xi32>, vector<16xi1>
        %broadcast_in_dim3A_223 = arith.constant 0 : i32
        %broadcast_in_dim3A_224 = vector.broadcast %broadcast_in_dim3A_223 : i32 to vector<16xi32>
        %select_n3A_225 = arith.select %eq3A_200, %broadcast_in_dim3A_224, %broadcast_in_dim3A_33 : vector<16xi1>, vector<16xi32>
        %while3A_226 = scf.while (%while3A_262 = %select_n3A_225) : (vector<16xi32>) -> vector<16xi32> {
          %reduce_max3A = arith.constant true
          %reduce_max3A_263 = vector.broadcast %reduce_max3A : i1 to vector<16xi1>
          %reduce_max3A_264 = arith.constant -2147483648 : i32
          %reduce_max3A_265 = vector.broadcast %reduce_max3A_264 : i32 to vector<16xi32>
          %reduce_max3A_266 = arith.xori %while3A_262, %reduce_max3A_265 : vector<16xi32>
          %reduce_max3A_267 = tpu.scan <max>, %reduce_max3A_266 masked %reduce_max3A_263 : vector<16xi32>, vector<16xi1> -> vector<16xi32>
          %reduce_max3A_268 = arith.xori %reduce_max3A_267, %reduce_max3A_265 : vector<16xi32>
          %reduce_max3A_269 = vector.extract %reduce_max3A_268[15] : i32 from vector<16xi32>
          %gt3A = arith.constant 0 : i32
          %gt3A_270 = arith.cmpi sgt, %reduce_max3A_269, %gt3A : i32
          scf.condition(%gt3A_270) %while3A_262 : vector<16xi32>
        } do {
        ^bb0(%while3A_262: vector<16xi32>):
          %gt3A = arith.constant 0 : i32
          %gt3A_263 = vector.broadcast %gt3A : i32 to vector<16xi32>
          %gt3A_264 = arith.cmpi sgt, %while3A_262, %gt3A_263 : vector<16xi32>
          tpu.vector_store_idx %arg15[%get3A_194], %iota3A masked %gt3A_264 : memref<10000xi32, #tpu.memory_space<vmem>>[vector<16xi32>], vector<16xi32>, vector<16xi1>
          %gather3A_265 = tpu.vector_load_idx %arg15[%get3A_194] : memref<10000xi32, #tpu.memory_space<vmem>>[vector<16xi32>], vector<16xi32>,
          %eq3A_266 = arith.cmpi eq, %gather3A_265, %iota3A : vector<16xi32>
          %and3A_267 = arith.andi %gt3A_264, %eq3A_266 : vector<16xi1>
          %gather3A_268 = tpu.vector_load_idx %arg7[%get3A_192] : memref<10000xi32, #tpu.memory_space<vmem>>[vector<16xi32>], vector<16xi32>,
          %gather3A_269 = tpu.vector_load_idx %arg11[%get3A_194] : memref<10000xi32, #tpu.memory_space<vmem>>[vector<16xi32>], vector<16xi32>,
          %bitcast3A_270 = vector.bitcast %gather3A_268 : vector<16xi32> to vector<32xbf16>
          %bitcast3A_271 = vector.bitcast %gather3A_269 : vector<16xi32> to vector<32xbf16>
          %max3A_272 = arith.maximumf %bitcast3A_270, %bitcast3A_271 : vector<32xbf16>
          %bitcast3A_273 = vector.bitcast %max3A_272 : vector<32xbf16> to vector<16xi32>
          tpu.vector_store_idx %arg11[%get3A_194], %bitcast3A_273 masked %and3A_267 : memref<10000xi32, #tpu.memory_space<vmem>>[vector<16xi32>], vector<16xi32>, vector<16xi1>
          %gather3A_274 = tpu.vector_load_idx %arg8[%get3A_192] : memref<10000xi32, #tpu.memory_space<vmem>>[vector<16xi32>], vector<16xi32>,
          %gather3A_275 = tpu.vector_load_idx %arg12[%get3A_194] : memref<10000xi32, #tpu.memory_space<vmem>>[vector<16xi32>], vector<16xi32>,
          %bitcast3A_276 = vector.bitcast %gather3A_274 : vector<16xi32> to vector<32xbf16>
          %bitcast3A_277 = vector.bitcast %gather3A_275 : vector<16xi32> to vector<32xbf16>
          %max3A_278 = arith.maximumf %bitcast3A_276, %bitcast3A_277 : vector<32xbf16>
          %bitcast3A_279 = vector.bitcast %max3A_278 : vector<32xbf16> to vector<16xi32>
          tpu.vector_store_idx %arg12[%get3A_194], %bitcast3A_279 masked %and3A_267 : memref<10000xi32, #tpu.memory_space<vmem>>[vector<16xi32>], vector<16xi32>, vector<16xi1>
          %gather3A_280 = tpu.vector_load_idx %arg9[%get3A_192] : memref<10000xi32, #tpu.memory_space<vmem>>[vector<16xi32>], vector<16xi32>,
          %gather3A_281 = tpu.vector_load_idx %arg13[%get3A_194] : memref<10000xi32, #tpu.memory_space<vmem>>[vector<16xi32>], vector<16xi32>,
          %bitcast3A_282 = vector.bitcast %gather3A_280 : vector<16xi32> to vector<32xbf16>
          %bitcast3A_283 = vector.bitcast %gather3A_281 : vector<16xi32> to vector<32xbf16>
          %max3A_284 = arith.maximumf %bitcast3A_282, %bitcast3A_283 : vector<32xbf16>
          %bitcast3A_285 = vector.bitcast %max3A_284 : vector<32xbf16> to vector<16xi32>
          tpu.vector_store_idx %arg13[%get3A_194], %bitcast3A_285 masked %and3A_267 : memref<10000xi32, #tpu.memory_space<vmem>>[vector<16xi32>], vector<16xi32>, vector<16xi1>
          %gather3A_286 = tpu.vector_load_idx %arg10[%get3A_192] : memref<10000xi32, #tpu.memory_space<vmem>>[vector<16xi32>], vector<16xi32>,
          %gather3A_287 = tpu.vector_load_idx %arg14[%get3A_194] : memref<10000xi32, #tpu.memory_space<vmem>>[vector<16xi32>], vector<16xi32>,
          %bitcast3A_288 = vector.bitcast %gather3A_286 : vector<16xi32> to vector<32xbf16>
          %bitcast3A_289 = vector.bitcast %gather3A_287 : vector<16xi32> to vector<32xbf16>
          %max3A_290 = arith.maximumf %bitcast3A_288, %bitcast3A_289 : vector<32xbf16>
          %bitcast3A_291 = vector.bitcast %max3A_290 : vector<32xbf16> to vector<16xi32>
          tpu.vector_store_idx %arg14[%get3A_194], %bitcast3A_291 masked %and3A_267 : memref<10000xi32, #tpu.memory_space<vmem>>[vector<16xi32>], vector<16xi32>, vector<16xi1>
          %broadcast_in_dim3A_292 = arith.constant 0 : i32
          %broadcast_in_dim3A_293 = vector.broadcast %broadcast_in_dim3A_292 : i32 to vector<16xi32>
          %select_n3A_294 = arith.select %and3A_267, %broadcast_in_dim3A_293, %while3A_262 : vector<16xi1>, vector<16xi32>
          scf.yield %select_n3A_294 : vector<16xi32>
        }
        %eq3A_227 = arith.constant 0 : i32
        %eq3A_228 = arith.cmpi eq, %select_n3A, %eq3A_227 : i32
        %convert_element_type3A_229 = arith.extui %eq3A_228 : i1 to i32
        %cond3A_230 = arith.constant 0 : i32
        %cond3A_231 = arith.cmpi ne, %convert_element_type3A_229, %cond3A_230 : i32
        scf.if %cond3A_231 {
          tpu.vector_store_idx %arg17[%get3A_192], %broadcast_in_dim3A_33 {add = true} : memref<10000xi32, #tpu.memory_space<vmem>>[vector<16xi32>], vector<16xi32>,
        } else {
        }
        tpu.vector_store_idx %arg16[%get3A_192], %iota3A : memref<10000xi32, #tpu.memory_space<vmem>>[vector<16xi32>], vector<16xi32>,
        %gather3A_232 = tpu.vector_load_idx %arg16[%get3A_192] : memref<10000xi32, #tpu.memory_space<vmem>>[vector<16xi32>], vector<16xi32>,
        %eq3A_233 = arith.cmpi eq, %gather3A_232, %iota3A : vector<16xi32>
        %gather3A_234 = tpu.vector_load_idx %arg7[%get3A_194] : memref<10000xi32, #tpu.memory_space<vmem>>[vector<16xi32>], vector<16xi32>,
        %gather3A_235 = tpu.vector_load_idx %arg11[%get3A_192] : memref<10000xi32, #tpu.memory_space<vmem>>[vector<16xi32>], vector<16xi32>,
        %bitcast3A_236 = vector.bitcast %gather3A_234 : vector<16xi32> to vector<32xbf16>
        %bitcast3A_237 = vector.bitcast %gather3A_235 : vector<16xi32> to vector<32xbf16>
        %max3A_238 = arith.maximumf %bitcast3A_236, %bitcast3A_237 : vector<32xbf16>
        %bitcast3A_239 = vector.bitcast %max3A_238 : vector<32xbf16> to vector<16xi32>
        tpu.vector_store_idx %arg11[%get3A_192], %bitcast3A_239 masked %eq3A_233 : memref<10000xi32, #tpu.memory_space<vmem>>[vector<16xi32>], vector<16xi32>, vector<16xi1>
        %gather3A_240 = tpu.vector_load_idx %arg8[%get3A_194] : memref<10000xi32, #tpu.memory_space<vmem>>[vector<16xi32>], vector<16xi32>,
        %gather3A_241 = tpu.vector_load_idx %arg12[%get3A_192] : memref<10000xi32, #tpu.memory_space<vmem>>[vector<16xi32>], vector<16xi32>,
        %bitcast3A_242 = vector.bitcast %gather3A_240 : vector<16xi32> to vector<32xbf16>
        %bitcast3A_243 = vector.bitcast %gather3A_241 : vector<16xi32> to vector<32xbf16>
        %max3A_244 = arith.maximumf %bitcast3A_242, %bitcast3A_243 : vector<32xbf16>
        %bitcast3A_245 = vector.bitcast %max3A_244 : vector<32xbf16> to vector<16xi32>
        tpu.vector_store_idx %arg12[%get3A_192], %bitcast3A_245 masked %eq3A_233 : memref<10000xi32, #tpu.memory_space<vmem>>[vector<16xi32>], vector<16xi32>, vector<16xi1>
        %gather3A_246 = tpu.vector_load_idx %arg9[%get3A_194] : memref<10000xi32, #tpu.memory_space<vmem>>[vector<16xi32>], vector<16xi32>,
        %gather3A_247 = tpu.vector_load_idx %arg13[%get3A_192] : memref<10000xi32, #tpu.memory_space<vmem>>[vector<16xi32>], vector<16xi32>,
        %bitcast3A_248 = vector.bitcast %gather3A_246 : vector<16xi32> to vector<32xbf16>
        %bitcast3A_249 = vector.bitcast %gather3A_247 : vector<16xi32> to vector<32xbf16>
        %max3A_250 = arith.maximumf %bitcast3A_248, %bitcast3A_249 : vector<32xbf16>
        %bitcast3A_251 = vector.bitcast %max3A_250 : vector<32xbf16> to vector<16xi32>
        tpu.vector_store_idx %arg13[%get3A_192], %bitcast3A_251 masked %eq3A_233 : memref<10000xi32, #tpu.memory_space<vmem>>[vector<16xi32>], vector<16xi32>, vector<16xi1>
        %gather3A_252 = tpu.vector_load_idx %arg10[%get3A_194] : memref<10000xi32, #tpu.memory_space<vmem>>[vector<16xi32>], vector<16xi32>,
        %gather3A_253 = tpu.vector_load_idx %arg14[%get3A_192] : memref<10000xi32, #tpu.memory_space<vmem>>[vector<16xi32>], vector<16xi32>,
        %bitcast3A_254 = vector.bitcast %gather3A_252 : vector<16xi32> to vector<32xbf16>
        %bitcast3A_255 = vector.bitcast %gather3A_253 : vector<16xi32> to vector<32xbf16>
        %max3A_256 = arith.maximumf %bitcast3A_254, %bitcast3A_255 : vector<32xbf16>
        %bitcast3A_257 = vector.bitcast %max3A_256 : vector<32xbf16> to vector<16xi32>
        tpu.vector_store_idx %arg14[%get3A_192], %bitcast3A_257 masked %eq3A_233 : memref<10000xi32, #tpu.memory_space<vmem>>[vector<16xi32>], vector<16xi32>, vector<16xi1>
        %broadcast_in_dim3A_258 = arith.constant 0 : i32
        %broadcast_in_dim3A_259 = vector.broadcast %broadcast_in_dim3A_258 : i32 to vector<16xi32>
        %select_n3A_260 = arith.select %eq3A_233, %broadcast_in_dim3A_259, %broadcast_in_dim3A_33 : vector<16xi1>, vector<16xi32>
        %while3A_261 = scf.while (%while3A_262 = %select_n3A_260) : (vector<16xi32>) -> vector<16xi32> {
          %reduce_max3A = arith.constant true
          %reduce_max3A_263 = vector.broadcast %reduce_max3A : i1 to vector<16xi1>
          %reduce_max3A_264 = arith.constant -2147483648 : i32
          %reduce_max3A_265 = vector.broadcast %reduce_max3A_264 : i32 to vector<16xi32>
          %reduce_max3A_266 = arith.xori %while3A_262, %reduce_max3A_265 : vector<16xi32>
          %reduce_max3A_267 = tpu.scan <max>, %reduce_max3A_266 masked %reduce_max3A_263 : vector<16xi32>, vector<16xi1> -> vector<16xi32>
          %reduce_max3A_268 = arith.xori %reduce_max3A_267, %reduce_max3A_265 : vector<16xi32>
          %reduce_max3A_269 = vector.extract %reduce_max3A_268[15] : i32 from vector<16xi32>
          %gt3A = arith.constant 0 : i32
          %gt3A_270 = arith.cmpi sgt, %reduce_max3A_269, %gt3A : i32
          scf.condition(%gt3A_270) %while3A_262 : vector<16xi32>
        } do {
        ^bb0(%while3A_262: vector<16xi32>):
          %gt3A = arith.constant 0 : i32
          %gt3A_263 = vector.broadcast %gt3A : i32 to vector<16xi32>
          %gt3A_264 = arith.cmpi sgt, %while3A_262, %gt3A_263 : vector<16xi32>
          tpu.vector_store_idx %arg16[%get3A_192], %iota3A masked %gt3A_264 : memref<10000xi32, #tpu.memory_space<vmem>>[vector<16xi32>], vector<16xi32>, vector<16xi1>
          %gather3A_265 = tpu.vector_load_idx %arg16[%get3A_192] : memref<10000xi32, #tpu.memory_space<vmem>>[vector<16xi32>], vector<16xi32>,
          %eq3A_266 = arith.cmpi eq, %gather3A_265, %iota3A : vector<16xi32>
          %and3A_267 = arith.andi %gt3A_264, %eq3A_266 : vector<16xi1>
          %gather3A_268 = tpu.vector_load_idx %arg7[%get3A_194] : memref<10000xi32, #tpu.memory_space<vmem>>[vector<16xi32>], vector<16xi32>,
          %gather3A_269 = tpu.vector_load_idx %arg11[%get3A_192] : memref<10000xi32, #tpu.memory_space<vmem>>[vector<16xi32>], vector<16xi32>,
          %bitcast3A_270 = vector.bitcast %gather3A_268 : vector<16xi32> to vector<32xbf16>
          %bitcast3A_271 = vector.bitcast %gather3A_269 : vector<16xi32> to vector<32xbf16>
          %max3A_272 = arith.maximumf %bitcast3A_270, %bitcast3A_271 : vector<32xbf16>
          %bitcast3A_273 = vector.bitcast %max3A_272 : vector<32xbf16> to vector<16xi32>
          tpu.vector_store_idx %arg11[%get3A_192], %bitcast3A_273 masked %and3A_267 : memref<10000xi32, #tpu.memory_space<vmem>>[vector<16xi32>], vector<16xi32>, vector<16xi1>
          %gather3A_274 = tpu.vector_load_idx %arg8[%get3A_194] : memref<10000xi32, #tpu.memory_space<vmem>>[vector<16xi32>], vector<16xi32>,
          %gather3A_275 = tpu.vector_load_idx %arg12[%get3A_192] : memref<10000xi32, #tpu.memory_space<vmem>>[vector<16xi32>], vector<16xi32>,
          %bitcast3A_276 = vector.bitcast %gather3A_274 : vector<16xi32> to vector<32xbf16>
          %bitcast3A_277 = vector.bitcast %gather3A_275 : vector<16xi32> to vector<32xbf16>
          %max3A_278 = arith.maximumf %bitcast3A_276, %bitcast3A_277 : vector<32xbf16>
          %bitcast3A_279 = vector.bitcast %max3A_278 : vector<32xbf16> to vector<16xi32>
          tpu.vector_store_idx %arg12[%get3A_192], %bitcast3A_279 masked %and3A_267 : memref<10000xi32, #tpu.memory_space<vmem>>[vector<16xi32>], vector<16xi32>, vector<16xi1>
          %gather3A_280 = tpu.vector_load_idx %arg9[%get3A_194] : memref<10000xi32, #tpu.memory_space<vmem>>[vector<16xi32>], vector<16xi32>,
          %gather3A_281 = tpu.vector_load_idx %arg13[%get3A_192] : memref<10000xi32, #tpu.memory_space<vmem>>[vector<16xi32>], vector<16xi32>,
          %bitcast3A_282 = vector.bitcast %gather3A_280 : vector<16xi32> to vector<32xbf16>
          %bitcast3A_283 = vector.bitcast %gather3A_281 : vector<16xi32> to vector<32xbf16>
          %max3A_284 = arith.maximumf %bitcast3A_282, %bitcast3A_283 : vector<32xbf16>
          %bitcast3A_285 = vector.bitcast %max3A_284 : vector<32xbf16> to vector<16xi32>
          tpu.vector_store_idx %arg13[%get3A_192], %bitcast3A_285 masked %and3A_267 : memref<10000xi32, #tpu.memory_space<vmem>>[vector<16xi32>], vector<16xi32>, vector<16xi1>
          %gather3A_286 = tpu.vector_load_idx %arg10[%get3A_194] : memref<10000xi32, #tpu.memory_space<vmem>>[vector<16xi32>], vector<16xi32>,
          %gather3A_287 = tpu.vector_load_idx %arg14[%get3A_192] : memref<10000xi32, #tpu.memory_space<vmem>>[vector<16xi32>], vector<16xi32>,
          %bitcast3A_288 = vector.bitcast %gather3A_286 : vector<16xi32> to vector<32xbf16>
          %bitcast3A_289 = vector.bitcast %gather3A_287 : vector<16xi32> to vector<32xbf16>
          %max3A_290 = arith.maximumf %bitcast3A_288, %bitcast3A_289 : vector<32xbf16>
          %bitcast3A_291 = vector.bitcast %max3A_290 : vector<32xbf16> to vector<16xi32>
          tpu.vector_store_idx %arg14[%get3A_192], %bitcast3A_291 masked %and3A_267 : memref<10000xi32, #tpu.memory_space<vmem>>[vector<16xi32>], vector<16xi32>, vector<16xi1>
          %broadcast_in_dim3A_292 = arith.constant 0 : i32
          %broadcast_in_dim3A_293 = vector.broadcast %broadcast_in_dim3A_292 : i32 to vector<16xi32>
          %select_n3A_294 = arith.select %and3A_267, %broadcast_in_dim3A_293, %while3A_262 : vector<16xi1>, vector<16xi32>
          scf.yield %select_n3A_294 : vector<16xi32>
        }
      }
      %add3A_182 = arith.constant 2 : i32
      %add3A_183 = arith.addi %add3A_158, %add3A_182 : i32
      %lt3A_184 = arith.constant 20 : i32
      %lt3A_185 = arith.cmpi slt, %add3A_183, %lt3A_184 : i32
      %convert_element_type3A_186 = arith.extui %lt3A_185 : i1 to i32
      %cond3A_187 = arith.constant 0 : i32
      %cond3A_188 = arith.cmpi ne, %convert_element_type3A_186, %cond3A_187 : i32
      scf.if %cond3A_188 {
        %mul3A_189 = arith.constant 2000 : i32
        %mul3A_190 = arith.muli %add3A_183, %mul3A_189 : i32
        %add3A_191 = arith.addi %mul3A_32, %mul3A_190 : i32
        %dma_start3A_192 = arith.constant 1 : i32
        %dma_start3A_193 = arith.constant 0 : i32
        %dma_start3A_194 = tpu.memref_slice %arg3[%add3A_191] : memref<320000xi32, #tpu.memory_space<hbm>> -> memref<2000xi32, #tpu.memory_space<hbm>>
        %dma_start3A_195 = tpu.memref_slice %arg22[%dma_start3A_192, %dma_start3A_193] : memref<2x2x!tpu.dma_semaphore, #tpu.memory_space<semaphore_mem>> -> memref<1x1x!tpu.dma_semaphore, #tpu.memory_space<semaphore_mem>>
        %dma_start3A_196 = tpu.memref_squeeze %dma_start3A_195 : memref<1x1x!tpu.dma_semaphore, #tpu.memory_space<semaphore_mem>> -> memref<!tpu.dma_semaphore, #tpu.memory_space<semaphore_mem>>
        %dma_start3A_197 = tpu.memref_slice %arg3[%add3A_191] : memref<320000xi32, #tpu.memory_space<hbm>> -> memref<2000xi32, #tpu.memory_space<hbm>>
        tpu.enqueue_dma source(%dma_start3A_197 : memref<2000xi32, #tpu.memory_space<hbm>>) target(%arg20 : memref<2000xi32, #tpu.memory_space<vmem>>) target_semaphore(%dma_start3A_196 : memref<!tpu.dma_semaphore, #tpu.memory_space<semaphore_mem>>)
        %dma_start3A_198 = arith.constant 1 : i32
        %dma_start3A_199 = arith.constant 1 : i32
        %dma_start3A_200 = tpu.memref_slice %arg4[%add3A_191] : memref<320000xi32, #tpu.memory_space<hbm>> -> memref<2000xi32, #tpu.memory_space<hbm>>
        %dma_start3A_201 = tpu.memref_slice %arg22[%dma_start3A_198, %dma_start3A_199] : memref<2x2x!tpu.dma_semaphore, #tpu.memory_space<semaphore_mem>> -> memref<1x1x!tpu.dma_semaphore, #tpu.memory_space<semaphore_mem>>
        %dma_start3A_202 = tpu.memref_squeeze %dma_start3A_201 : memref<1x1x!tpu.dma_semaphore, #tpu.memory_space<semaphore_mem>> -> memref<!tpu.dma_semaphore, #tpu.memory_space<semaphore_mem>>
        %dma_start3A_203 = tpu.memref_slice %arg4[%add3A_191] : memref<320000xi32, #tpu.memory_space<hbm>> -> memref<2000xi32, #tpu.memory_space<hbm>>
        tpu.enqueue_dma source(%dma_start3A_203 : memref<2000xi32, #tpu.memory_space<hbm>>) target(%arg21 : memref<2000xi32, #tpu.memory_space<vmem>>) target_semaphore(%dma_start3A_202 : memref<!tpu.dma_semaphore, #tpu.memory_space<semaphore_mem>>)
      } else {
      }
    }
    %mul3A_102 = arith.constant 4 : i32
    %mul3A_103 = arith.muli %select_n3A, %mul3A_102 : i32
    %add3A_104 = arith.constant 0 : i32
    %add3A_105 = arith.addi %mul3A_103, %add3A_104 : i32
    "tpu.region"() ({
      %run_scoped3A = tpu.sem_alloc : memref<!tpu.dma_semaphore, #tpu.memory_space<semaphore_mem>>
      %dma_start3A_121 = arith.constant 0 : i32
      %dma_start3A_122 = tpu.memref_slice %arg5[%select_n3A_30, %add3A_105, %dma_start3A_121] : memref<8x16x10000xi32, #tpu.memory_space<hbm>> -> memref<1x1x10000xi32, #tpu.memory_space<hbm>>
      %dma_start3A_123 = tpu.memref_squeeze %dma_start3A_122 : memref<1x1x10000xi32, #tpu.memory_space<hbm>> -> memref<10000xi32, #tpu.memory_space<hbm>>
      %dma_start3A_124 = arith.constant 0 : i32
      %dma_start3A_125 = tpu.memref_slice %arg5[%select_n3A_30, %add3A_105, %dma_start3A_124] : memref<8x16x10000xi32, #tpu.memory_space<hbm>> -> memref<1x1x10000xi32, #tpu.memory_space<hbm>>
      %dma_start3A_126 = tpu.memref_squeeze %dma_start3A_125 : memref<1x1x10000xi32, #tpu.memory_space<hbm>> -> memref<10000xi32, #tpu.memory_space<hbm>>
      tpu.enqueue_dma source(%arg11 : memref<10000xi32, #tpu.memory_space<vmem>>) target(%dma_start3A_126 : memref<10000xi32, #tpu.memory_space<hbm>>) target_semaphore(%run_scoped3A : memref<!tpu.dma_semaphore, #tpu.memory_space<semaphore_mem>>)
      %dma_wait3A = arith.constant 0 : i32
      %dma_wait3A_127 = tpu.memref_slice %arg5[%select_n3A_30, %add3A_105, %dma_wait3A] : memref<8x16x10000xi32, #tpu.memory_space<hbm>> -> memref<1x1x10000xi32, #tpu.memory_space<hbm>>
      %dma_wait3A_128 = tpu.memref_squeeze %dma_wait3A_127 : memref<1x1x10000xi32, #tpu.memory_space<hbm>> -> memref<10000xi32, #tpu.memory_space<hbm>>
      %dma_wait3A_129 = arith.constant 0 : i32
      %dma_wait3A_130 = tpu.memref_slice %arg5[%select_n3A_30, %add3A_105, %dma_wait3A_129] : memref<8x16x10000xi32, #tpu.memory_space<hbm>> -> memref<1x1x10000xi32, #tpu.memory_space<hbm>>
      %dma_wait3A_131 = tpu.memref_squeeze %dma_wait3A_130 : memref<1x1x10000xi32, #tpu.memory_space<hbm>> -> memref<10000xi32, #tpu.memory_space<hbm>>
      tpu.wait_dma2 semaphore(%run_scoped3A : memref<!tpu.dma_semaphore, #tpu.memory_space<semaphore_mem>>) src(%arg11 : memref<10000xi32, #tpu.memory_space<vmem>>) dst(%dma_wait3A_131 : memref<10000xi32, #tpu.memory_space<hbm>>)
      tpu.yield
    }) : () -> ()
    %mul3A_106 = arith.constant 4 : i32
    %mul3A_107 = arith.muli %select_n3A, %mul3A_106 : i32
    %add3A_108 = arith.constant 1 : i32
    %add3A_109 = arith.addi %mul3A_107, %add3A_108 : i32
    "tpu.region"() ({
      %run_scoped3A = tpu.sem_alloc : memref<!tpu.dma_semaphore, #tpu.memory_space<semaphore_mem>>
      %dma_start3A_121 = arith.constant 0 : i32
      %dma_start3A_122 = tpu.memref_slice %arg5[%select_n3A_30, %add3A_109, %dma_start3A_121] : memref<8x16x10000xi32, #tpu.memory_space<hbm>> -> memref<1x1x10000xi32, #tpu.memory_space<hbm>>
      %dma_start3A_123 = tpu.memref_squeeze %dma_start3A_122 : memref<1x1x10000xi32, #tpu.memory_space<hbm>> -> memref<10000xi32, #tpu.memory_space<hbm>>
      %dma_start3A_124 = arith.constant 0 : i32
      %dma_start3A_125 = tpu.memref_slice %arg5[%select_n3A_30, %add3A_109, %dma_start3A_124] : memref<8x16x10000xi32, #tpu.memory_space<hbm>> -> memref<1x1x10000xi32, #tpu.memory_space<hbm>>
      %dma_start3A_126 = tpu.memref_squeeze %dma_start3A_125 : memref<1x1x10000xi32, #tpu.memory_space<hbm>> -> memref<10000xi32, #tpu.memory_space<hbm>>
      tpu.enqueue_dma source(%arg12 : memref<10000xi32, #tpu.memory_space<vmem>>) target(%dma_start3A_126 : memref<10000xi32, #tpu.memory_space<hbm>>) target_semaphore(%run_scoped3A : memref<!tpu.dma_semaphore, #tpu.memory_space<semaphore_mem>>)
      %dma_wait3A = arith.constant 0 : i32
      %dma_wait3A_127 = tpu.memref_slice %arg5[%select_n3A_30, %add3A_109, %dma_wait3A] : memref<8x16x10000xi32, #tpu.memory_space<hbm>> -> memref<1x1x10000xi32, #tpu.memory_space<hbm>>
      %dma_wait3A_128 = tpu.memref_squeeze %dma_wait3A_127 : memref<1x1x10000xi32, #tpu.memory_space<hbm>> -> memref<10000xi32, #tpu.memory_space<hbm>>
      %dma_wait3A_129 = arith.constant 0 : i32
      %dma_wait3A_130 = tpu.memref_slice %arg5[%select_n3A_30, %add3A_109, %dma_wait3A_129] : memref<8x16x10000xi32, #tpu.memory_space<hbm>> -> memref<1x1x10000xi32, #tpu.memory_space<hbm>>
      %dma_wait3A_131 = tpu.memref_squeeze %dma_wait3A_130 : memref<1x1x10000xi32, #tpu.memory_space<hbm>> -> memref<10000xi32, #tpu.memory_space<hbm>>
      tpu.wait_dma2 semaphore(%run_scoped3A : memref<!tpu.dma_semaphore, #tpu.memory_space<semaphore_mem>>) src(%arg12 : memref<10000xi32, #tpu.memory_space<vmem>>) dst(%dma_wait3A_131 : memref<10000xi32, #tpu.memory_space<hbm>>)
      tpu.yield
    }) : () -> ()
    %mul3A_110 = arith.constant 4 : i32
    %mul3A_111 = arith.muli %select_n3A, %mul3A_110 : i32
    %add3A_112 = arith.constant 2 : i32
    %add3A_113 = arith.addi %mul3A_111, %add3A_112 : i32
    "tpu.region"() ({
      %run_scoped3A = tpu.sem_alloc : memref<!tpu.dma_semaphore, #tpu.memory_space<semaphore_mem>>
      %dma_start3A_121 = arith.constant 0 : i32
      %dma_start3A_122 = tpu.memref_slice %arg5[%select_n3A_30, %add3A_113, %dma_start3A_121] : memref<8x16x10000xi32, #tpu.memory_space<hbm>> -> memref<1x1x10000xi32, #tpu.memory_space<hbm>>
      %dma_start3A_123 = tpu.memref_squeeze %dma_start3A_122 : memref<1x1x10000xi32, #tpu.memory_space<hbm>> -> memref<10000xi32, #tpu.memory_space<hbm>>
      %dma_start3A_124 = arith.constant 0 : i32
      %dma_start3A_125 = tpu.memref_slice %arg5[%select_n3A_30, %add3A_113, %dma_start3A_124] : memref<8x16x10000xi32, #tpu.memory_space<hbm>> -> memref<1x1x10000xi32, #tpu.memory_space<hbm>>
      %dma_start3A_126 = tpu.memref_squeeze %dma_start3A_125 : memref<1x1x10000xi32, #tpu.memory_space<hbm>> -> memref<10000xi32, #tpu.memory_space<hbm>>
      tpu.enqueue_dma source(%arg13 : memref<10000xi32, #tpu.memory_space<vmem>>) target(%dma_start3A_126 : memref<10000xi32, #tpu.memory_space<hbm>>) target_semaphore(%run_scoped3A : memref<!tpu.dma_semaphore, #tpu.memory_space<semaphore_mem>>)
      %dma_wait3A = arith.constant 0 : i32
      %dma_wait3A_127 = tpu.memref_slice %arg5[%select_n3A_30, %add3A_113, %dma_wait3A] : memref<8x16x10000xi32, #tpu.memory_space<hbm>> -> memref<1x1x10000xi32, #tpu.memory_space<hbm>>
      %dma_wait3A_128 = tpu.memref_squeeze %dma_wait3A_127 : memref<1x1x10000xi32, #tpu.memory_space<hbm>> -> memref<10000xi32, #tpu.memory_space<hbm>>
      %dma_wait3A_129 = arith.constant 0 : i32
      %dma_wait3A_130 = tpu.memref_slice %arg5[%select_n3A_30, %add3A_113, %dma_wait3A_129] : memref<8x16x10000xi32, #tpu.memory_space<hbm>> -> memref<1x1x10000xi32, #tpu.memory_space<hbm>>
      %dma_wait3A_131 = tpu.memref_squeeze %dma_wait3A_130 : memref<1x1x10000xi32, #tpu.memory_space<hbm>> -> memref<10000xi32, #tpu.memory_space<hbm>>
      tpu.wait_dma2 semaphore(%run_scoped3A : memref<!tpu.dma_semaphore, #tpu.memory_space<semaphore_mem>>) src(%arg13 : memref<10000xi32, #tpu.memory_space<vmem>>) dst(%dma_wait3A_131 : memref<10000xi32, #tpu.memory_space<hbm>>)
      tpu.yield
    }) : () -> ()
    %mul3A_114 = arith.constant 4 : i32
    %mul3A_115 = arith.muli %select_n3A, %mul3A_114 : i32
    %add3A_116 = arith.constant 3 : i32
    %add3A_117 = arith.addi %mul3A_115, %add3A_116 : i32
    "tpu.region"() ({
      %run_scoped3A = tpu.sem_alloc : memref<!tpu.dma_semaphore, #tpu.memory_space<semaphore_mem>>
      %dma_start3A_121 = arith.constant 0 : i32
      %dma_start3A_122 = tpu.memref_slice %arg5[%select_n3A_30, %add3A_117, %dma_start3A_121] : memref<8x16x10000xi32, #tpu.memory_space<hbm>> -> memref<1x1x10000xi32, #tpu.memory_space<hbm>>
      %dma_start3A_123 = tpu.memref_squeeze %dma_start3A_122 : memref<1x1x10000xi32, #tpu.memory_space<hbm>> -> memref<10000xi32, #tpu.memory_space<hbm>>
      %dma_start3A_124 = arith.constant 0 : i32
      %dma_start3A_125 = tpu.memref_slice %arg5[%select_n3A_30, %add3A_117, %dma_start3A_124] : memref<8x16x10000xi32, #tpu.memory_space<hbm>> -> memref<1x1x10000xi32, #tpu.memory_space<hbm>>
      %dma_start3A_126 = tpu.memref_squeeze %dma_start3A_125 : memref<1x1x10000xi32, #tpu.memory_space<hbm>> -> memref<10000xi32, #tpu.memory_space<hbm>>
      tpu.enqueue_dma source(%arg14 : memref<10000xi32, #tpu.memory_space<vmem>>) target(%dma_start3A_126 : memref<10000xi32, #tpu.memory_space<hbm>>) target_semaphore(%run_scoped3A : memref<!tpu.dma_semaphore, #tpu.memory_space<semaphore_mem>>)
      %dma_wait3A = arith.constant 0 : i32
      %dma_wait3A_127 = tpu.memref_slice %arg5[%select_n3A_30, %add3A_117, %dma_wait3A] : memref<8x16x10000xi32, #tpu.memory_space<hbm>> -> memref<1x1x10000xi32, #tpu.memory_space<hbm>>
      %dma_wait3A_128 = tpu.memref_squeeze %dma_wait3A_127 : memref<1x1x10000xi32, #tpu.memory_space<hbm>> -> memref<10000xi32, #tpu.memory_space<hbm>>
      %dma_wait3A_129 = arith.constant 0 : i32
      %dma_wait3A_130 = tpu.memref_slice %arg5[%select_n3A_30, %add3A_117, %dma_wait3A_129] : memref<8x16x10000xi32, #tpu.memory_space<hbm>> -> memref<1x1x10000xi32, #tpu.memory_space<hbm>>
      %dma_wait3A_131 = tpu.memref_squeeze %dma_wait3A_130 : memref<1x1x10000xi32, #tpu.memory_space<hbm>> -> memref<10000xi32, #tpu.memory_space<hbm>>
      tpu.wait_dma2 semaphore(%run_scoped3A : memref<!tpu.dma_semaphore, #tpu.memory_space<semaphore_mem>>) src(%arg14 : memref<10000xi32, #tpu.memory_space<vmem>>) dst(%dma_wait3A_131 : memref<10000xi32, #tpu.memory_space<hbm>>)
      tpu.yield
    }) : () -> ()
    %eq3A_118 = arith.constant 0 : i32
    %eq3A_119 = arith.cmpi eq, %select_n3A, %eq3A_118 : i32
    %convert_element_type3A = arith.extui %eq3A_119 : i1 to i32
    %cond3A = arith.constant 0 : i32
    %cond3A_120 = arith.cmpi ne, %convert_element_type3A, %cond3A : i32
    scf.if %cond3A_120 {
      "tpu.region"() ({
        %run_scoped3A = tpu.sem_alloc : memref<!tpu.dma_semaphore, #tpu.memory_space<semaphore_mem>>
        %dma_start3A_121 = arith.constant 0 : i32
        %dma_start3A_122 = tpu.memref_slice %arg6[%select_n3A_30, %dma_start3A_121] : memref<8x10000xi32, #tpu.memory_space<hbm>> -> memref<1x10000xi32, #tpu.memory_space<hbm>>
        %dma_start3A_123 = tpu.memref_squeeze %dma_start3A_122 : memref<1x10000xi32, #tpu.memory_space<hbm>> -> memref<10000xi32, #tpu.memory_space<hbm>>
        %dma_start3A_124 = arith.constant 0 : i32
        %dma_start3A_125 = tpu.memref_slice %arg6[%select_n3A_30, %dma_start3A_124] : memref<8x10000xi32, #tpu.memory_space<hbm>> -> memref<1x10000xi32, #tpu.memory_space<hbm>>
        %dma_start3A_126 = tpu.memref_squeeze %dma_start3A_125 : memref<1x10000xi32, #tpu.memory_space<hbm>> -> memref<10000xi32, #tpu.memory_space<hbm>>
        tpu.enqueue_dma source(%arg17 : memref<10000xi32, #tpu.memory_space<vmem>>) target(%dma_start3A_126 : memref<10000xi32, #tpu.memory_space<hbm>>) target_semaphore(%run_scoped3A : memref<!tpu.dma_semaphore, #tpu.memory_space<semaphore_mem>>)
        %dma_wait3A = arith.constant 0 : i32
        %dma_wait3A_127 = tpu.memref_slice %arg6[%select_n3A_30, %dma_wait3A] : memref<8x10000xi32, #tpu.memory_space<hbm>> -> memref<1x10000xi32, #tpu.memory_space<hbm>>
        %dma_wait3A_128 = tpu.memref_squeeze %dma_wait3A_127 : memref<1x10000xi32, #tpu.memory_space<hbm>> -> memref<10000xi32, #tpu.memory_space<hbm>>
        %dma_wait3A_129 = arith.constant 0 : i32
        %dma_wait3A_130 = tpu.memref_slice %arg6[%select_n3A_30, %dma_wait3A_129] : memref<8x10000xi32, #tpu.memory_space<hbm>> -> memref<1x10000xi32, #tpu.memory_space<hbm>>
        %dma_wait3A_131 = tpu.memref_squeeze %dma_wait3A_130 : memref<1x10000xi32, #tpu.memory_space<hbm>> -> memref<10000xi32, #tpu.memory_space<hbm>>
        tpu.wait_dma2 semaphore(%run_scoped3A : memref<!tpu.dma_semaphore, #tpu.memory_space<semaphore_mem>>) src(%arg17 : memref<10000xi32, #tpu.memory_space<vmem>>) dst(%dma_wait3A_131 : memref<10000xi32, #tpu.memory_space<hbm>>)
        tpu.yield
      }) : () -> ()
    } else {
    }
    return
  }
}

module attributes {stable_mosaic.version = 14 : i64} {
  func.func @_front_body(%arg0: memref<10000x128xf32, #tpu.memory_space<vmem>>, %arg1: memref<128x32xf32, #tpu.memory_space<vmem>>, %arg2: memref<1x32xf32, #tpu.memory_space<vmem>>, %arg3: memref<32x16xf32, #tpu.memory_space<vmem>>, %arg4: memref<32x16xf32, #tpu.memory_space<vmem>>, %arg5: memref<16x1xf32, #tpu.memory_space<vmem>>, %arg6: memref<16x1xf32, #tpu.memory_space<vmem>>, %arg7: memref<10000x32xf32, #tpu.memory_space<vmem>>, %arg8: memref<16x10000xi32, #tpu.memory_space<vmem>>) attributes {dimension_semantics = [], scalar_prefetch = 0 : i64, scratch_operands = 0 : i64, tpu.core_type = #tpu.core_type<tc>} {
    %get3A = arith.constant 0 : index
    %get3A_0 = arith.constant 0 : index
    %get3A_1 = vector.load %arg0[%get3A, %get3A_0] : memref<10000x128xf32, #tpu.memory_space<vmem>>, vector<10000x128xf32>
    %get3A_2 = arith.constant 0 : index
    %get3A_3 = arith.constant 0 : index
    %get3A_4 = vector.load %arg1[%get3A_2, %get3A_3] : memref<128x32xf32, #tpu.memory_space<vmem>>, vector<128x32xf32>
    %dot_general3A = arith.constant dense<0.000000e+00> : vector<10000x32xf32>
    %dot_general3A_5 = tpu.matmul %get3A_1, %get3A_4, %dot_general3A {dimension_numbers = #tpu.dot_dimension_numbers<[1], [0], [0], [1], [0, 0, 1, 1], [], []>, transpose_lhs_hint = false} : vector<10000x128xf32>, vector<128x32xf32>, vector<10000x32xf32> -> vector<10000x32xf32>
    %get3A_6 = arith.constant 0 : index
    %get3A_7 = arith.constant 0 : index
    %get3A_8 = vector.load %arg2[%get3A_6, %get3A_7] : memref<1x32xf32, #tpu.memory_space<vmem>>, vector<1x32xf32>
    %add3A = vector.broadcast %get3A_8 : vector<1x32xf32> to vector<10000x32xf32>
    %add3A_9 = arith.addf %dot_general3A_5, %add3A : vector<10000x32xf32>
    %swap3A = arith.constant 0 : index
    %swap3A_10 = arith.constant 0 : index
    %swap3A_11 = vector.load %arg7[%swap3A, %swap3A_10] : memref<10000x32xf32, #tpu.memory_space<vmem>>, vector<10000x32xf32>
    tpu.vector_store %arg7[%swap3A, %swap3A_10], %add3A_9 {strides = array<i32>} : memref<10000x32xf32, #tpu.memory_space<vmem>>, vector<10000x32xf32>,
    %get3A_12 = arith.constant 0 : index
    %get3A_13 = arith.constant 0 : index
    %get3A_14 = vector.load %arg3[%get3A_12, %get3A_13] : memref<32x16xf32, #tpu.memory_space<vmem>>, vector<32x16xf32>
    %dot_general3A_15 = arith.constant dense<0.000000e+00> : vector<16x10000xf32>
    %dot_general3A_16 = tpu.matmul %get3A_14, %add3A_9, %dot_general3A_15 {dimension_numbers = #tpu.dot_dimension_numbers<[0], [1], [1], [0], [0, 1, 1, 0], [], []>, transpose_lhs_hint = false} : vector<32x16xf32>, vector<10000x32xf32>, vector<16x10000xf32> -> vector<16x10000xf32>
    %get3A_17 = arith.constant 0 : index
    %get3A_18 = arith.constant 0 : index
    %get3A_19 = vector.load %arg5[%get3A_17, %get3A_18] : memref<16x1xf32, #tpu.memory_space<vmem>>, vector<16x1xf32>
    %add3A_20 = vector.broadcast %get3A_19 : vector<16x1xf32> to vector<16x10000xf32>
    %add3A_21 = arith.addf %dot_general3A_16, %add3A_20 : vector<16x10000xf32>
    %get3A_22 = arith.constant 0 : index
    %get3A_23 = arith.constant 0 : index
    %get3A_24 = vector.load %arg4[%get3A_22, %get3A_23] : memref<32x16xf32, #tpu.memory_space<vmem>>, vector<32x16xf32>
    %dot_general3A_25 = arith.constant dense<0.000000e+00> : vector<16x10000xf32>
    %dot_general3A_26 = tpu.matmul %get3A_24, %add3A_9, %dot_general3A_25 {dimension_numbers = #tpu.dot_dimension_numbers<[0], [1], [1], [0], [0, 1, 1, 0], [], []>, transpose_lhs_hint = false} : vector<32x16xf32>, vector<10000x32xf32>, vector<16x10000xf32> -> vector<16x10000xf32>
    %get3A_27 = arith.constant 0 : index
    %get3A_28 = arith.constant 0 : index
    %get3A_29 = vector.load %arg6[%get3A_27, %get3A_28] : memref<16x1xf32, #tpu.memory_space<vmem>>, vector<16x1xf32>
    %add3A_30 = vector.broadcast %get3A_29 : vector<16x1xf32> to vector<16x10000xf32>
    %add3A_31 = arith.addf %dot_general3A_26, %add3A_30 : vector<16x10000xf32>
    %neg3A = arith.constant 0.000000e+00 : f32
    %neg3A_32 = vector.broadcast %neg3A : f32 to vector<16x10000xf32>
    %neg3A_33 = arith.subf %neg3A_32, %add3A_21 : vector<16x10000xf32>
    %exp3A = math.exp %neg3A_33 : vector<16x10000xf32>
    %add3A_34 = arith.constant 1.000000e+00 : f32
    %add3A_35 = vector.broadcast %add3A_34 : f32 to vector<16x10000xf32>
    %add3A_36 = arith.addf %add3A_35, %exp3A : vector<16x10000xf32>
    %div3A = arith.constant 1.000000e+00 : f32
    %div3A_37 = vector.broadcast %div3A : f32 to vector<16x10000xf32>
    %div3A_38 = arith.divf %div3A_37, %add3A_36 : vector<16x10000xf32>
    %neg3A_39 = arith.constant 0.000000e+00 : f32
    %neg3A_40 = vector.broadcast %neg3A_39 : f32 to vector<16x10000xf32>
    %neg3A_41 = arith.subf %neg3A_40, %add3A_31 : vector<16x10000xf32>
    %exp3A_42 = math.exp %neg3A_41 : vector<16x10000xf32>
    %add3A_43 = arith.constant 1.000000e+00 : f32
    %add3A_44 = vector.broadcast %add3A_43 : f32 to vector<16x10000xf32>
    %add3A_45 = arith.addf %add3A_44, %exp3A_42 : vector<16x10000xf32>
    %div3A_46 = arith.constant 1.000000e+00 : f32
    %div3A_47 = vector.broadcast %div3A_46 : f32 to vector<16x10000xf32>
    %div3A_48 = arith.divf %div3A_47, %add3A_45 : vector<16x10000xf32>
    %convert_element_type3A = arith.truncf %div3A_38 : vector<16x10000xf32> to vector<16x10000xbf16>
    %bitcast_convert_type3A = tpu.bitcast %convert_element_type3A : vector<16x10000xbf16> -> vector<16x10000xi16>
    %convert_element_type3A_49 = arith.truncf %div3A_48 : vector<16x10000xf32> to vector<16x10000xbf16>
    %bitcast_convert_type3A_50 = tpu.bitcast %convert_element_type3A_49 : vector<16x10000xbf16> -> vector<16x10000xi16>
    %convert_element_type3A_51 = arith.extui %bitcast_convert_type3A : vector<16x10000xi16> to vector<16x10000xi32>
    %convert_element_type3A_52 = arith.extui %bitcast_convert_type3A_50 : vector<16x10000xi16> to vector<16x10000xi32>
    %shift_left3A = arith.constant 16 : i32
    %shift_left3A_53 = vector.broadcast %shift_left3A : i32 to vector<16x10000xi32>
    %shift_left3A_54 = arith.shli %convert_element_type3A_52, %shift_left3A_53 : vector<16x10000xi32>
    %or3A = arith.ori %convert_element_type3A_51, %shift_left3A_54 : vector<16x10000xi32>
    %bitcast_convert_type3A_55 = tpu.bitcast %or3A : vector<16x10000xi32> -> vector<16x10000xi32>
    %swap3A_56 = arith.constant 0 : index
    %swap3A_57 = arith.constant 0 : index
    %swap3A_58 = vector.load %arg8[%swap3A_56, %swap3A_57] : memref<16x10000xi32, #tpu.memory_space<vmem>>, vector<16x10000xi32>
    tpu.vector_store %arg8[%swap3A_56, %swap3A_57], %bitcast_convert_type3A_55 {strides = array<i32>} : memref<16x10000xi32, #tpu.memory_space<vmem>>, vector<16x10000xi32>,
    return
  }
}

module attributes {stable_mosaic.version = 14 : i64} {
  func.func @_back_body(%arg0: memref<10000x32xf32, #tpu.memory_space<vmem>>, %arg1: memref<8x16x10000xi32, #tpu.memory_space<vmem>>, %arg2: memref<8x10000xi32, #tpu.memory_space<vmem>>, %arg3: memref<32x32xf32, #tpu.memory_space<vmem>>, %arg4: memref<16x32xf32, #tpu.memory_space<vmem>>, %arg5: memref<16x32xf32, #tpu.memory_space<vmem>>, %arg6: memref<1x32xf32, #tpu.memory_space<vmem>>, %arg7: memref<10000x32xf32, #tpu.memory_space<vmem>>) attributes {dimension_semantics = [], scalar_prefetch = 0 : i64, scratch_operands = 0 : i64, tpu.core_type = #tpu.core_type<tc>} {
    %get3A = arith.constant 0 : index
    %get3A_0 = arith.constant 0 : index
    %get3A_1 = arith.constant 0 : index
    %get3A_2 = vector.load %arg1[%get3A, %get3A_0, %get3A_1] : memref<8x16x10000xi32, #tpu.memory_space<vmem>>, vector<8x16x10000xi32>
    %bitcast_convert_type3A = tpu.bitcast %get3A_2 : vector<8x16x10000xi32> -> vector<8x16x10000xi32>
    %shift_left3A = arith.constant 16 : i32
    %shift_left3A_3 = vector.broadcast %shift_left3A : i32 to vector<8x16x10000xi32>
    %shift_left3A_4 = arith.shli %bitcast_convert_type3A, %shift_left3A_3 : vector<8x16x10000xi32>
    %bitcast_convert_type3A_5 = tpu.bitcast %shift_left3A_4 : vector<8x16x10000xi32> -> vector<8x16x10000xf32>
    %and3A = arith.constant -65536 : i32
    %and3A_6 = vector.broadcast %and3A : i32 to vector<8x16x10000xi32>
    %and3A_7 = arith.andi %bitcast_convert_type3A, %and3A_6 : vector<8x16x10000xi32>
    %bitcast_convert_type3A_8 = tpu.bitcast %and3A_7 : vector<8x16x10000xi32> -> vector<8x16x10000xf32>
    %reduce_max3A = arith.constant dense<0xFF800000> : vector<16x10000xf32>
    %reduce_max3A_9 = vector.multi_reduction <maximumf>, %bitcast_convert_type3A_5, %reduce_max3A [0] : vector<8x16x10000xf32> to vector<16x10000xf32>
    %reduce_max3A_10 = arith.constant dense<0xFF800000> : vector<16x10000xf32>
    %reduce_max3A_11 = vector.multi_reduction <maximumf>, %bitcast_convert_type3A_8, %reduce_max3A_10 [0] : vector<8x16x10000xf32> to vector<16x10000xf32>
    %get3A_12 = arith.constant 0 : index
    %get3A_13 = arith.constant 0 : index
    %get3A_14 = vector.load %arg2[%get3A_12, %get3A_13] : memref<8x10000xi32, #tpu.memory_space<vmem>>, vector<8x10000xi32>
    %reduce_sum3A = arith.constant dense<0> : vector<10000xi32>
    %reduce_sum3A_15 = vector.multi_reduction <add>, %get3A_14, %reduce_sum3A [0] : vector<8x10000xi32> to vector<10000xi32>
    %gt3A = arith.constant 1 : i32
    %gt3A_16 = vector.broadcast %gt3A : i32 to vector<10000xi32>
    %gt3A_17 = arith.cmpi sgt, %reduce_sum3A_15, %gt3A_16 : vector<10000xi32>
    %broadcast_in_dim3A = vector.shape_cast %gt3A_17 : vector<10000xi1> to vector<1x10000xi1>
    %jit3A = arith.constant 0.000000e+00 : f64
    %convert_element_type3A = arith.truncf %jit3A : f64 to f32
    %broadcast_in_dim3A_18 = vector.shape_cast %broadcast_in_dim3A : vector<1x10000xi1> to vector<1x10000xi1>
    %broadcast_in_dim3A_19 = vector.broadcast %broadcast_in_dim3A_18 : vector<1x10000xi1> to vector<16x10000xi1>
    %broadcast_in_dim3A_20 = vector.broadcast %convert_element_type3A : f32 to vector<16x10000xf32>
    %select_n3A = arith.select %broadcast_in_dim3A_19, %reduce_max3A_9, %broadcast_in_dim3A_20 : vector<16x10000xi1>, vector<16x10000xf32>
    %jit3A_21 = arith.constant 0.000000e+00 : f64
    %convert_element_type3A_22 = arith.truncf %jit3A_21 : f64 to f32
    %broadcast_in_dim3A_23 = vector.shape_cast %broadcast_in_dim3A : vector<1x10000xi1> to vector<1x10000xi1>
    %broadcast_in_dim3A_24 = vector.broadcast %broadcast_in_dim3A_23 : vector<1x10000xi1> to vector<16x10000xi1>
    %broadcast_in_dim3A_25 = vector.broadcast %convert_element_type3A_22 : f32 to vector<16x10000xf32>
    %select_n3A_26 = arith.select %broadcast_in_dim3A_24, %reduce_max3A_11, %broadcast_in_dim3A_25 : vector<16x10000xi1>, vector<16x10000xf32>
    %get3A_27 = arith.constant 0 : index
    %get3A_28 = arith.constant 0 : index
    %get3A_29 = vector.load %arg0[%get3A_27, %get3A_28] : memref<10000x32xf32, #tpu.memory_space<vmem>>, vector<10000x32xf32>
    %get3A_30 = arith.constant 0 : index
    %get3A_31 = arith.constant 0 : index
    %get3A_32 = vector.load %arg3[%get3A_30, %get3A_31] : memref<32x32xf32, #tpu.memory_space<vmem>>, vector<32x32xf32>
    %dot_general3A = arith.constant dense<0.000000e+00> : vector<10000x32xf32>
    %dot_general3A_33 = tpu.matmul %get3A_29, %get3A_32, %dot_general3A {dimension_numbers = #tpu.dot_dimension_numbers<[1], [0], [0], [1], [0, 0, 1, 1], [], []>, transpose_lhs_hint = false} : vector<10000x32xf32>, vector<32x32xf32>, vector<10000x32xf32> -> vector<10000x32xf32>
    %get3A_34 = arith.constant 0 : index
    %get3A_35 = arith.constant 0 : index
    %get3A_36 = vector.load %arg4[%get3A_34, %get3A_35] : memref<16x32xf32, #tpu.memory_space<vmem>>, vector<16x32xf32>
    %dot_general3A_37 = arith.constant dense<0.000000e+00> : vector<10000x32xf32>
    %dot_general3A_38 = tpu.matmul %select_n3A, %get3A_36, %dot_general3A_37 {dimension_numbers = #tpu.dot_dimension_numbers<[0], [0], [1], [1], [0, 1, 1, 1], [], []>, transpose_lhs_hint = false} : vector<16x10000xf32>, vector<16x32xf32>, vector<10000x32xf32> -> vector<10000x32xf32>
    %add3A = arith.addf %dot_general3A_33, %dot_general3A_38 : vector<10000x32xf32>
    %get3A_39 = arith.constant 0 : index
    %get3A_40 = arith.constant 0 : index
    %get3A_41 = vector.load %arg5[%get3A_39, %get3A_40] : memref<16x32xf32, #tpu.memory_space<vmem>>, vector<16x32xf32>
    %dot_general3A_42 = arith.constant dense<0.000000e+00> : vector<10000x32xf32>
    %dot_general3A_43 = tpu.matmul %select_n3A_26, %get3A_41, %dot_general3A_42 {dimension_numbers = #tpu.dot_dimension_numbers<[0], [0], [1], [1], [0, 1, 1, 1], [], []>, transpose_lhs_hint = false} : vector<16x10000xf32>, vector<16x32xf32>, vector<10000x32xf32> -> vector<10000x32xf32>
    %add3A_44 = arith.addf %add3A, %dot_general3A_43 : vector<10000x32xf32>
    %get3A_45 = arith.constant 0 : index
    %get3A_46 = arith.constant 0 : index
    %get3A_47 = vector.load %arg6[%get3A_45, %get3A_46] : memref<1x32xf32, #tpu.memory_space<vmem>>, vector<1x32xf32>
    %add3A_48 = vector.broadcast %get3A_47 : vector<1x32xf32> to vector<10000x32xf32>
    %add3A_49 = arith.addf %add3A_44, %add3A_48 : vector<10000x32xf32>
    %swap3A = arith.constant 0 : index
    %swap3A_50 = arith.constant 0 : index
    %swap3A_51 = vector.load %arg7[%swap3A, %swap3A_50] : memref<10000x32xf32, #tpu.memory_space<vmem>>, vector<10000x32xf32>
    tpu.vector_store %arg7[%swap3A, %swap3A_50], %add3A_49 {strides = array<i32>} : memref<10000x32xf32, #tpu.memory_space<vmem>>, vector<10000x32xf32>,
    return
  }
}

</mosaic_0001>

<sc_bundles>
// kernel: kernel.5.cloned.1.call-start
scs
__scs_entry_jumppad:
0x0: {  	(pc) =	sbr.rel $0x88, $3  }
0x1: {  	(tag) =	ssettag $0x0;
	lr =	simm.s32 $0x1  }
0x2: {  	[smem:$0x3F98] =	sst lr;
	_ =	strace $0xD0000000  }
0x3: {  	_ = 	snop  }
0x4: {  	_ = 	snop  }
0x5: {  	_ = 	snop  }
0x6: {  	_ = 	snop  }
0x7: {  	_ = 	snop  }
__scs_overlays_trampoline_lowered:
0x8: {  	[smem:$0x3FA7] =	sst s0  }
0x9: {  	[smem:$0x3FA8] =	sst s1  }
0xa: {  	[smem:$0x3FA9] =	sst s2  }
0xb: {  	[smem:$0x3FAA] =	sst s3  }
0xc: {  	[smem:$0x3FAB] =	sst s4  }
0xd: {  	[smem:$0x3FAC] =	sst s5  }
0xe: {  	[smem:$0x3FAD] =	sst s6  }
0xf: {  	[smem:$0x3FAE] =	sst s7  }
0x10: {  	[smem:$0x3FAF] =	sst s8  }
0x11: {  	[smem:$0x3FB0] =	sst s9;
	s0 =	simm.s32 @!p0 $0x0  }
0x12: {  	s1 =	sld [smem:$0x3F96];
	s0 =	simm.s32 @p0 $0x1  }
0x13: {  	[smem:$0x3FB1] =	sst s0;
	s0 =	simm.s32 @!p1 $0x0  }
0x14: {  	s2 =	sld [smem:$0x3F95];
	s0 =	simm.s32 @p1 $0x1  }
0x15: {  	[smem:$0x3FB2] =	sst s0;
	s0 =	simm.s32 @!p2 $0x0  }
0x16: {  	s3 =	sld [smem:$0x3FDB];
	s0 =	simm.s32 @p2 $0x1  }
0x17: {  	s4 =	simm.s32 $0x1BF5;
	[smem:$0x3FB4] =	sst s0  }
0x18: {  	s0 =	sld [smem:$0x3F97];
	_ =	swait.ge [sflag:s4], $0x0  }
0x19: {  	s7 =	sld [smem:$0x3F98]  }
0x1a: {  	s8 =	sadd.s32 $0xFFFFE003, lr  }
0x1b: {  	s9 =	sadd.s32 $0xFFFFFEF7, lr;
	s5 =	simm.s32 $0xFFFFFFFF;
	p2 =	slt.u32 s8, $0xFFFFF086  }
0x1c: {  	p1 =	slt.u32 s9, $0xF7A;
	s5 =	simm.s32 @!p2 $0x0  }
0x1d: {  	s5 =	simm.s32 @p1 $0x1;
	p0 =	seq.s32 s7, s2  }
0x1e: {  	s7 =	smul.u32 @!p0 $0xF7A, s2;
	p2 =	seq.s32 @!p0 s5, $0x0  }
0x1f: {  	s9 =	smul.u32 $0xF7A, s1;
	s8 =	simm.s32 @!p0 $0x1BF5;
	p2 =	por !p2, p0  }
0x20: {  	[sflag:s8] =	ssyncset.s32 @!p0 $0xFFFFF086;
	s6 =	sadd.s32 @!p0 s3, s7;
	s7 =	simm.s32 @!p0 $0x108  }
0x21: {  	s3 =	sadd.s32 s3, s9;
	s6 =	sadd.s32 @!p0 $0x88, s6;
	s7 =	simm.s32 @p2 $0x1082  }
0x22: {  	[simem:s7], [sflag:s8] =	dma.local @!p0 [hbm:s6], $0xF7A  }
0x23: {  	s9 =	sor.u32 $0xD0000000, s2;
	s6 =	simm.s32 $0x108;
	_ =	swait.ge @!p0 [sflag:s8], $0x0  }
0x24: {  	s3 =	sadd.s32 $0x88, s3;
	s6 =	simm.s32 @!p1 $0x1082;
	[sflag:s4] =	ssyncset.s32 $0xFFFFF086  }
0x25: {  	[simem:s6], [sflag:s4] =	dma.local [hbm:s3], $0xF7A  }
0x26: {  	[smem:$0x3F98] =	sst s1;
	(tag) =	ssettag s2;
	_ =	strace s9  }
0x27: {  	s1 =	sld [smem:$0x3FA8]  }
0x28: {  	s2 =	sld [smem:$0x3FA9]  }
0x29: {  	s4 =	sld [smem:$0x3FAB]  }
0x2a: {  	p0 =	seq.s32 s5, $0x0;
	s5 =	sld [smem:$0x3FAC]  }
0x2b: {  	s6 =	sld [smem:$0x3FAD]  }
0x2c: {  	s7 =	sld [smem:$0x3FAE]  }
0x2d: {  	s3 =	simm.s32 $0x108;
	s8 =	sld [smem:$0x3FAF]  }
0x2e: {  	s3 =	simm.s32 @!p0 $0x1082;
	s9 =	sld [smem:$0x3FB0]  }
0x2f: {  	lr =	sadd.s32 s0, s3;
	s0 =	sld [smem:$0x3FA7]  }
0x30: {  	s3 =	sld [smem:$0x3FAA]  }
0x31: {  	[smem:$0x3FB3] =	sst s10  }
0x32: {  	s10 =	sld [smem:$0x3FB1];
	_ =	sdelay $0x3  }
0x33: {  	p0 =	seq.s32 s10, $0x1;
	s10 =	sld [smem:$0x3FB3];
	_ =	sdelay $0x3  }
0x34: {  	[smem:$0x3FB3] =	sst s10  }
0x35: {  	s10 =	sld [smem:$0x3FB2];
	_ =	sdelay $0x3  }
0x36: {  	p1 =	seq.s32 s10, $0x1;
	s10 =	sld [smem:$0x3FB3];
	_ =	sdelay $0x3  }
0x37: {  	[smem:$0x3FB3] =	sst s10  }
0x38: {  	s10 =	sld [smem:$0x3FB4]  }
0x39: {  	_ = 	snop;
	(pc) =	sbr.ind lr, $3  }
0x3a: {  	_ = 	snop  }
0x3b: {  	_ = 	snop  }
0x3c: {  	p2 =	seq.s32 s10, $0x1;
	s10 =	sld [smem:$0x3FB3]  }
0x3d: {  	_ =	shalt  }
0x3e: {  	_ =	shalt  }
0x3f: {  	_ =	shalt  }
0x40: {  	_ =	shalt  }
0x41: {  	_ =	shalt  }
0x42: {  	_ =	shalt  }
0x43: {  	_ =	shalt  }
0x44: {  	_ =	shalt  }
0x45: {  	_ =	shalt  }
0x46: {  	_ =	shalt  }
0x47: {  	_ =	shalt  }
0x48: {  	_ =	shalt  }
0x49: {  	_ =	shalt  }
0x4a: {  	_ =	shalt  }
0x4b: {  	_ =	shalt  }
0x4c: {  	_ =	shalt  }
0x4d: {  	_ =	shalt  }
0x4e: {  	_ =	shalt  }
0x4f: {  	_ =	shalt  }
0x50: {  	_ =	shalt  }
0x51: {  	_ =	shalt  }
0x52: {  	_ =	shalt  }
0x53: {  	_ =	shalt  }
0x54: {  	_ =	shalt  }
0x55: {  	_ =	shalt  }
0x56: {  	_ =	shalt  }
0x57: {  	_ =	shalt  }
0x58: {  	_ =	shalt  }
0x59: {  	_ =	shalt  }
0x5a: {  	_ =	shalt  }
0x5b: {  	_ =	shalt  }
0x5c: {  	_ =	shalt  }
0x5d: {  	_ =	shalt  }
0x5e: {  	_ =	shalt  }
0x5f: {  	_ =	shalt  }
0x60: {  	_ =	shalt  }
0x61: {  	_ =	shalt  }
0x62: {  	_ =	shalt  }
0x63: {  	_ =	shalt  }
0x64: {  	_ =	shalt  }
0x65: {  	_ =	shalt  }
0x66: {  	_ =	shalt  }
0x67: {  	_ =	shalt  }
0x68: {  	_ =	shalt  }
0x69: {  	_ =	shalt  }
0x6a: {  	_ =	shalt  }
0x6b: {  	_ =	shalt  }
0x6c: {  	_ =	shalt  }
0x6d: {  	_ =	shalt  }
0x6e: {  	_ =	shalt  }
0x6f: {  	_ =	shalt  }
0x70: {  	_ =	shalt  }
0x71: {  	_ =	shalt  }
0x72: {  	_ =	shalt  }
0x73: {  	_ =	shalt  }
0x74: {  	_ =	shalt  }
0x75: {  	_ =	shalt  }
0x76: {  	_ =	shalt  }
0x77: {  	_ =	shalt  }
0x78: {  	_ =	shalt  }
0x79: {  	_ =	shalt  }
0x7a: {  	_ =	shalt  }
0x7b: {  	_ =	shalt  }
0x7c: {  	_ =	shalt  }
0x7d: {  	_ =	shalt  }
0x7e: {  	_ =	shalt  }
0x7f: {  	_ =	shalt  }
0x80: {  	_ =	shalt  }
0x81: {  	_ =	shalt  }
0x82: {  	_ =	shalt  }
0x83: {  	_ =	shalt  }
0x84: {  	_ =	shalt  }
0x85: {  	_ =	shalt  }
0x86: {  	_ =	shalt  }
0x87: {  	_ =	shalt  }
.Lfunc_end0:
.L_simem_size_0:
called_computation_lowered:
.L_overlay_start_0:
0x88: {  	s2 =	sld [smem:$0x3FD9]  }
0x89: {  	s3 =	sld [smem:$0x3FFE];
	_ =	sdelay $0x1  }
0x8a: {  	s1 =	srdreg.scid  }
0x8b: {  	s0 =	sand.u32 $0x1, s1  }
0x8c: {  	s17 =	sshll.u32 s0, $0xA;
	s2 =	sadd.s32 s3, s2  }
0x8d: {  	s2 =	sadd.s32 s2, s17  }
0x8e: {  	[smem:$0x3FBF] =	sst s2  }
0x8f: {  	_ = 	snop  }
0x90: {  	s2 =	sld [smem:$0x3FD0];
	(tm) =	ssettm $0x1  }
0x91: {  	s18 =	sld [smem:$0x3FFB];
	_ =	sdelay $0x3  }
0x92: {  	_ =	strace s18  }
0x93: {  	s3 =	sld [smem:$0x3FFC];
	_ =	sdelay $0x3  }
0x94: {  	_ =	strace s3  }
0x95: {  	s3 =	sld [smem:$0x3FFD];
	_ =	sdelay $0x3  }
0x96: {  	_ =	strace s3  }
0x97: {  	_ =	strace $0x8FFFFFFF  }
0x98: {  	s19 =	sld [smem:$0x3FDB];
	_ =	sdelay $0x1  }
0x99: {  	s4 =	simm.s32 $_scs_section_size  }
0x9a: {  	s5 =	simm.s32 $_size__tile_overlayer_lowered;
	s6 =	simm.s32 $_tile_overlayer_lowered  }
0x9b: {  	s22 =	simm.s32 $0x1BFF;
	s21 =	sshll.u32 s6, $0x1;
	s3 =	sadd.s32 s4, s19  }
0x9c: {  	s7 =	simm.s32 $0x0;
	s20 =	sshll.u32 s5, $0x1;
	s5 =	sadd.s32 s21, s3  }
0x9d: {  	[timem:s7], [sflag:s22] =	dma.local [hbm:s5], s20  }
0x9e: {  	_ =	swait.ge [sflag:s22], s20  }
0x9f: {  	s4 =	ssub.s32 $0x0, s20;
	[sflag:s22] =	ssyncset.done $0x0  }
0xa0: {  	[sflag:s22] =	ssyncadd.s32 s4;
	_ =	sdelay $0x1  }
0xa1: {  	s23 =	simm.s32 $0x1B8B  }
0xa2: {  	_ =	swait.ge [sflag:s23], $0x1  }
0xa3: {  	[sflag:s23] =	ssyncset.done $0x0  }
0xa4: {  	s25 =	simm.s32 $0x1B8E;
	s24 =	sld [smem:$0x3FFE];
	[sflag:s23] =	ssyncadd.s32 $0xFFFFFFFF  }
0xa5: {  	s26 =	simm.s32 $execute0_lowered;
	[smem:$0x3FD2] =	sst s25  }
0xa6: {  	s5 =	sshll.u32 s26, $0x1;
	_ =	strace $0x80000046;
	[dreg:$0x1] =	wrdreg $0xFFFFFFFF  }
0xa7: {  	s28 =	simm.s32 $_size_execute0_lowered;
	s3 =	sadd.s32 s3, s5;
	[dreg:$0x0] =	wrdreg $0x0  }
0xa8: {  	s5 =	sshll.u32 s28, $0x1;
	[dreg:$0x2] =	wrdreg s3  }
0xa9: {  	[dreg:$0x3] =	wrdreg s5  }
0xaa: {  	[dreg:$0x4] =	wrdreg $0xC0  }
0xab: {  	_ =	task [dreg:s7], $0x5FFFF  }
0xac: {  	[dreg:$0x1] =	wrdreg $0xFFFFFFFF  }
0xad: {  	[dreg:$0x0] =	wrdreg $0x60  }
0xae: {  	[dreg:$0x2] =	wrdreg s24  }
0xaf: {  	[dreg:$0x3] =	wrdreg s2  }
0xb0: {  	[dreg:$0x4] =	wrdreg $0x9  }
0xb1: {  	_ =	task.clear_ibuf [dreg:s7], $0x5FFFF;
	_ =	strace $0x90000046  }
0xb2: {  	s29 =	simm.s32 $0x9;
	_ =	strace $0x80000048  }
0xb3: {  	_ =	swait.ge [sflag:s29], $0x1  }
0xb4: {  	[sflag:s29] =	ssyncadd.s32 $0xFFFFFFFF  }
0xb5: {  	_ =	strace $0x90000048  }
0xb6: {  	_ =	sfence  }
0xb7: {  	s30 =	sld [smem:$0x0];
	_ =	sdelay $0x2  }
0xb8: {  	s31 =	sshll.u32 s1, $0xD;
	s1 =	sshrl.u32 s1, $0x2  }
0xb9: {  	s3 =	sand.u32 $0x4000, s31;
	s1 =	sadd.s32 s1, s30  }
0xba: {  	s0 =	sor.u32 s3, s0;
	s1 =	sshll.u32 s1, $0x11  }
0xbb: {  	s0 =	sor.u32 s1, s0  }
0xbc: {  	s0 =	sadd.s32 $0x8F2B, s0  }
0xbd: {  	[sflag:s0] =	ssyncadd.remote.s32 $0x1  }
0xbe: {  	_ =	sfence.sel $0xFFFF  }
0xbf: {  	[dreg:$0x0] =	wrdreg $0xFFFFFFFF;
	(pc) =	sbr.abs _section_cstart, $3  }
0xc0: {  	[dreg:$0x1] =	wrdreg $0xFFFFFFFF  }
0xc1: {  	_ =	task.clear_ibuf [dreg:s7], $0x2FFFF;
	_ =	strace $0x9FFFFFFF  }
0xc2: {  	(tm) =	ssettm $0x7FFFFFFF  }
0xc3: {  	_ =	shalt  }
tec
execute0_lowered:
.L_overlay_start_1:
0x0: {  	(tag) =	ssettag $0x1  }
0x1: {  	s0 =	rddreg [dreg:$0x0]  }
0x2: {  	s2 =	rddreg [dreg:$0x1];
	s3 =	simm.s32 $0x0;
	s12 =	stileid.u32  }
0x3: {  	s1 =	srdreg.scid;
	s30 =	simm.s32 $0x1C280;
	s31 =	simm.s32 $0x1CA80  }
0x4: {  	s28 =	simm.s32 $0x13C00;
	s29 =	simm.s32 $0x9E00;
	[smem:$0x7FF] =	sst s3  }
0x5: {  	s4 =	sshll.u32 s12, $0x1;
	s5 =	sadd.s32 $0xB600, s0;
	s1 =	sand.u32 $0x1, s1  }
0x6: {  	s7 =	sadd.s32 $0x10600, s0;
	s9 =	sshrl.u32 s12, $0x3;
	s11 =	sshll.u32 s12, $0x7  }
0x7: {  	_ =	strace $0x80000047;
	s6 =	sand.u32 $0x6, s4;
	s4 =	sadd.s32 $0x1800, s0  }
0x8: {  	s9 =	smul.u32 $0x13C00, s9;
	s23 =	sand.u32 $0x200, s11;
	s6 =	sor.u32 s1, s6  }
0x9: {  	s1 =	ssub.s32 $0x2, s1;
	s15 =	sor.u32 $0x100, s23;
	s16 =	sor.u32 $0x180, s23  }
0xa: {  	s8 =	sshll.u32 s6, $0x4;
	s10 =	sshrl.u32 s1, $0x1;
	s11 =	sor.u32 s9, s23  }
0xb: {  	s14 =	smul.u32 $0x9C40, s6;
	s25 =	sor.u32 s9, s15;
	s26 =	sor.u32 s9, s16  }
0xc: {  	s6 =	smul.u32 $0x27800, s6;
	s0 =	sadd.s32 s8, s0;
	s1 =	ssub.s32 s1, s10  }
0xd: {  	s10 =	sshrl.u32 s12, $0x2;
	s12 =	sor.u32 $0x80, s23;
	s11 =	sshrl.u32 s11, $0x3  }
0xe: {  	s13 =	sor.u32 s9, s12;
	s11 =	sadd.s32 s5, s11;
	s17 =	sshrl.u32 s14, $0x3  }
0xf: {  	s19 =	sadd.s32 s9, s6;
	p0 =	sne.s32 s10, $0x0;
	s9 =	simm.s32 $0x3  }
0x10: {  	s10 =	simm.s32 $0x4;
	[dreg:$0x3] =	wrdreg s11;
	s24 =	sshrl.u32 s13, $0x3  }
0x11: {  	s13 =	sshrl.u32 s26, $0x3;
	s18 =	sadd.s32 s4, s17;
	s20 =	sadd.s32 s2, s17  }
0x12: {  	s21 =	sadd.s32 $0xFA, s17;
	s8 =	sor.u32 s23, s19;
	[dreg:$0x7] =	wrdreg s18  }
0x13: {  	s11 =	sadd.s32 s5, s24;
	[dreg:$0x8] =	wrdreg s20;
	s22 =	sadd.s32 s4, s21  }
0x14: {  	s6 =	sadd.s32 s2, s21;
	s23 =	sshrl.u32 s8, $0x3;
	s24 =	sor.u32 s12, s19  }
0x15: {  	s20 =	smax.u32 s1, $0x1;
	s21 =	simm.s32 $0x80;
	[dreg:$0x4] =	wrdreg s11  }
0x16: {  	s1 =	simm.s32 $0x2;
	s11 =	sshrl.u32 s25, $0x3;
	[dreg:$0x9] =	wrdreg s22  }
0x17: {  	[dreg:$0xa] =	wrdreg s6;
	s6 =	sadd.s32 s7, s23;
	s25 =	sor.u32 s15, s19  }
0x18: {  	s22 =	simm.s32 $0x400;
	s23 =	simm.s32 $0x5;
	s11 =	sadd.s32 s5, s11  }
0x19: {  	s5 =	sadd.s32 s5, s13;
	s13 =	sadd.s32 $0xFA0, s14;
	s14 =	sadd.s32 $0x1770, s14  }
0x1a: {  	[dreg:$0xb] =	wrdreg s6;
	s6 =	sshrl.u32 s24, $0x3;
	s8 =	sshrl.u32 s25, $0x3  }
0x1b: {  	s24 =	simm.s32 $0x2780;
	s25 =	simm.s32 $0x4F00;
	[dreg:$0x5] =	wrdreg s11  }
0x1c: {  	[dreg:$0x6] =	wrdreg s5;
	s5 =	sor.u32 s16, s19;
	s6 =	sadd.s32 s7, s6  }
.Ltmp0:
0x1d: {  	s26 =	sadd.s32 s7, s8;
	s19 =	sadd.s32 $0x37E00, s0;
	(pc) =	sbr.rel .LBB2_1-.Ltmp0, $4  }
0x1e: {  	s0 =	simm.s32 $0x1;
	s8 =	simm.s32 $0x16380;
	[dreg:$0xc] =	wrdreg s6  }
0x1f: {  	s11 =	simm.s32 $0x0;
	s5 =	sshrl.u32 s5, $0x3;
	[dreg:$0xd] =	wrdreg s26  }
0x20: {  	s26 =	simm.s32 $0x7680;
	s6 =	simm.s32 $0xED00;
	s5 =	sadd.s32 s7, s5  }
0x21: {  	v0 =	vimm.s32 $0x0;
	v1 =	vlaneseq.u32;
	s7 =	simm.s32 $0x11480;
	[dreg:$0xe] =	wrdreg s5;
	s5 =	simm.s32 $0xC580  }
.LBB2_18:
0x22: {  	s12 =	rddreg [dreg:$0xb]  }
0x23: {  	[hbm4b:s12+s21] =	stream.strided.scatter [tilespmem:s29], [sflag:$0x5], $0x2780, s22, s21, $0x38;
	[tilespmem:$0x1D280] =	vst v63  }
0x24: {  	_ =	swait.ge [sflag:s23], $0x2780  }
0x25: {  	[sflag:s23] =	ssyncset.done $0x0  }
0x26: {  	s16 =	rddreg [dreg:$0xc];
	[sflag:s23] =	ssyncadd.s32 $0xFFFFD880  }
0x27: {  	[hbm4b:s16+s21] =	stream.strided.scatter [tilespmem:s5], [sflag:$0x5], $0x2780, s22, s21, $0x38;
	[tilespmem:$0x1D280] =	vst v63  }
0x28: {  	_ =	swait.ge [sflag:s23], $0x2780  }
0x29: {  	[sflag:s23] =	ssyncset.done $0x0  }
0x2a: {  	s17 =	rddreg [dreg:$0xd];
	[sflag:s23] =	ssyncadd.s32 $0xFFFFD880  }
0x2b: {  	[hbm4b:s17+s21] =	stream.strided.scatter [tilespmem:s6], [sflag:$0x5], $0x2780, s22, s21, $0x38;
	[tilespmem:$0x1D280] =	vst v63  }
0x2c: {  	_ =	swait.ge [sflag:s23], $0x2780  }
0x2d: {  	[sflag:s23] =	ssyncset.done $0x0  }
0x2e: {  	s18 =	rddreg [dreg:$0xe];
	[sflag:s23] =	ssyncadd.s32 $0xFFFFD880  }
0x2f: {  	[hbm4b:s18+s21] =	stream.strided.scatter [tilespmem:s7], [sflag:$0x5], $0x2780, s22, s21, $0x38;
	[tilespmem:$0x1D280] =	vst v63  }
0x30: {  	s15 =	simm.s32 @!p0 $0x400;
	_ =	swait.ge [sflag:s23], $0x2780  }
0x31: {  	s11 =	sadd.s32 $0x1, s11;
	s12 =	simm.s32 @!p0 $0x80;
	[sflag:s23] =	ssyncset.done $0x0  }
0x32: {  	p1 =	sne.s32 s11, s20;
	s16 =	simm.s32 @!p0 $0x18B00;
	[sflag:s23] =	ssyncadd.s32 $0xFFFFD880  }
0x33: {  	[hbm4b:s19+s12] =	stream.strided.scatter @!p0 [tilespmem:s16], [sflag:$0x5], $0x2780, s15, s12, $0x38;
	[tilespmem:$0x1D280] =	vst v63  }
.Ltmp1:
0x34: {  	_ = 	snop;
	(pc) =	sbr.rel @!p1 .LBB2_19-.Ltmp1, $4  }
0x35: {  	s12 =	simm.s32 @!p0 $0x5  }
0x36: {  	_ =	swait.ge @!p0 [sflag:s12], $0x2780  }
0x37: {  	[sflag:s12] =	ssyncset.done @!p0 $0x0  }
0x38: {  	[sflag:s12] =	ssyncadd.s32 @!p0 $0xFFFFD880  }
.LBB2_1:
0x39: {  	s12 =	rddreg [dreg:$0x3]  }
0x3a: {  	[tilespmem:s3], [sflag:$0x5] =	stream.strided.gather [hbm4b:s12+s21], $0x2780, s22, s21, $0x38;
	[tilespmem:$0x1D280] =	vst v63  }
0x3b: {  	_ =	swait.ge [sflag:s23], $0x2780  }
0x3c: {  	[sflag:s23] =	ssyncset.done $0x0  }
0x3d: {  	s16 =	rddreg [dreg:$0x4];
	[sflag:s23] =	ssyncadd.s32 $0xFFFFD880  }
0x3e: {  	[tilespmem:s24], [sflag:$0x5] =	stream.strided.gather [hbm4b:s16+s21], $0x2780, s22, s21, $0x38;
	[tilespmem:$0x1D280] =	vst v63  }
0x3f: {  	_ =	swait.ge [sflag:s23], $0x2780  }
0x40: {  	[sflag:s23] =	ssyncset.done $0x0  }
0x41: {  	s17 =	rddreg [dreg:$0x5];
	[sflag:s23] =	ssyncadd.s32 $0xFFFFD880  }
0x42: {  	[tilespmem:s25], [sflag:$0x5] =	stream.strided.gather [hbm4b:s17+s21], $0x2780, s22, s21, $0x38;
	[tilespmem:$0x1D280] =	vst v63  }
0x43: {  	_ =	swait.ge [sflag:s23], $0x2780  }
0x44: {  	[sflag:s23] =	ssyncset.done $0x0  }
0x45: {  	s18 =	rddreg [dreg:$0x6];
	[sflag:s23] =	ssyncadd.s32 $0xFFFFD880  }
0x46: {  	[tilespmem:s26], [sflag:$0x5] =	stream.strided.gather [hbm4b:s18+s21], $0x2780, s22, s21, $0x38;
	[tilespmem:$0x1D280] =	vst v63  }
0x47: {  	_ =	swait.ge [sflag:s23], $0x2780  }
0x48: {  	[sflag:s23] =	ssyncset.done $0x0  }
0x49: {  	s15 =	simm.s32 $0x40;
	s12 =	simm.s32 $0x0;
	[sflag:s23] =	ssyncadd.s32 $0xFFFFD880  }
.LBB2_2:
0x4a: {  	p1 =	sne.s32 s15, $0x9C00;
	[tilespmem:s12+$0x18B00] =	vst v0;
	s16 =	smov.u32 s15;
	s15 =	sadd.s32 $0x40, s15  }
.Ltmp2:
0x4b: {  	[tilespmem:s12+$0x11480] =	vst v0;
	(pc) =	sbr.rel @p1 .LBB2_2-.Ltmp2, $4  }
0x4c: {  	[tilespmem:s12+$0xED00] =	vst v0  }
0x4d: {  	[tilespmem:s12+$0x9E00] =	vst v0  }
0x4e: {  	[tilespmem:s12+$0xC580] =	vst v0  }
0x4f: {  	s12 =	sshra.s32 s16, $0x2  }
0x50: {  	[tilespmem:s12+$0x18B00] =	vst v0  }
0x51: {  	[tilespmem:s12+$0x11480] =	vst v0  }
0x52: {  	[tilespmem:s12+$0xED00] =	vst v0  }
0x53: {  	[tilespmem:s12+$0x9E00] =	vst v0  }
0x54: {  	[tilespmem:s12+$0xC580] =	vst v0;
	s12 =	simm.s32 $0x0;
	s15 =	rddreg [dreg:$0x7];
	s16 =	simm.s32 $0x1B280  }
0x55: {  	[tilespmem:s16], [sflag:$0x1] =	stream.linear.gather [hbm4b:s15+s12], $0x7D0, $0x38;
	[tilespmem:$0x1D280] =	vst v63  }
0x56: {  	s17 =	rddreg [dreg:$0x8];
	s18 =	simm.s32 $0x1BA80  }
0x57: {  	[tilespmem:s18], [sflag:$0x2] =	stream.linear.gather [hbm4b:s17+s12], $0x7D0, $0x38;
	[tilespmem:$0x1D280] =	vst v63  }
0x58: {  	s17 =	rddreg [dreg:$0x9]  }
0x59: {  	[tilespmem:s30], [sflag:$0x3] =	stream.linear.gather [hbm4b:s17+s12], $0x7D0, $0x38;
	[tilespmem:$0x1D280] =	vst v63  }
0x5a: {  	s18 =	rddreg [dreg:$0xa]  }
0x5b: {  	[tilespmem:s31], [sflag:$0x4] =	stream.linear.gather [hbm4b:s18+s12], $0x7D0, $0x38;
	[tilespmem:$0x1D280] =	vst v63  }
.LBB2_4:
0x5c: {  	_ =	swait.ge [sflag:s0], $0x7D0  }
.Ltmp3:
0x5d: {  	[sflag:s0] =	ssyncset.done $0x0;
	(pc) =	sbr.rel .LBB2_5-.Ltmp3, $4  }
0x5e: {  	[sflag:s0] =	ssyncadd.s32 $0xFFFFF830  }
0x5f: {  	_ =	swait.ge [sflag:s1], $0x7D0  }
0x60: {  	[sflag:s1] =	ssyncset.done $0x0  }
0x61: {  	s15 =	simm.s32 $0x0;
	[sflag:s1] =	ssyncadd.s32 $0xFFFFF830  }
.LBB2_9:
0x62: {  	s15 =	sadd.s32 $0x1, s15  }
0x63: {  	p1 =	sne.s32 s15, $0x7D  }
.Ltmp4:
0x64: {  	_ = 	snop;
	(pc) =	sbr.rel @!p1 .LBB2_10-.Ltmp4, $1  }
0x65: {  	_ =	sdelay $0x3  }
.LBB2_5:
0x66: {  	s16 =	sshll.u32 s15, $0x4  }
0x67: {  	v2 =	vld [tilespmem:s16+$0x1BA80];
	_ =	sdelay $0x2  }
0x68: {  	v3 =	vld [tilespmem:s16+$0x1B280];
	_ =	sdelay $0x3  }
0x69: {  	v4 =	vimm.s32 @!p0 $0x1;
	s16 =	simm.s32 @!p0 $0x18B00  }
0x6a: {  	[tilespmem:v2+s16+$0x0] =	vst.idx.add.s32.msk @!p0 $0xffff, v4  }
0x6b: {  	[tilespmem:v2+s28+$0x0] =	vst.idx.msk $0xffff, v1  }
0x6c: {  	v5 =	vld.idx.msk [tilespmem:v2+s28+$0x0], $0xffff  }
0x6d: {  	v6 =	vld.idx.msk [tilespmem:v3+s3+$0x0], $0xffff  }
0x6e: {  	v7 =	vld.idx.msk [tilespmem:v2+s29+$0x0], $0xffff;
	_ =	sdelay $0x2  }
0x6f: {  	vm1 =	vne.s32 v5, v1  }
0x70: {  	vm0 =	veq.s32 v5, v1;
	v5 =	vsel vm1, $0x1, v0  }
0x71: {  	v6 =	vmax.bf16 v6, v7;
	v7 =	vor.u32 $0x80000000, v5  }
0x72: {  	(xrf0) =	vmax.scan.msk.u32 $0xffff, v7;
	_ =	sdelay $0x3  }
0x73: {  	[tilespmem:v2+s29+$0x0] =	vst.idx.msk vm0, v6  }
0x74: {  	v6 =	vld.idx.msk [tilespmem:v3+s24+$0x0], $0xffff  }
0x75: {  	v7 =	vld.idx.msk [tilespmem:v2+s5+$0x0], $0xffff;
	v8, _, _ =	vpop (xrf0)  }
0x76: {  	(v2sf) =	vpush v8, $0xF;
	_ =	sdelay $0x3  }
0x77: {  	v6 =	vmax.bf16 v6, v7  }
0x78: {  	[tilespmem:v2+s5+$0x0] =	vst.idx.msk vm0, v6  }
0x79: {  	v6 =	vld.idx.msk [tilespmem:v3+s25+$0x0], $0xffff  }
0x7a: {  	v7 =	vld.idx.msk [tilespmem:v2+s6+$0x0], $0xffff;
	_ =	sdelay $0x4  }
0x7b: {  	v6 =	vmax.bf16 v6, v7  }
0x7c: {  	[tilespmem:v2+s6+$0x0] =	vst.idx.msk vm0, v6  }
0x7d: {  	v6 =	vld.idx.msk [tilespmem:v3+s26+$0x0], $0xffff  }
0x7e: {  	v7 =	vld.idx.msk [tilespmem:v2+s7+$0x0], $0xffff;
	s17 =	spop (v2sf)  }
0x7f: {  	p1 =	slt.u32 s17, $0x80000001  }
.Ltmp5:
0x80: {  	_ = 	snop;
	(pc) =	sbr.rel @p1 .LBB2_7-.Ltmp5, $3  }
0x81: {  	_ =	sdelay $0x1  }
0x82: {  	v6 =	vmax.bf16 v6, v7  }
0x83: {  	[tilespmem:v2+s7+$0x0] =	vst.idx.msk vm0, v6  }
.LBB2_6:
0x84: {  	vm0 =	vne.s32 v5, $0x0;
	_ =	sdelay $0x5  }
0x85: {  	[tilespmem:v2+s28+$0x0] =	vst.idx.msk vm0, v1  }
0x86: {  	v6 =	vld.idx.msk [tilespmem:v2+s28+$0x0], $0xffff;
	_ =	sdelay $0x3  }
0x87: {  	v7 =	vld.idx.msk [tilespmem:v2+s29+$0x0], $0xffff  }
0x88: {  	vm1 =	veq.s32 v6, v1;
	v6 =	vld.idx.msk [tilespmem:v3+s3+$0x0], $0xffff;
	_ =	sdelay $0x3  }
0x89: {  	vm0 =	vmand vm0, vm1;
	v5 =	vsel vm1, $0x0, v5  }
0x8a: {  	v6 =	vmax.bf16 v6, v7;
	v7 =	vor.u32 $0x80000000, v5  }
0x8b: {  	(xrf0) =	vmax.scan.msk.u32 $0xffff, v7;
	_ =	sdelay $0x3  }
0x8c: {  	[tilespmem:v2+s29+$0x0] =	vst.idx.msk vm0, v6  }
0x8d: {  	v6 =	vld.idx.msk [tilespmem:v3+s24+$0x0], $0xffff  }
0x8e: {  	v7 =	vld.idx.msk [tilespmem:v2+s5+$0x0], $0xffff;
	v8, _, _ =	vpop (xrf0)  }
0x8f: {  	(v2sf) =	vpush v8, $0xF;
	_ =	sdelay $0x3  }
0x90: {  	v6 =	vmax.bf16 v6, v7  }
0x91: {  	[tilespmem:v2+s5+$0x0] =	vst.idx.msk vm0, v6  }
0x92: {  	v6 =	vld.idx.msk [tilespmem:v3+s25+$0x0], $0xffff  }
0x93: {  	v7 =	vld.idx.msk [tilespmem:v2+s6+$0x0], $0xffff;
	_ =	sdelay $0x4  }
0x94: {  	v6 =	vmax.bf16 v6, v7  }
0x95: {  	[tilespmem:v2+s6+$0x0] =	vst.idx.msk vm0, v6  }
0x96: {  	v6 =	vld.idx.msk [tilespmem:v3+s26+$0x0], $0xffff  }
0x97: {  	v7 =	vld.idx.msk [tilespmem:v2+s7+$0x0], $0xffff;
	s17 =	spop (v2sf)  }
0x98: {  	p1 =	sgt.u32 s17, $0x80000000  }
.Ltmp6:
0x99: {  	_ = 	snop;
	(pc) =	sbr.rel @p1 .LBB2_6-.Ltmp6, $3  }
0x9a: {  	_ =	sdelay $0x1  }
0x9b: {  	v6 =	vmax.bf16 v6, v7  }
0x9c: {  	[tilespmem:v2+s7+$0x0] =	vst.idx.msk vm0, v6  }
.LBB2_7:
0x9d: {  	_ =	sdelay $0x3  }
0x9e: {  	[tilespmem:v3+s16+$0x0] =	vst.idx.add.s32.msk @!p0 $0xffff, v4  }
0x9f: {  	[tilespmem:v3+s8+$0x0] =	vst.idx.msk $0xffff, v1  }
0xa0: {  	v4 =	vld.idx.msk [tilespmem:v3+s8+$0x0], $0xffff  }
0xa1: {  	v5 =	vld.idx.msk [tilespmem:v2+s3+$0x0], $0xffff  }
0xa2: {  	v6 =	vld.idx.msk [tilespmem:v3+s29+$0x0], $0xffff;
	_ =	sdelay $0x2  }
0xa3: {  	vm1 =	vne.s32 v4, v1  }
0xa4: {  	vm0 =	veq.s32 v4, v1;
	v4 =	vsel vm1, $0x1, v0  }
0xa5: {  	v5 =	vmax.bf16 v5, v6;
	v6 =	vor.u32 $0x80000000, v4  }
0xa6: {  	(xrf0) =	vmax.scan.msk.u32 $0xffff, v6;
	_ =	sdelay $0x3  }
0xa7: {  	[tilespmem:v3+s29+$0x0] =	vst.idx.msk vm0, v5  }
0xa8: {  	v5 =	vld.idx.msk [tilespmem:v2+s24+$0x0], $0xffff  }
0xa9: {  	v6 =	vld.idx.msk [tilespmem:v3+s5+$0x0], $0xffff;
	v7, _, _ =	vpop (xrf0)  }
0xaa: {  	(v2sf) =	vpush v7, $0xF;
	_ =	sdelay $0x3  }
0xab: {  	v5 =	vmax.bf16 v5, v6  }
0xac: {  	[tilespmem:v3+s5+$0x0] =	vst.idx.msk vm0, v5  }
0xad: {  	v5 =	vld.idx.msk [tilespmem:v2+s25+$0x0], $0xffff  }
0xae: {  	v6 =	vld.idx.msk [tilespmem:v3+s6+$0x0], $0xffff;
	_ =	sdelay $0x4  }
0xaf: {  	v5 =	vmax.bf16 v5, v6  }
0xb0: {  	[tilespmem:v3+s6+$0x0] =	vst.idx.msk vm0, v5  }
0xb1: {  	v5 =	vld.idx.msk [tilespmem:v2+s26+$0x0], $0xffff  }
0xb2: {  	v6 =	vld.idx.msk [tilespmem:v3+s7+$0x0], $0xffff;
	s18 =	spop (v2sf)  }
0xb3: {  	p1 =	slt.u32 s18, $0x80000001  }
.Ltmp7:
0xb4: {  	_ = 	snop;
	(pc) =	sbr.rel @p1 .LBB2_9-.Ltmp7, $3  }
0xb5: {  	_ =	sdelay $0x1  }
0xb6: {  	v5 =	vmax.bf16 v5, v6  }
0xb7: {  	[tilespmem:v3+s7+$0x0] =	vst.idx.msk vm0, v5  }
.LBB2_8:
0xb8: {  	vm0 =	vne.s32 v4, $0x0;
	_ =	sdelay $0x5  }
0xb9: {  	[tilespmem:v3+s8+$0x0] =	vst.idx.msk vm0, v1  }
0xba: {  	v5 =	vld.idx.msk [tilespmem:v3+s8+$0x0], $0xffff;
	_ =	sdelay $0x3  }
0xbb: {  	v6 =	vld.idx.msk [tilespmem:v3+s29+$0x0], $0xffff  }
0xbc: {  	vm1 =	veq.s32 v5, v1;
	v5 =	vld.idx.msk [tilespmem:v2+s3+$0x0], $0xffff;
	_ =	sdelay $0x3  }
0xbd: {  	vm0 =	vmand vm0, vm1;
	v4 =	vsel vm1, $0x0, v4  }
0xbe: {  	v5 =	vmax.bf16 v5, v6;
	v6 =	vor.u32 $0x80000000, v4  }
0xbf: {  	(xrf0) =	vmax.scan.msk.u32 $0xffff, v6;
	_ =	sdelay $0x3  }
0xc0: {  	[tilespmem:v3+s29+$0x0] =	vst.idx.msk vm0, v5  }
0xc1: {  	v5 =	vld.idx.msk [tilespmem:v2+s24+$0x0], $0xffff  }
0xc2: {  	v6 =	vld.idx.msk [tilespmem:v3+s5+$0x0], $0xffff;
	v7, _, _ =	vpop (xrf0)  }
0xc3: {  	(v2sf) =	vpush v7, $0xF;
	_ =	sdelay $0x3  }
0xc4: {  	v5 =	vmax.bf16 v5, v6  }
0xc5: {  	[tilespmem:v3+s5+$0x0] =	vst.idx.msk vm0, v5  }
0xc6: {  	v5 =	vld.idx.msk [tilespmem:v2+s25+$0x0], $0xffff  }
0xc7: {  	v6 =	vld.idx.msk [tilespmem:v3+s6+$0x0], $0xffff;
	_ =	sdelay $0x4  }
0xc8: {  	v5 =	vmax.bf16 v5, v6  }
0xc9: {  	[tilespmem:v3+s6+$0x0] =	vst.idx.msk vm0, v5  }
0xca: {  	v5 =	vld.idx.msk [tilespmem:v2+s26+$0x0], $0xffff  }
0xcb: {  	v6 =	vld.idx.msk [tilespmem:v3+s7+$0x0], $0xffff;
	s16 =	spop (v2sf)  }
0xcc: {  	p1 =	sgt.u32 s16, $0x80000000  }
.Ltmp8:
0xcd: {  	_ = 	snop;
	(pc) =	sbr.rel @p1 .LBB2_8-.Ltmp8, $3  }
0xce: {  	_ =	sdelay $0x1  }
0xcf: {  	v5 =	vmax.bf16 v5, v6  }
0xd0: {  	[tilespmem:v3+s7+$0x0] =	vst.idx.msk vm0, v5  }
.Ltmp9:
0xd1: {  	_ = 	snop;
	(pc) =	sbr.rel .LBB2_9-.Ltmp9, $1  }
0xd2: {  	_ =	sdelay $0x3  }
.LBB2_10:
0xd3: {  	p1 =	seq.s32 s12, $0x9  }
0xd4: {  	s15 =	smul.u32 @!p1 $0xFA0, s12;
	_ =	sdelay $0x1  }
0xd5: {  	s15 =	sadd.s32 @!p1 s15, s13  }
0xd6: {  	s15 =	sshrl.u32 @!p1 s15, $0x3  }
0xd7: {  	s17 =	simm.s32 @!p1 $0x0;
	s18 =	simm.s32 @!p1 $0x1B280;
	s16 =	sadd.s32 @!p1 s4, s15  }
0xd8: {  	[tilespmem:s18], [sflag:$0x1] =	stream.linear.gather @!p1 [hbm4b:s16+s17], $0x7D0, $0x38;
	[tilespmem:$0x1D280] =	vst v63  }
0xd9: {  	s15 =	sadd.s32 @!p1 s2, s15;
	s16 =	simm.s32 @!p1 $0x1BA80  }
0xda: {  	[tilespmem:s16], [sflag:$0x2] =	stream.linear.gather @!p1 [hbm4b:s15+s17], $0x7D0, $0x38;
	[tilespmem:$0x1D280] =	vst v63  }
0xdb: {  	_ =	swait.ge [sflag:s9], $0x7D0  }
.Ltmp10:
0xdc: {  	[sflag:s9] =	ssyncset.done $0x0;
	(pc) =	sbr.rel .LBB2_11-.Ltmp10, $4  }
0xdd: {  	[sflag:s9] =	ssyncadd.s32 $0xFFFFF830  }
0xde: {  	_ =	swait.ge [sflag:s10], $0x7D0  }
0xdf: {  	[sflag:s10] =	ssyncset.done $0x0  }
0xe0: {  	s15 =	simm.s32 $0x0;
	[sflag:s10] =	ssyncadd.s32 $0xFFFFF830  }
.LBB2_15:
0xe1: {  	s15 =	sadd.s32 $0x1, s15  }
0xe2: {  	p2 =	sne.s32 s15, $0x7D  }
.Ltmp11:
0xe3: {  	_ = 	snop;
	(pc) =	sbr.rel @!p2 .LBB2_16-.Ltmp11, $1  }
0xe4: {  	_ =	sdelay $0x3  }
.LBB2_11:
0xe5: {  	s16 =	sshll.u32 s15, $0x4  }
0xe6: {  	v2 =	vld [tilespmem:s16+$0x1CA80];
	_ =	sdelay $0x2  }
0xe7: {  	v3 =	vld [tilespmem:s16+$0x1C280];
	_ =	sdelay $0x3  }
0xe8: {  	v4 =	vimm.s32 @!p0 $0x1;
	s16 =	simm.s32 @!p0 $0x18B00  }
0xe9: {  	[tilespmem:v2+s16+$0x0] =	vst.idx.add.s32.msk @!p0 $0xffff, v4  }
0xea: {  	[tilespmem:v2+s28+$0x0] =	vst.idx.msk $0xffff, v1  }
0xeb: {  	v5 =	vld.idx.msk [tilespmem:v2+s28+$0x0], $0xffff  }
0xec: {  	v6 =	vld.idx.msk [tilespmem:v3+s3+$0x0], $0xffff  }
0xed: {  	v7 =	vld.idx.msk [tilespmem:v2+s29+$0x0], $0xffff;
	_ =	sdelay $0x2  }
0xee: {  	vm1 =	vne.s32 v5, v1  }
0xef: {  	vm0 =	veq.s32 v5, v1;
	v5 =	vsel vm1, $0x1, v0  }
0xf0: {  	v6 =	vmax.bf16 v6, v7;
	v7 =	vor.u32 $0x80000000, v5  }
0xf1: {  	(xrf0) =	vmax.scan.msk.u32 $0xffff, v7;
	_ =	sdelay $0x3  }
0xf2: {  	[tilespmem:v2+s29+$0x0] =	vst.idx.msk vm0, v6  }
0xf3: {  	v6 =	vld.idx.msk [tilespmem:v3+s24+$0x0], $0xffff  }
0xf4: {  	v7 =	vld.idx.msk [tilespmem:v2+s5+$0x0], $0xffff;
	v8, _, _ =	vpop (xrf0)  }
0xf5: {  	(v2sf) =	vpush v8, $0xF;
	_ =	sdelay $0x3  }
0xf6: {  	v6 =	vmax.bf16 v6, v7  }
0xf7: {  	[tilespmem:v2+s5+$0x0] =	vst.idx.msk vm0, v6  }
0xf8: {  	v6 =	vld.idx.msk [tilespmem:v3+s25+$0x0], $0xffff  }
0xf9: {  	v7 =	vld.idx.msk [tilespmem:v2+s6+$0x0], $0xffff;
	_ =	sdelay $0x4  }
0xfa: {  	v6 =	vmax.bf16 v6, v7  }
0xfb: {  	[tilespmem:v2+s6+$0x0] =	vst.idx.msk vm0, v6  }
0xfc: {  	v6 =	vld.idx.msk [tilespmem:v3+s26+$0x0], $0xffff  }
0xfd: {  	v7 =	vld.idx.msk [tilespmem:v2+s7+$0x0], $0xffff;
	s17 =	spop (v2sf)  }
0xfe: {  	p2 =	slt.u32 s17, $0x80000001  }
.Ltmp12:
0xff: {  	_ = 	snop;
	(pc) =	sbr.rel @p2 .LBB2_13-.Ltmp12, $3  }
0x100: {  	_ =	sdelay $0x1  }
0x101: {  	v6 =	vmax.bf16 v6, v7  }
0x102: {  	[tilespmem:v2+s7+$0x0] =	vst.idx.msk vm0, v6  }
.LBB2_12:
0x103: {  	vm0 =	vne.s32 v5, $0x0;
	_ =	sdelay $0x5  }
0x104: {  	[tilespmem:v2+s28+$0x0] =	vst.idx.msk vm0, v1  }
0x105: {  	v6 =	vld.idx.msk [tilespmem:v2+s28+$0x0], $0xffff;
	_ =	sdelay $0x3  }
0x106: {  	v7 =	vld.idx.msk [tilespmem:v2+s29+$0x0], $0xffff  }
0x107: {  	vm1 =	veq.s32 v6, v1;
	v6 =	vld.idx.msk [tilespmem:v3+s3+$0x0], $0xffff;
	_ =	sdelay $0x3  }
0x108: {  	vm0 =	vmand vm0, vm1;
	v5 =	vsel vm1, $0x0, v5  }
0x109: {  	v6 =	vmax.bf16 v6, v7;
	v7 =	vor.u32 $0x80000000, v5  }
0x10a: {  	(xrf0) =	vmax.scan.msk.u32 $0xffff, v7;
	_ =	sdelay $0x3  }
0x10b: {  	[tilespmem:v2+s29+$0x0] =	vst.idx.msk vm0, v6  }
0x10c: {  	v6 =	vld.idx.msk [tilespmem:v3+s24+$0x0], $0xffff  }
0x10d: {  	v7 =	vld.idx.msk [tilespmem:v2+s5+$0x0], $0xffff;
	v8, _, _ =	vpop (xrf0)  }
0x10e: {  	(v2sf) =	vpush v8, $0xF;
	_ =	sdelay $0x3  }
0x10f: {  	v6 =	vmax.bf16 v6, v7  }
0x110: {  	[tilespmem:v2+s5+$0x0] =	vst.idx.msk vm0, v6  }
0x111: {  	v6 =	vld.idx.msk [tilespmem:v3+s25+$0x0], $0xffff  }
0x112: {  	v7 =	vld.idx.msk [tilespmem:v2+s6+$0x0], $0xffff;
	_ =	sdelay $0x4  }
0x113: {  	v6 =	vmax.bf16 v6, v7  }
0x114: {  	[tilespmem:v2+s6+$0x0] =	vst.idx.msk vm0, v6  }
0x115: {  	v6 =	vld.idx.msk [tilespmem:v3+s26+$0x0], $0xffff  }
0x116: {  	v7 =	vld.idx.msk [tilespmem:v2+s7+$0x0], $0xffff;
	s17 =	spop (v2sf)  }
0x117: {  	p2 =	sgt.u32 s17, $0x80000000  }
.Ltmp13:
0x118: {  	_ = 	snop;
	(pc) =	sbr.rel @p2 .LBB2_12-.Ltmp13, $3  }
0x119: {  	_ =	sdelay $0x1  }
0x11a: {  	v6 =	vmax.bf16 v6, v7  }
0x11b: {  	[tilespmem:v2+s7+$0x0] =	vst.idx.msk vm0, v6  }
.LBB2_13:
0x11c: {  	_ =	sdelay $0x3  }
0x11d: {  	[tilespmem:v3+s16+$0x0] =	vst.idx.add.s32.msk @!p0 $0xffff, v4  }
0x11e: {  	[tilespmem:v3+s8+$0x0] =	vst.idx.msk $0xffff, v1  }
0x11f: {  	v4 =	vld.idx.msk [tilespmem:v3+s8+$0x0], $0xffff  }
0x120: {  	v5 =	vld.idx.msk [tilespmem:v2+s3+$0x0], $0xffff  }
0x121: {  	v6 =	vld.idx.msk [tilespmem:v3+s29+$0x0], $0xffff;
	_ =	sdelay $0x2  }
0x122: {  	vm1 =	vne.s32 v4, v1  }
0x123: {  	vm0 =	veq.s32 v4, v1;
	v4 =	vsel vm1, $0x1, v0  }
0x124: {  	v5 =	vmax.bf16 v5, v6;
	v6 =	vor.u32 $0x80000000, v4  }
0x125: {  	(xrf0) =	vmax.scan.msk.u32 $0xffff, v6;
	_ =	sdelay $0x3  }
0x126: {  	[tilespmem:v3+s29+$0x0] =	vst.idx.msk vm0, v5  }
0x127: {  	v5 =	vld.idx.msk [tilespmem:v2+s24+$0x0], $0xffff  }
0x128: {  	v6 =	vld.idx.msk [tilespmem:v3+s5+$0x0], $0xffff;
	v7, _, _ =	vpop (xrf0)  }
0x129: {  	(v2sf) =	vpush v7, $0xF;
	_ =	sdelay $0x3  }
0x12a: {  	v5 =	vmax.bf16 v5, v6  }
0x12b: {  	[tilespmem:v3+s5+$0x0] =	vst.idx.msk vm0, v5  }
0x12c: {  	v5 =	vld.idx.msk [tilespmem:v2+s25+$0x0], $0xffff  }
0x12d: {  	v6 =	vld.idx.msk [tilespmem:v3+s6+$0x0], $0xffff;
	_ =	sdelay $0x4  }
0x12e: {  	v5 =	vmax.bf16 v5, v6  }
0x12f: {  	[tilespmem:v3+s6+$0x0] =	vst.idx.msk vm0, v5  }
0x130: {  	v5 =	vld.idx.msk [tilespmem:v2+s26+$0x0], $0xffff  }
0x131: {  	v6 =	vld.idx.msk [tilespmem:v3+s7+$0x0], $0xffff;
	s18 =	spop (v2sf)  }
0x132: {  	p2 =	slt.u32 s18, $0x80000001  }
.Ltmp14:
0x133: {  	_ = 	snop;
	(pc) =	sbr.rel @p2 .LBB2_15-.Ltmp14, $3  }
0x134: {  	_ =	sdelay $0x1  }
0x135: {  	v5 =	vmax.bf16 v5, v6  }
0x136: {  	[tilespmem:v3+s7+$0x0] =	vst.idx.msk vm0, v5  }
.LBB2_14:
0x137: {  	vm0 =	vne.s32 v4, $0x0;
	_ =	sdelay $0x5  }
0x138: {  	[tilespmem:v3+s8+$0x0] =	vst.idx.msk vm0, v1  }
0x139: {  	v5 =	vld.idx.msk [tilespmem:v3+s8+$0x0], $0xffff;
	_ =	sdelay $0x3  }
0x13a: {  	v6 =	vld.idx.msk [tilespmem:v3+s29+$0x0], $0xffff  }
0x13b: {  	vm1 =	veq.s32 v5, v1;
	v5 =	vld.idx.msk [tilespmem:v2+s3+$0x0], $0xffff;
	_ =	sdelay $0x3  }
0x13c: {  	vm0 =	vmand vm0, vm1;
	v4 =	vsel vm1, $0x0, v4  }
0x13d: {  	v5 =	vmax.bf16 v5, v6;
	v6 =	vor.u32 $0x80000000, v4  }
0x13e: {  	(xrf0) =	vmax.scan.msk.u32 $0xffff, v6;
	_ =	sdelay $0x3  }
0x13f: {  	[tilespmem:v3+s29+$0x0] =	vst.idx.msk vm0, v5  }
0x140: {  	v5 =	vld.idx.msk [tilespmem:v2+s24+$0x0], $0xffff  }
0x141: {  	v6 =	vld.idx.msk [tilespmem:v3+s5+$0x0], $0xffff;
	v7, _, _ =	vpop (xrf0)  }
0x142: {  	(v2sf) =	vpush v7, $0xF;
	_ =	sdelay $0x3  }
0x143: {  	v5 =	vmax.bf16 v5, v6  }
0x144: {  	[tilespmem:v3+s5+$0x0] =	vst.idx.msk vm0, v5  }
0x145: {  	v5 =	vld.idx.msk [tilespmem:v2+s25+$0x0], $0xffff  }
0x146: {  	v6 =	vld.idx.msk [tilespmem:v3+s6+$0x0], $0xffff;
	_ =	sdelay $0x4  }
0x147: {  	v5 =	vmax.bf16 v5, v6  }
0x148: {  	[tilespmem:v3+s6+$0x0] =	vst.idx.msk vm0, v5  }
0x149: {  	v5 =	vld.idx.msk [tilespmem:v2+s26+$0x0], $0xffff  }
0x14a: {  	v6 =	vld.idx.msk [tilespmem:v3+s7+$0x0], $0xffff;
	s16 =	spop (v2sf)  }
0x14b: {  	p2 =	sgt.u32 s16, $0x80000000  }
.Ltmp15:
0x14c: {  	_ = 	snop;
	(pc) =	sbr.rel @p2 .LBB2_14-.Ltmp15, $3  }
0x14d: {  	_ =	sdelay $0x1  }
0x14e: {  	v5 =	vmax.bf16 v5, v6  }
0x14f: {  	[tilespmem:v3+s7+$0x0] =	vst.idx.msk vm0, v5  }
.Ltmp16:
0x150: {  	_ = 	snop;
	(pc) =	sbr.rel .LBB2_15-.Ltmp16, $1  }
0x151: {  	_ =	sdelay $0x3  }
.LBB2_16:
.Ltmp17:
0x152: {  	(pc) =	sbr.rel @p1 .LBB2_18-.Ltmp17, $1  }
0x153: {  	_ =	sdelay $0x3  }
0x154: {  	s15 =	smul.u32 $0xFA0, s12;
	_ =	sdelay $0x1  }
0x155: {  	s15 =	sadd.s32 s15, s14  }
.Ltmp18:
0x156: {  	s15 =	sshrl.u32 s15, $0x3;
	(pc) =	sbr.rel .LBB2_4-.Ltmp18, $4  }
0x157: {  	s16 =	sadd.s32 s4, s15  }
0x158: {  	[tilespmem:s30], [sflag:$0x3] =	stream.linear.gather [hbm4b:s16+s3], $0x7D0, $0x38;
	[tilespmem:$0x1D280] =	vst v63  }
0x159: {  	s12 =	sadd.s32 $0x1, s12;
	s15 =	sadd.s32 s2, s15  }
0x15a: {  	[tilespmem:s31], [sflag:$0x4] =	stream.linear.gather [hbm4b:s15+s3], $0x7D0, $0x38;
	[tilespmem:$0x1D280] =	vst v63  }
.LBB2_19:
0x15b: {  	_ =	sfence.sel $0x180000  }
0x15c: {  	[bflag:$0x0] =	sbarrier.arrive $0xFFFF  }
0x15d: {  	_ =	strace $0x90000047  }
0x15e: {  	s0 =	stileid.u32;
	[bflag:$0x2] =	sbarrier.arrive $0xFFFF  }
0x15f: {  	p0 =	sne.s32 s0, $0x0;
	s0 =	rddreg [dreg:$0x2]  }
0x160: {  	s0 =	sadd.s32 @!p0 $0x100000, s0  }
0x161: {  	[sflag:s0] =	ssyncadd.tile.s32 @!p0 $0x1;
	_ =	shalt  }
.Lfunc_end2:
_tile_overlayer_lowered:
.L_overlay_start_2:
0x162: {  	(tag) =	ssettag $0x2  }
0x163: {  	s0 =	rddreg [dreg:$0x0];
	s2 =	stileid.u32  }
0x164: {  	s1 =	rddreg [dreg:$0x1];
	p0 =	sne.s32 s2, $0x0  }
0x165: {  	s3 =	rddreg [dreg:$0x2];
	[bflag:$0x3] =	sbarrier.arrive $0xFFFF;
	s2 =	simm.s32 @!p0 $0x1C05  }
0x166: {  	[timem:s3], [sflag:s2] =	dma.local @!p0 [hbm:s0], s1  }
0x167: {  	s0 =	simm.s32 @!p0 $0x5  }
0x168: {  	_ =	swait.ge @!p0 [sflag:s0], s1  }
0x169: {  	s1 =	ssub.s32 @!p0 $0x0, s1;
	[sflag:s0] =	ssyncset.done @!p0 $0x0  }
0x16a: {  	[sflag:s0] =	ssyncadd.s32 @!p0 s1  }
0x16b: {  	[bflag:$0x3] =	sbarrier.arrive $0xFFFF  }
0x16c: {  	_ =	shalt  }

</sc_bundles>
